<compile_context>
chip_gen: v7x
topology: tpu7x:2x2x1
jax: 0.10.2.dev20260603
libtpu: 0.0.44.dev20260713+nightly
codegen_flags: <defaults>
</compile_context>

<pallas_src>
import functools
import math

import jax
import jax.numpy as jnp
from jax import lax
from jax.experimental import pallas as pl
from jax.experimental.pallas import tpu as pltpu
from jax.experimental.pallas import tpu_sc as plsc

D_MODEL = 64
SCALE = math.sqrt(D_MODEL)

_info = plsc.get_sparse_core_info()
NC, NS, L = _info.num_cores, _info.num_subcores, _info.num_lanes
NW = NC * NS


def _make_kernel(B, D, C, NBUF):
    per_w = B // NW
    nchunks = per_w // C
    ngroups = nchunks // NBUF
    assert per_w % C == 0 and nchunks % NBUF == 0
    mesh = plsc.VectorSubcoreMesh(core_axis_name="c", subcore_axis_name="s")

    @functools.partial(
        pl.kernel,
        mesh=mesh,
        out_type=jax.ShapeDtypeStruct((B, 2 * D), jnp.float32),
        scratch_types=[
            pltpu.VMEM((NBUF, C), jnp.int32),
            pltpu.VMEM((NBUF, C, D), jnp.float32),
        ]
        + [pltpu.SemaphoreType.DMA] * (2 * NBUF),
        compiler_params=pltpu.CompilerParams(use_tc_tiling_on_sc=False),
    )
    def k(idx_hbm, lut_hbm, out_hbm, idx_v, rows_v, *sems):
        gsem, osem = sems[:NBUF], sems[NBUF:]
        wid = lax.axis_index("s") * NC + lax.axis_index("c")
        base = wid * per_w

        def out_slice(g):
            return out_hbm.at[pl.ds(base + g * C, C), pl.ds(0, D)]

        def load_idx(b, row0):
            pltpu.sync_copy(idx_hbm.at[pl.ds(row0, C)], idx_v.at[b])

        for b in range(NBUF):
            load_idx(b, base + b * C)
            pltpu.async_copy(lut_hbm.at[idx_v.at[b]], rows_v.at[b], gsem[b])

        def group(gi, carry):
            for b in range(NBUF):
                g = gi * NBUF + b
                row0 = base + g * C
                pltpu.make_async_copy(
                    lut_hbm.at[idx_v.at[b]], rows_v.at[b], gsem[b]
                ).wait()
                pltpu.async_copy(rows_v.at[b], out_slice(g), osem[b])
                load_idx(b, row0 + NBUF * C)
                pltpu.make_async_copy(
                    rows_v.at[b], out_slice(g), osem[b]
                ).wait()
                pltpu.async_copy(lut_hbm.at[idx_v.at[b]], rows_v.at[b], gsem[b])
            return carry

        lax.fori_loop(0, ngroups - 1, group, 0)

        for b in range(NBUF):
            g = (ngroups - 1) * NBUF + b
            pltpu.make_async_copy(
                lut_hbm.at[idx_v.at[b]], rows_v.at[b], gsem[b]
            ).wait()
            pltpu.async_copy(rows_v.at[b], out_slice(g), osem[b])
        for b in range(NBUF):
            g = (ngroups - 1) * NBUF + b
            pltpu.make_async_copy(rows_v.at[b], out_slice(g), osem[b]).wait()

    return k


def kernel(x, lut):
    B = x.shape[0] * x.shape[1]
    flat_idx2 = x.reshape(B) * 2
    lut_p = (jnp.pad(lut, ((0, 0), (0, 128 - D_MODEL))) * SCALE).reshape(-1, D_MODEL)
    out128 = _make_kernel(B, D_MODEL, 200, 8)(flat_idx2, lut_p)
    return out128[:, :D_MODEL].reshape(x.shape[0], x.shape[1], D_MODEL)

# --- scband reference (transcript-rebuilt; emitter-appended) ---
"""Pipeline reference for scband-embeddings-14164802142857 (READ-ONLY COPY).

The authoritative reference and input builder live on the scoring server;
editing this copy changes nothing except your own understanding.
"""

import jax, jax.numpy as jnp
import numpy as np
import math

D_MODEL = 64
VOCAB = 1000000

def setup_inputs(seed: int = 0) -> dict:
    key = jax.random.key(seed)
    k1, k2 = jax.random.split(key)
    x = jax.random.randint(k1, (4096, 200), 0, VOCAB, dtype=jnp.int32)
    lut = jax.random.normal(k2, (VOCAB, D_MODEL), dtype=jnp.float32) * 0.02
    return {"x": x, "lut": lut}

def reference(x, lut):
    # Embeddings.forward: self.lut(x) * math.sqrt(self.d_model)
    emb = jnp.take(lut, x, axis=0)
    return emb * math.sqrt(D_MODEL)

if __name__ == "__main__":
    import jax
    _d = setup_inputs()
    print(jax.jit(kernel)(*tuple(_d.values())))

</pallas_src>

<mosaic_0001>
#map = affine_map<(d0, d1) -> (0)>
#map1 = affine_map<(d0, d1) -> (0, 0)>
module attributes {stable_mosaic.version = 14 : i64} {
  func.func @k(%arg0: i32, %arg1: i32, %arg2: memref<819200xi32, #tpu.memory_space<hbm>>, %arg3: memref<2000000x64xf32, #tpu.memory_space<hbm>>, %arg4: memref<819200x128xf32, #tpu.memory_space<hbm>>, %arg5: memref<8x200xi32, #tpu.memory_space<vmem>>, %arg6: memref<8x200x64xf32, #tpu.memory_space<vmem>>, %arg7: memref<!tpu.dma_semaphore, #tpu.memory_space<semaphore_mem>>, %arg8: memref<!tpu.dma_semaphore, #tpu.memory_space<semaphore_mem>>, %arg9: memref<!tpu.dma_semaphore, #tpu.memory_space<semaphore_mem>>, %arg10: memref<!tpu.dma_semaphore, #tpu.memory_space<semaphore_mem>>, %arg11: memref<!tpu.dma_semaphore, #tpu.memory_space<semaphore_mem>>, %arg12: memref<!tpu.dma_semaphore, #tpu.memory_space<semaphore_mem>>, %arg13: memref<!tpu.dma_semaphore, #tpu.memory_space<semaphore_mem>>, %arg14: memref<!tpu.dma_semaphore, #tpu.memory_space<semaphore_mem>>, %arg15: memref<!tpu.dma_semaphore, #tpu.memory_space<semaphore_mem>>, %arg16: memref<!tpu.dma_semaphore, #tpu.memory_space<semaphore_mem>>, %arg17: memref<!tpu.dma_semaphore, #tpu.memory_space<semaphore_mem>>, %arg18: memref<!tpu.dma_semaphore, #tpu.memory_space<semaphore_mem>>, %arg19: memref<!tpu.dma_semaphore, #tpu.memory_space<semaphore_mem>>, %arg20: memref<!tpu.dma_semaphore, #tpu.memory_space<semaphore_mem>>, %arg21: memref<!tpu.dma_semaphore, #tpu.memory_space<semaphore_mem>>, %arg22: memref<!tpu.dma_semaphore, #tpu.memory_space<semaphore_mem>>) attributes {dimension_semantics = [#tpu.dimension_semantics<core_parallel>, #tpu.dimension_semantics<subcore_parallel>], iteration_bounds = array<i64: 2, 16>, scalar_prefetch = 0 : i64, scratch_operands = 18 : i64, tpu.core_type = #tpu.core_type<sc_vector_subcore>, window_params = [{transform_indices = #map}, {transform_indices = #map1}, {transform_indices = #map1}]} {
    %mul3A = arith.constant 2 : i32
    %mul3A_0 = arith.muli %arg1, %mul3A : i32
    %add3A = arith.addi %mul3A_0, %arg0 : i32
    %mul3A_1 = arith.constant 25600 : i32
    %mul3A_2 = arith.muli %add3A, %mul3A_1 : i32
    %add3A_3 = arith.constant 0 : i32
    %add3A_4 = arith.addi %mul3A_2, %add3A_3 : i32
    %run_scoped3A = arith.constant 0 : i32
    "tpu.region"() ({
      %run_scoped3A_461 = tpu.sem_alloc : memref<!tpu.dma_semaphore, #tpu.memory_space<semaphore_mem>>
      %dma_start3A_462 = arith.constant 0 : i32
      %dma_start3A_463 = tpu.memref_slice %arg5[%run_scoped3A, %dma_start3A_462] : memref<8x200xi32, #tpu.memory_space<vmem>> -> memref<1x200xi32, #tpu.memory_space<vmem>>
      %dma_start3A_464 = tpu.memref_squeeze %dma_start3A_463 : memref<1x200xi32, #tpu.memory_space<vmem>> -> memref<200xi32, #tpu.memory_space<vmem>>
      %dma_start3A_465 = tpu.memref_slice %arg2[%add3A_4] : memref<819200xi32, #tpu.memory_space<hbm>> -> memref<200xi32, #tpu.memory_space<hbm>>
      %dma_start3A_466 = arith.constant 0 : i32
      %dma_start3A_467 = tpu.memref_slice %arg5[%run_scoped3A, %dma_start3A_466] : memref<8x200xi32, #tpu.memory_space<vmem>> -> memref<1x200xi32, #tpu.memory_space<vmem>>
      %dma_start3A_468 = tpu.memref_squeeze %dma_start3A_467 : memref<1x200xi32, #tpu.memory_space<vmem>> -> memref<200xi32, #tpu.memory_space<vmem>>
      %dma_start3A_469 = tpu.memref_slice %arg2[%add3A_4] : memref<819200xi32, #tpu.memory_space<hbm>> -> memref<200xi32, #tpu.memory_space<hbm>>
      tpu.enqueue_dma source(%dma_start3A_469 : memref<200xi32, #tpu.memory_space<hbm>>) target(%dma_start3A_468 : memref<200xi32, #tpu.memory_space<vmem>>) target_semaphore(%run_scoped3A_461 : memref<!tpu.dma_semaphore, #tpu.memory_space<semaphore_mem>>)
      %dma_wait3A_470 = arith.constant 0 : i32
      %dma_wait3A_471 = tpu.memref_slice %arg5[%run_scoped3A, %dma_wait3A_470] : memref<8x200xi32, #tpu.memory_space<vmem>> -> memref<1x200xi32, #tpu.memory_space<vmem>>
      %dma_wait3A_472 = tpu.memref_squeeze %dma_wait3A_471 : memref<1x200xi32, #tpu.memory_space<vmem>> -> memref<200xi32, #tpu.memory_space<vmem>>
      %dma_wait3A_473 = tpu.memref_slice %arg2[%add3A_4] : memref<819200xi32, #tpu.memory_space<hbm>> -> memref<200xi32, #tpu.memory_space<hbm>>
      %dma_wait3A_474 = arith.constant 0 : i32
      %dma_wait3A_475 = tpu.memref_slice %arg5[%run_scoped3A, %dma_wait3A_474] : memref<8x200xi32, #tpu.memory_space<vmem>> -> memref<1x200xi32, #tpu.memory_space<vmem>>
      %dma_wait3A_476 = tpu.memref_squeeze %dma_wait3A_475 : memref<1x200xi32, #tpu.memory_space<vmem>> -> memref<200xi32, #tpu.memory_space<vmem>>
      %dma_wait3A_477 = tpu.memref_slice %arg2[%add3A_4] : memref<819200xi32, #tpu.memory_space<hbm>> -> memref<200xi32, #tpu.memory_space<hbm>>
      tpu.wait_dma2 semaphore(%run_scoped3A_461 : memref<!tpu.dma_semaphore, #tpu.memory_space<semaphore_mem>>) src(%dma_wait3A_477 : memref<200xi32, #tpu.memory_space<hbm>>) dst(%dma_wait3A_476 : memref<200xi32, #tpu.memory_space<vmem>>)
      tpu.yield
    }) : () -> ()
    %dma_start3A = arith.constant 0 : i32
    %dma_start3A_5 = arith.constant 0 : i32
    %dma_start3A_6 = arith.constant 0 : i32
    %dma_start3A_7 = arith.constant 0 : i32
    %dma_start3A_8 = tpu.memref_slice %arg6[%dma_start3A_5, %dma_start3A_6, %dma_start3A_7] : memref<8x200x64xf32, #tpu.memory_space<vmem>> -> memref<1x200x64xf32, #tpu.memory_space<vmem>>
    %dma_start3A_9 = tpu.memref_squeeze %dma_start3A_8 : memref<1x200x64xf32, #tpu.memory_space<vmem>> -> memref<200x64xf32, #tpu.memory_space<vmem>>
    %dma_start3A_10 = arith.constant 0 : i32
    %dma_start3A_11 = tpu.memref_slice %arg5[%dma_start3A, %dma_start3A_10] : memref<8x200xi32, #tpu.memory_space<vmem>> -> memref<1x200xi32, #tpu.memory_space<vmem>>
    %dma_start3A_12 = tpu.memref_squeeze %dma_start3A_11 : memref<1x200xi32, #tpu.memory_space<vmem>> -> memref<200xi32, #tpu.memory_space<vmem>>
    %dma_start3A_13 = arith.constant 0 : i32
    %dma_start3A_14 = arith.constant 0 : i32
    %dma_start3A_15 = tpu.memref_slice %arg3[%dma_start3A_13, %dma_start3A_14] : memref<2000000x64xf32, #tpu.memory_space<hbm>> -> memref<2000000x64xf32, #tpu.memory_space<hbm>>
    tpu.enqueue_indirect_dma source(%dma_start3A_15 : memref<2000000x64xf32, #tpu.memory_space<hbm>>) target(%dma_start3A_9 : memref<200x64xf32, #tpu.memory_space<vmem>>) offsets(%dma_start3A_12 : memref<200xi32, #tpu.memory_space<vmem>>) semaphore(%arg7 : memref<!tpu.dma_semaphore, #tpu.memory_space<semaphore_mem>>)
    %add3A_16 = arith.constant 200 : i32
    %add3A_17 = arith.addi %mul3A_2, %add3A_16 : i32
    %run_scoped3A_18 = arith.constant 1 : i32
    "tpu.region"() ({
      %run_scoped3A_461 = tpu.sem_alloc : memref<!tpu.dma_semaphore, #tpu.memory_space<semaphore_mem>>
      %dma_start3A_462 = arith.constant 0 : i32
      %dma_start3A_463 = tpu.memref_slice %arg5[%run_scoped3A_18, %dma_start3A_462] : memref<8x200xi32, #tpu.memory_space<vmem>> -> memref<1x200xi32, #tpu.memory_space<vmem>>
      %dma_start3A_464 = tpu.memref_squeeze %dma_start3A_463 : memref<1x200xi32, #tpu.memory_space<vmem>> -> memref<200xi32, #tpu.memory_space<vmem>>
      %dma_start3A_465 = tpu.memref_slice %arg2[%add3A_17] : memref<819200xi32, #tpu.memory_space<hbm>> -> memref<200xi32, #tpu.memory_space<hbm>>
      %dma_start3A_466 = arith.constant 0 : i32
      %dma_start3A_467 = tpu.memref_slice %arg5[%run_scoped3A_18, %dma_start3A_466] : memref<8x200xi32, #tpu.memory_space<vmem>> -> memref<1x200xi32, #tpu.memory_space<vmem>>
      %dma_start3A_468 = tpu.memref_squeeze %dma_start3A_467 : memref<1x200xi32, #tpu.memory_space<vmem>> -> memref<200xi32, #tpu.memory_space<vmem>>
      %dma_start3A_469 = tpu.memref_slice %arg2[%add3A_17] : memref<819200xi32, #tpu.memory_space<hbm>> -> memref<200xi32, #tpu.memory_space<hbm>>
      tpu.enqueue_dma source(%dma_start3A_469 : memref<200xi32, #tpu.memory_space<hbm>>) target(%dma_start3A_468 : memref<200xi32, #tpu.memory_space<vmem>>) target_semaphore(%run_scoped3A_461 : memref<!tpu.dma_semaphore, #tpu.memory_space<semaphore_mem>>)
      %dma_wait3A_470 = arith.constant 0 : i32
      %dma_wait3A_471 = tpu.memref_slice %arg5[%run_scoped3A_18, %dma_wait3A_470] : memref<8x200xi32, #tpu.memory_space<vmem>> -> memref<1x200xi32, #tpu.memory_space<vmem>>
      %dma_wait3A_472 = tpu.memref_squeeze %dma_wait3A_471 : memref<1x200xi32, #tpu.memory_space<vmem>> -> memref<200xi32, #tpu.memory_space<vmem>>
      %dma_wait3A_473 = tpu.memref_slice %arg2[%add3A_17] : memref<819200xi32, #tpu.memory_space<hbm>> -> memref<200xi32, #tpu.memory_space<hbm>>
      %dma_wait3A_474 = arith.constant 0 : i32
      %dma_wait3A_475 = tpu.memref_slice %arg5[%run_scoped3A_18, %dma_wait3A_474] : memref<8x200xi32, #tpu.memory_space<vmem>> -> memref<1x200xi32, #tpu.memory_space<vmem>>
      %dma_wait3A_476 = tpu.memref_squeeze %dma_wait3A_475 : memref<1x200xi32, #tpu.memory_space<vmem>> -> memref<200xi32, #tpu.memory_space<vmem>>
      %dma_wait3A_477 = tpu.memref_slice %arg2[%add3A_17] : memref<819200xi32, #tpu.memory_space<hbm>> -> memref<200xi32, #tpu.memory_space<hbm>>
      tpu.wait_dma2 semaphore(%run_scoped3A_461 : memref<!tpu.dma_semaphore, #tpu.memory_space<semaphore_mem>>) src(%dma_wait3A_477 : memref<200xi32, #tpu.memory_space<hbm>>) dst(%dma_wait3A_476 : memref<200xi32, #tpu.memory_space<vmem>>)
      tpu.yield
    }) : () -> ()
    %dma_start3A_19 = arith.constant 1 : i32
    %dma_start3A_20 = arith.constant 1 : i32
    %dma_start3A_21 = arith.constant 0 : i32
    %dma_start3A_22 = arith.constant 0 : i32
    %dma_start3A_23 = tpu.memref_slice %arg6[%dma_start3A_20, %dma_start3A_21, %dma_start3A_22] : memref<8x200x64xf32, #tpu.memory_space<vmem>> -> memref<1x200x64xf32, #tpu.memory_space<vmem>>
    %dma_start3A_24 = tpu.memref_squeeze %dma_start3A_23 : memref<1x200x64xf32, #tpu.memory_space<vmem>> -> memref<200x64xf32, #tpu.memory_space<vmem>>
    %dma_start3A_25 = arith.constant 0 : i32
    %dma_start3A_26 = tpu.memref_slice %arg5[%dma_start3A_19, %dma_start3A_25] : memref<8x200xi32, #tpu.memory_space<vmem>> -> memref<1x200xi32, #tpu.memory_space<vmem>>
    %dma_start3A_27 = tpu.memref_squeeze %dma_start3A_26 : memref<1x200xi32, #tpu.memory_space<vmem>> -> memref<200xi32, #tpu.memory_space<vmem>>
    %dma_start3A_28 = arith.constant 0 : i32
    %dma_start3A_29 = arith.constant 0 : i32
    %dma_start3A_30 = tpu.memref_slice %arg3[%dma_start3A_28, %dma_start3A_29] : memref<2000000x64xf32, #tpu.memory_space<hbm>> -> memref<2000000x64xf32, #tpu.memory_space<hbm>>
    tpu.enqueue_indirect_dma source(%dma_start3A_30 : memref<2000000x64xf32, #tpu.memory_space<hbm>>) target(%dma_start3A_24 : memref<200x64xf32, #tpu.memory_space<vmem>>) offsets(%dma_start3A_27 : memref<200xi32, #tpu.memory_space<vmem>>) semaphore(%arg8 : memref<!tpu.dma_semaphore, #tpu.memory_space<semaphore_mem>>)
    %add3A_31 = arith.constant 400 : i32
    %add3A_32 = arith.addi %mul3A_2, %add3A_31 : i32
    %run_scoped3A_33 = arith.constant 2 : i32
    "tpu.region"() ({
      %run_scoped3A_461 = tpu.sem_alloc : memref<!tpu.dma_semaphore, #tpu.memory_space<semaphore_mem>>
      %dma_start3A_462 = arith.constant 0 : i32
      %dma_start3A_463 = tpu.memref_slice %arg5[%run_scoped3A_33, %dma_start3A_462] : memref<8x200xi32, #tpu.memory_space<vmem>> -> memref<1x200xi32, #tpu.memory_space<vmem>>
      %dma_start3A_464 = tpu.memref_squeeze %dma_start3A_463 : memref<1x200xi32, #tpu.memory_space<vmem>> -> memref<200xi32, #tpu.memory_space<vmem>>
      %dma_start3A_465 = tpu.memref_slice %arg2[%add3A_32] : memref<819200xi32, #tpu.memory_space<hbm>> -> memref<200xi32, #tpu.memory_space<hbm>>
      %dma_start3A_466 = arith.constant 0 : i32
      %dma_start3A_467 = tpu.memref_slice %arg5[%run_scoped3A_33, %dma_start3A_466] : memref<8x200xi32, #tpu.memory_space<vmem>> -> memref<1x200xi32, #tpu.memory_space<vmem>>
      %dma_start3A_468 = tpu.memref_squeeze %dma_start3A_467 : memref<1x200xi32, #tpu.memory_space<vmem>> -> memref<200xi32, #tpu.memory_space<vmem>>
      %dma_start3A_469 = tpu.memref_slice %arg2[%add3A_32] : memref<819200xi32, #tpu.memory_space<hbm>> -> memref<200xi32, #tpu.memory_space<hbm>>
      tpu.enqueue_dma source(%dma_start3A_469 : memref<200xi32, #tpu.memory_space<hbm>>) target(%dma_start3A_468 : memref<200xi32, #tpu.memory_space<vmem>>) target_semaphore(%run_scoped3A_461 : memref<!tpu.dma_semaphore, #tpu.memory_space<semaphore_mem>>)
      %dma_wait3A_470 = arith.constant 0 : i32
      %dma_wait3A_471 = tpu.memref_slice %arg5[%run_scoped3A_33, %dma_wait3A_470] : memref<8x200xi32, #tpu.memory_space<vmem>> -> memref<1x200xi32, #tpu.memory_space<vmem>>
      %dma_wait3A_472 = tpu.memref_squeeze %dma_wait3A_471 : memref<1x200xi32, #tpu.memory_space<vmem>> -> memref<200xi32, #tpu.memory_space<vmem>>
      %dma_wait3A_473 = tpu.memref_slice %arg2[%add3A_32] : memref<819200xi32, #tpu.memory_space<hbm>> -> memref<200xi32, #tpu.memory_space<hbm>>
      %dma_wait3A_474 = arith.constant 0 : i32
      %dma_wait3A_475 = tpu.memref_slice %arg5[%run_scoped3A_33, %dma_wait3A_474] : memref<8x200xi32, #tpu.memory_space<vmem>> -> memref<1x200xi32, #tpu.memory_space<vmem>>
      %dma_wait3A_476 = tpu.memref_squeeze %dma_wait3A_475 : memref<1x200xi32, #tpu.memory_space<vmem>> -> memref<200xi32, #tpu.memory_space<vmem>>
      %dma_wait3A_477 = tpu.memref_slice %arg2[%add3A_32] : memref<819200xi32, #tpu.memory_space<hbm>> -> memref<200xi32, #tpu.memory_space<hbm>>
      tpu.wait_dma2 semaphore(%run_scoped3A_461 : memref<!tpu.dma_semaphore, #tpu.memory_space<semaphore_mem>>) src(%dma_wait3A_477 : memref<200xi32, #tpu.memory_space<hbm>>) dst(%dma_wait3A_476 : memref<200xi32, #tpu.memory_space<vmem>>)
      tpu.yield
    }) : () -> ()
    %dma_start3A_34 = arith.constant 2 : i32
    %dma_start3A_35 = arith.constant 2 : i32
    %dma_start3A_36 = arith.constant 0 : i32
    %dma_start3A_37 = arith.constant 0 : i32
    %dma_start3A_38 = tpu.memref_slice %arg6[%dma_start3A_35, %dma_start3A_36, %dma_start3A_37] : memref<8x200x64xf32, #tpu.memory_space<vmem>> -> memref<1x200x64xf32, #tpu.memory_space<vmem>>
    %dma_start3A_39 = tpu.memref_squeeze %dma_start3A_38 : memref<1x200x64xf32, #tpu.memory_space<vmem>> -> memref<200x64xf32, #tpu.memory_space<vmem>>
    %dma_start3A_40 = arith.constant 0 : i32
    %dma_start3A_41 = tpu.memref_slice %arg5[%dma_start3A_34, %dma_start3A_40] : memref<8x200xi32, #tpu.memory_space<vmem>> -> memref<1x200xi32, #tpu.memory_space<vmem>>
    %dma_start3A_42 = tpu.memref_squeeze %dma_start3A_41 : memref<1x200xi32, #tpu.memory_space<vmem>> -> memref<200xi32, #tpu.memory_space<vmem>>
    %dma_start3A_43 = arith.constant 0 : i32
    %dma_start3A_44 = arith.constant 0 : i32
    %dma_start3A_45 = tpu.memref_slice %arg3[%dma_start3A_43, %dma_start3A_44] : memref<2000000x64xf32, #tpu.memory_space<hbm>> -> memref<2000000x64xf32, #tpu.memory_space<hbm>>
    tpu.enqueue_indirect_dma source(%dma_start3A_45 : memref<2000000x64xf32, #tpu.memory_space<hbm>>) target(%dma_start3A_39 : memref<200x64xf32, #tpu.memory_space<vmem>>) offsets(%dma_start3A_42 : memref<200xi32, #tpu.memory_space<vmem>>) semaphore(%arg9 : memref<!tpu.dma_semaphore, #tpu.memory_space<semaphore_mem>>)
    %add3A_46 = arith.constant 600 : i32
    %add3A_47 = arith.addi %mul3A_2, %add3A_46 : i32
    %run_scoped3A_48 = arith.constant 3 : i32
    "tpu.region"() ({
      %run_scoped3A_461 = tpu.sem_alloc : memref<!tpu.dma_semaphore, #tpu.memory_space<semaphore_mem>>
      %dma_start3A_462 = arith.constant 0 : i32
      %dma_start3A_463 = tpu.memref_slice %arg5[%run_scoped3A_48, %dma_start3A_462] : memref<8x200xi32, #tpu.memory_space<vmem>> -> memref<1x200xi32, #tpu.memory_space<vmem>>
      %dma_start3A_464 = tpu.memref_squeeze %dma_start3A_463 : memref<1x200xi32, #tpu.memory_space<vmem>> -> memref<200xi32, #tpu.memory_space<vmem>>
      %dma_start3A_465 = tpu.memref_slice %arg2[%add3A_47] : memref<819200xi32, #tpu.memory_space<hbm>> -> memref<200xi32, #tpu.memory_space<hbm>>
      %dma_start3A_466 = arith.constant 0 : i32
      %dma_start3A_467 = tpu.memref_slice %arg5[%run_scoped3A_48, %dma_start3A_466] : memref<8x200xi32, #tpu.memory_space<vmem>> -> memref<1x200xi32, #tpu.memory_space<vmem>>
      %dma_start3A_468 = tpu.memref_squeeze %dma_start3A_467 : memref<1x200xi32, #tpu.memory_space<vmem>> -> memref<200xi32, #tpu.memory_space<vmem>>
      %dma_start3A_469 = tpu.memref_slice %arg2[%add3A_47] : memref<819200xi32, #tpu.memory_space<hbm>> -> memref<200xi32, #tpu.memory_space<hbm>>
      tpu.enqueue_dma source(%dma_start3A_469 : memref<200xi32, #tpu.memory_space<hbm>>) target(%dma_start3A_468 : memref<200xi32, #tpu.memory_space<vmem>>) target_semaphore(%run_scoped3A_461 : memref<!tpu.dma_semaphore, #tpu.memory_space<semaphore_mem>>)
      %dma_wait3A_470 = arith.constant 0 : i32
      %dma_wait3A_471 = tpu.memref_slice %arg5[%run_scoped3A_48, %dma_wait3A_470] : memref<8x200xi32, #tpu.memory_space<vmem>> -> memref<1x200xi32, #tpu.memory_space<vmem>>
      %dma_wait3A_472 = tpu.memref_squeeze %dma_wait3A_471 : memref<1x200xi32, #tpu.memory_space<vmem>> -> memref<200xi32, #tpu.memory_space<vmem>>
      %dma_wait3A_473 = tpu.memref_slice %arg2[%add3A_47] : memref<819200xi32, #tpu.memory_space<hbm>> -> memref<200xi32, #tpu.memory_space<hbm>>
      %dma_wait3A_474 = arith.constant 0 : i32
      %dma_wait3A_475 = tpu.memref_slice %arg5[%run_scoped3A_48, %dma_wait3A_474] : memref<8x200xi32, #tpu.memory_space<vmem>> -> memref<1x200xi32, #tpu.memory_space<vmem>>
      %dma_wait3A_476 = tpu.memref_squeeze %dma_wait3A_475 : memref<1x200xi32, #tpu.memory_space<vmem>> -> memref<200xi32, #tpu.memory_space<vmem>>
      %dma_wait3A_477 = tpu.memref_slice %arg2[%add3A_47] : memref<819200xi32, #tpu.memory_space<hbm>> -> memref<200xi32, #tpu.memory_space<hbm>>
      tpu.wait_dma2 semaphore(%run_scoped3A_461 : memref<!tpu.dma_semaphore, #tpu.memory_space<semaphore_mem>>) src(%dma_wait3A_477 : memref<200xi32, #tpu.memory_space<hbm>>) dst(%dma_wait3A_476 : memref<200xi32, #tpu.memory_space<vmem>>)
      tpu.yield
    }) : () -> ()
    %dma_start3A_49 = arith.constant 3 : i32
    %dma_start3A_50 = arith.constant 3 : i32
    %dma_start3A_51 = arith.constant 0 : i32
    %dma_start3A_52 = arith.constant 0 : i32
    %dma_start3A_53 = tpu.memref_slice %arg6[%dma_start3A_50, %dma_start3A_51, %dma_start3A_52] : memref<8x200x64xf32, #tpu.memory_space<vmem>> -> memref<1x200x64xf32, #tpu.memory_space<vmem>>
    %dma_start3A_54 = tpu.memref_squeeze %dma_start3A_53 : memref<1x200x64xf32, #tpu.memory_space<vmem>> -> memref<200x64xf32, #tpu.memory_space<vmem>>
    %dma_start3A_55 = arith.constant 0 : i32
    %dma_start3A_56 = tpu.memref_slice %arg5[%dma_start3A_49, %dma_start3A_55] : memref<8x200xi32, #tpu.memory_space<vmem>> -> memref<1x200xi32, #tpu.memory_space<vmem>>
    %dma_start3A_57 = tpu.memref_squeeze %dma_start3A_56 : memref<1x200xi32, #tpu.memory_space<vmem>> -> memref<200xi32, #tpu.memory_space<vmem>>
    %dma_start3A_58 = arith.constant 0 : i32
    %dma_start3A_59 = arith.constant 0 : i32
    %dma_start3A_60 = tpu.memref_slice %arg3[%dma_start3A_58, %dma_start3A_59] : memref<2000000x64xf32, #tpu.memory_space<hbm>> -> memref<2000000x64xf32, #tpu.memory_space<hbm>>
    tpu.enqueue_indirect_dma source(%dma_start3A_60 : memref<2000000x64xf32, #tpu.memory_space<hbm>>) target(%dma_start3A_54 : memref<200x64xf32, #tpu.memory_space<vmem>>) offsets(%dma_start3A_57 : memref<200xi32, #tpu.memory_space<vmem>>) semaphore(%arg10 : memref<!tpu.dma_semaphore, #tpu.memory_space<semaphore_mem>>)
    %add3A_61 = arith.constant 800 : i32
    %add3A_62 = arith.addi %mul3A_2, %add3A_61 : i32
    %run_scoped3A_63 = arith.constant 4 : i32
    "tpu.region"() ({
      %run_scoped3A_461 = tpu.sem_alloc : memref<!tpu.dma_semaphore, #tpu.memory_space<semaphore_mem>>
      %dma_start3A_462 = arith.constant 0 : i32
      %dma_start3A_463 = tpu.memref_slice %arg5[%run_scoped3A_63, %dma_start3A_462] : memref<8x200xi32, #tpu.memory_space<vmem>> -> memref<1x200xi32, #tpu.memory_space<vmem>>
      %dma_start3A_464 = tpu.memref_squeeze %dma_start3A_463 : memref<1x200xi32, #tpu.memory_space<vmem>> -> memref<200xi32, #tpu.memory_space<vmem>>
      %dma_start3A_465 = tpu.memref_slice %arg2[%add3A_62] : memref<819200xi32, #tpu.memory_space<hbm>> -> memref<200xi32, #tpu.memory_space<hbm>>
      %dma_start3A_466 = arith.constant 0 : i32
      %dma_start3A_467 = tpu.memref_slice %arg5[%run_scoped3A_63, %dma_start3A_466] : memref<8x200xi32, #tpu.memory_space<vmem>> -> memref<1x200xi32, #tpu.memory_space<vmem>>
      %dma_start3A_468 = tpu.memref_squeeze %dma_start3A_467 : memref<1x200xi32, #tpu.memory_space<vmem>> -> memref<200xi32, #tpu.memory_space<vmem>>
      %dma_start3A_469 = tpu.memref_slice %arg2[%add3A_62] : memref<819200xi32, #tpu.memory_space<hbm>> -> memref<200xi32, #tpu.memory_space<hbm>>
      tpu.enqueue_dma source(%dma_start3A_469 : memref<200xi32, #tpu.memory_space<hbm>>) target(%dma_start3A_468 : memref<200xi32, #tpu.memory_space<vmem>>) target_semaphore(%run_scoped3A_461 : memref<!tpu.dma_semaphore, #tpu.memory_space<semaphore_mem>>)
      %dma_wait3A_470 = arith.constant 0 : i32
      %dma_wait3A_471 = tpu.memref_slice %arg5[%run_scoped3A_63, %dma_wait3A_470] : memref<8x200xi32, #tpu.memory_space<vmem>> -> memref<1x200xi32, #tpu.memory_space<vmem>>
      %dma_wait3A_472 = tpu.memref_squeeze %dma_wait3A_471 : memref<1x200xi32, #tpu.memory_space<vmem>> -> memref<200xi32, #tpu.memory_space<vmem>>
      %dma_wait3A_473 = tpu.memref_slice %arg2[%add3A_62] : memref<819200xi32, #tpu.memory_space<hbm>> -> memref<200xi32, #tpu.memory_space<hbm>>
      %dma_wait3A_474 = arith.constant 0 : i32
      %dma_wait3A_475 = tpu.memref_slice %arg5[%run_scoped3A_63, %dma_wait3A_474] : memref<8x200xi32, #tpu.memory_space<vmem>> -> memref<1x200xi32, #tpu.memory_space<vmem>>
      %dma_wait3A_476 = tpu.memref_squeeze %dma_wait3A_475 : memref<1x200xi32, #tpu.memory_space<vmem>> -> memref<200xi32, #tpu.memory_space<vmem>>
      %dma_wait3A_477 = tpu.memref_slice %arg2[%add3A_62] : memref<819200xi32, #tpu.memory_space<hbm>> -> memref<200xi32, #tpu.memory_space<hbm>>
      tpu.wait_dma2 semaphore(%run_scoped3A_461 : memref<!tpu.dma_semaphore, #tpu.memory_space<semaphore_mem>>) src(%dma_wait3A_477 : memref<200xi32, #tpu.memory_space<hbm>>) dst(%dma_wait3A_476 : memref<200xi32, #tpu.memory_space<vmem>>)
      tpu.yield
    }) : () -> ()
    %dma_start3A_64 = arith.constant 4 : i32
    %dma_start3A_65 = arith.constant 4 : i32
    %dma_start3A_66 = arith.constant 0 : i32
    %dma_start3A_67 = arith.constant 0 : i32
    %dma_start3A_68 = tpu.memref_slice %arg6[%dma_start3A_65, %dma_start3A_66, %dma_start3A_67] : memref<8x200x64xf32, #tpu.memory_space<vmem>> -> memref<1x200x64xf32, #tpu.memory_space<vmem>>
    %dma_start3A_69 = tpu.memref_squeeze %dma_start3A_68 : memref<1x200x64xf32, #tpu.memory_space<vmem>> -> memref<200x64xf32, #tpu.memory_space<vmem>>
    %dma_start3A_70 = arith.constant 0 : i32
    %dma_start3A_71 = tpu.memref_slice %arg5[%dma_start3A_64, %dma_start3A_70] : memref<8x200xi32, #tpu.memory_space<vmem>> -> memref<1x200xi32, #tpu.memory_space<vmem>>
    %dma_start3A_72 = tpu.memref_squeeze %dma_start3A_71 : memref<1x200xi32, #tpu.memory_space<vmem>> -> memref<200xi32, #tpu.memory_space<vmem>>
    %dma_start3A_73 = arith.constant 0 : i32
    %dma_start3A_74 = arith.constant 0 : i32
    %dma_start3A_75 = tpu.memref_slice %arg3[%dma_start3A_73, %dma_start3A_74] : memref<2000000x64xf32, #tpu.memory_space<hbm>> -> memref<2000000x64xf32, #tpu.memory_space<hbm>>
    tpu.enqueue_indirect_dma source(%dma_start3A_75 : memref<2000000x64xf32, #tpu.memory_space<hbm>>) target(%dma_start3A_69 : memref<200x64xf32, #tpu.memory_space<vmem>>) offsets(%dma_start3A_72 : memref<200xi32, #tpu.memory_space<vmem>>) semaphore(%arg11 : memref<!tpu.dma_semaphore, #tpu.memory_space<semaphore_mem>>)
    %add3A_76 = arith.constant 1000 : i32
    %add3A_77 = arith.addi %mul3A_2, %add3A_76 : i32
    %run_scoped3A_78 = arith.constant 5 : i32
    "tpu.region"() ({
      %run_scoped3A_461 = tpu.sem_alloc : memref<!tpu.dma_semaphore, #tpu.memory_space<semaphore_mem>>
      %dma_start3A_462 = arith.constant 0 : i32
      %dma_start3A_463 = tpu.memref_slice %arg5[%run_scoped3A_78, %dma_start3A_462] : memref<8x200xi32, #tpu.memory_space<vmem>> -> memref<1x200xi32, #tpu.memory_space<vmem>>
      %dma_start3A_464 = tpu.memref_squeeze %dma_start3A_463 : memref<1x200xi32, #tpu.memory_space<vmem>> -> memref<200xi32, #tpu.memory_space<vmem>>
      %dma_start3A_465 = tpu.memref_slice %arg2[%add3A_77] : memref<819200xi32, #tpu.memory_space<hbm>> -> memref<200xi32, #tpu.memory_space<hbm>>
      %dma_start3A_466 = arith.constant 0 : i32
      %dma_start3A_467 = tpu.memref_slice %arg5[%run_scoped3A_78, %dma_start3A_466] : memref<8x200xi32, #tpu.memory_space<vmem>> -> memref<1x200xi32, #tpu.memory_space<vmem>>
      %dma_start3A_468 = tpu.memref_squeeze %dma_start3A_467 : memref<1x200xi32, #tpu.memory_space<vmem>> -> memref<200xi32, #tpu.memory_space<vmem>>
      %dma_start3A_469 = tpu.memref_slice %arg2[%add3A_77] : memref<819200xi32, #tpu.memory_space<hbm>> -> memref<200xi32, #tpu.memory_space<hbm>>
      tpu.enqueue_dma source(%dma_start3A_469 : memref<200xi32, #tpu.memory_space<hbm>>) target(%dma_start3A_468 : memref<200xi32, #tpu.memory_space<vmem>>) target_semaphore(%run_scoped3A_461 : memref<!tpu.dma_semaphore, #tpu.memory_space<semaphore_mem>>)
      %dma_wait3A_470 = arith.constant 0 : i32
      %dma_wait3A_471 = tpu.memref_slice %arg5[%run_scoped3A_78, %dma_wait3A_470] : memref<8x200xi32, #tpu.memory_space<vmem>> -> memref<1x200xi32, #tpu.memory_space<vmem>>
      %dma_wait3A_472 = tpu.memref_squeeze %dma_wait3A_471 : memref<1x200xi32, #tpu.memory_space<vmem>> -> memref<200xi32, #tpu.memory_space<vmem>>
      %dma_wait3A_473 = tpu.memref_slice %arg2[%add3A_77] : memref<819200xi32, #tpu.memory_space<hbm>> -> memref<200xi32, #tpu.memory_space<hbm>>
      %dma_wait3A_474 = arith.constant 0 : i32
      %dma_wait3A_475 = tpu.memref_slice %arg5[%run_scoped3A_78, %dma_wait3A_474] : memref<8x200xi32, #tpu.memory_space<vmem>> -> memref<1x200xi32, #tpu.memory_space<vmem>>
      %dma_wait3A_476 = tpu.memref_squeeze %dma_wait3A_475 : memref<1x200xi32, #tpu.memory_space<vmem>> -> memref<200xi32, #tpu.memory_space<vmem>>
      %dma_wait3A_477 = tpu.memref_slice %arg2[%add3A_77] : memref<819200xi32, #tpu.memory_space<hbm>> -> memref<200xi32, #tpu.memory_space<hbm>>
      tpu.wait_dma2 semaphore(%run_scoped3A_461 : memref<!tpu.dma_semaphore, #tpu.memory_space<semaphore_mem>>) src(%dma_wait3A_477 : memref<200xi32, #tpu.memory_space<hbm>>) dst(%dma_wait3A_476 : memref<200xi32, #tpu.memory_space<vmem>>)
      tpu.yield
    }) : () -> ()
    %dma_start3A_79 = arith.constant 5 : i32
    %dma_start3A_80 = arith.constant 5 : i32
    %dma_start3A_81 = arith.constant 0 : i32
    %dma_start3A_82 = arith.constant 0 : i32
    %dma_start3A_83 = tpu.memref_slice %arg6[%dma_start3A_80, %dma_start3A_81, %dma_start3A_82] : memref<8x200x64xf32, #tpu.memory_space<vmem>> -> memref<1x200x64xf32, #tpu.memory_space<vmem>>
    %dma_start3A_84 = tpu.memref_squeeze %dma_start3A_83 : memref<1x200x64xf32, #tpu.memory_space<vmem>> -> memref<200x64xf32, #tpu.memory_space<vmem>>
    %dma_start3A_85 = arith.constant 0 : i32
    %dma_start3A_86 = tpu.memref_slice %arg5[%dma_start3A_79, %dma_start3A_85] : memref<8x200xi32, #tpu.memory_space<vmem>> -> memref<1x200xi32, #tpu.memory_space<vmem>>
    %dma_start3A_87 = tpu.memref_squeeze %dma_start3A_86 : memref<1x200xi32, #tpu.memory_space<vmem>> -> memref<200xi32, #tpu.memory_space<vmem>>
    %dma_start3A_88 = arith.constant 0 : i32
    %dma_start3A_89 = arith.constant 0 : i32
    %dma_start3A_90 = tpu.memref_slice %arg3[%dma_start3A_88, %dma_start3A_89] : memref<2000000x64xf32, #tpu.memory_space<hbm>> -> memref<2000000x64xf32, #tpu.memory_space<hbm>>
    tpu.enqueue_indirect_dma source(%dma_start3A_90 : memref<2000000x64xf32, #tpu.memory_space<hbm>>) target(%dma_start3A_84 : memref<200x64xf32, #tpu.memory_space<vmem>>) offsets(%dma_start3A_87 : memref<200xi32, #tpu.memory_space<vmem>>) semaphore(%arg12 : memref<!tpu.dma_semaphore, #tpu.memory_space<semaphore_mem>>)
    %add3A_91 = arith.constant 1200 : i32
    %add3A_92 = arith.addi %mul3A_2, %add3A_91 : i32
    %run_scoped3A_93 = arith.constant 6 : i32
    "tpu.region"() ({
      %run_scoped3A_461 = tpu.sem_alloc : memref<!tpu.dma_semaphore, #tpu.memory_space<semaphore_mem>>
      %dma_start3A_462 = arith.constant 0 : i32
      %dma_start3A_463 = tpu.memref_slice %arg5[%run_scoped3A_93, %dma_start3A_462] : memref<8x200xi32, #tpu.memory_space<vmem>> -> memref<1x200xi32, #tpu.memory_space<vmem>>
      %dma_start3A_464 = tpu.memref_squeeze %dma_start3A_463 : memref<1x200xi32, #tpu.memory_space<vmem>> -> memref<200xi32, #tpu.memory_space<vmem>>
      %dma_start3A_465 = tpu.memref_slice %arg2[%add3A_92] : memref<819200xi32, #tpu.memory_space<hbm>> -> memref<200xi32, #tpu.memory_space<hbm>>
      %dma_start3A_466 = arith.constant 0 : i32
      %dma_start3A_467 = tpu.memref_slice %arg5[%run_scoped3A_93, %dma_start3A_466] : memref<8x200xi32, #tpu.memory_space<vmem>> -> memref<1x200xi32, #tpu.memory_space<vmem>>
      %dma_start3A_468 = tpu.memref_squeeze %dma_start3A_467 : memref<1x200xi32, #tpu.memory_space<vmem>> -> memref<200xi32, #tpu.memory_space<vmem>>
      %dma_start3A_469 = tpu.memref_slice %arg2[%add3A_92] : memref<819200xi32, #tpu.memory_space<hbm>> -> memref<200xi32, #tpu.memory_space<hbm>>
      tpu.enqueue_dma source(%dma_start3A_469 : memref<200xi32, #tpu.memory_space<hbm>>) target(%dma_start3A_468 : memref<200xi32, #tpu.memory_space<vmem>>) target_semaphore(%run_scoped3A_461 : memref<!tpu.dma_semaphore, #tpu.memory_space<semaphore_mem>>)
      %dma_wait3A_470 = arith.constant 0 : i32
      %dma_wait3A_471 = tpu.memref_slice %arg5[%run_scoped3A_93, %dma_wait3A_470] : memref<8x200xi32, #tpu.memory_space<vmem>> -> memref<1x200xi32, #tpu.memory_space<vmem>>
      %dma_wait3A_472 = tpu.memref_squeeze %dma_wait3A_471 : memref<1x200xi32, #tpu.memory_space<vmem>> -> memref<200xi32, #tpu.memory_space<vmem>>
      %dma_wait3A_473 = tpu.memref_slice %arg2[%add3A_92] : memref<819200xi32, #tpu.memory_space<hbm>> -> memref<200xi32, #tpu.memory_space<hbm>>
      %dma_wait3A_474 = arith.constant 0 : i32
      %dma_wait3A_475 = tpu.memref_slice %arg5[%run_scoped3A_93, %dma_wait3A_474] : memref<8x200xi32, #tpu.memory_space<vmem>> -> memref<1x200xi32, #tpu.memory_space<vmem>>
      %dma_wait3A_476 = tpu.memref_squeeze %dma_wait3A_475 : memref<1x200xi32, #tpu.memory_space<vmem>> -> memref<200xi32, #tpu.memory_space<vmem>>
      %dma_wait3A_477 = tpu.memref_slice %arg2[%add3A_92] : memref<819200xi32, #tpu.memory_space<hbm>> -> memref<200xi32, #tpu.memory_space<hbm>>
      tpu.wait_dma2 semaphore(%run_scoped3A_461 : memref<!tpu.dma_semaphore, #tpu.memory_space<semaphore_mem>>) src(%dma_wait3A_477 : memref<200xi32, #tpu.memory_space<hbm>>) dst(%dma_wait3A_476 : memref<200xi32, #tpu.memory_space<vmem>>)
      tpu.yield
    }) : () -> ()
    %dma_start3A_94 = arith.constant 6 : i32
    %dma_start3A_95 = arith.constant 6 : i32
    %dma_start3A_96 = arith.constant 0 : i32
    %dma_start3A_97 = arith.constant 0 : i32
    %dma_start3A_98 = tpu.memref_slice %arg6[%dma_start3A_95, %dma_start3A_96, %dma_start3A_97] : memref<8x200x64xf32, #tpu.memory_space<vmem>> -> memref<1x200x64xf32, #tpu.memory_space<vmem>>
    %dma_start3A_99 = tpu.memref_squeeze %dma_start3A_98 : memref<1x200x64xf32, #tpu.memory_space<vmem>> -> memref<200x64xf32, #tpu.memory_space<vmem>>
    %dma_start3A_100 = arith.constant 0 : i32
    %dma_start3A_101 = tpu.memref_slice %arg5[%dma_start3A_94, %dma_start3A_100] : memref<8x200xi32, #tpu.memory_space<vmem>> -> memref<1x200xi32, #tpu.memory_space<vmem>>
    %dma_start3A_102 = tpu.memref_squeeze %dma_start3A_101 : memref<1x200xi32, #tpu.memory_space<vmem>> -> memref<200xi32, #tpu.memory_space<vmem>>
    %dma_start3A_103 = arith.constant 0 : i32
    %dma_start3A_104 = arith.constant 0 : i32
    %dma_start3A_105 = tpu.memref_slice %arg3[%dma_start3A_103, %dma_start3A_104] : memref<2000000x64xf32, #tpu.memory_space<hbm>> -> memref<2000000x64xf32, #tpu.memory_space<hbm>>
    tpu.enqueue_indirect_dma source(%dma_start3A_105 : memref<2000000x64xf32, #tpu.memory_space<hbm>>) target(%dma_start3A_99 : memref<200x64xf32, #tpu.memory_space<vmem>>) offsets(%dma_start3A_102 : memref<200xi32, #tpu.memory_space<vmem>>) semaphore(%arg13 : memref<!tpu.dma_semaphore, #tpu.memory_space<semaphore_mem>>)
    %add3A_106 = arith.constant 1400 : i32
    %add3A_107 = arith.addi %mul3A_2, %add3A_106 : i32
    %run_scoped3A_108 = arith.constant 7 : i32
    "tpu.region"() ({
      %run_scoped3A_461 = tpu.sem_alloc : memref<!tpu.dma_semaphore, #tpu.memory_space<semaphore_mem>>
      %dma_start3A_462 = arith.constant 0 : i32
      %dma_start3A_463 = tpu.memref_slice %arg5[%run_scoped3A_108, %dma_start3A_462] : memref<8x200xi32, #tpu.memory_space<vmem>> -> memref<1x200xi32, #tpu.memory_space<vmem>>
      %dma_start3A_464 = tpu.memref_squeeze %dma_start3A_463 : memref<1x200xi32, #tpu.memory_space<vmem>> -> memref<200xi32, #tpu.memory_space<vmem>>
      %dma_start3A_465 = tpu.memref_slice %arg2[%add3A_107] : memref<819200xi32, #tpu.memory_space<hbm>> -> memref<200xi32, #tpu.memory_space<hbm>>
      %dma_start3A_466 = arith.constant 0 : i32
      %dma_start3A_467 = tpu.memref_slice %arg5[%run_scoped3A_108, %dma_start3A_466] : memref<8x200xi32, #tpu.memory_space<vmem>> -> memref<1x200xi32, #tpu.memory_space<vmem>>
      %dma_start3A_468 = tpu.memref_squeeze %dma_start3A_467 : memref<1x200xi32, #tpu.memory_space<vmem>> -> memref<200xi32, #tpu.memory_space<vmem>>
      %dma_start3A_469 = tpu.memref_slice %arg2[%add3A_107] : memref<819200xi32, #tpu.memory_space<hbm>> -> memref<200xi32, #tpu.memory_space<hbm>>
      tpu.enqueue_dma source(%dma_start3A_469 : memref<200xi32, #tpu.memory_space<hbm>>) target(%dma_start3A_468 : memref<200xi32, #tpu.memory_space<vmem>>) target_semaphore(%run_scoped3A_461 : memref<!tpu.dma_semaphore, #tpu.memory_space<semaphore_mem>>)
      %dma_wait3A_470 = arith.constant 0 : i32
      %dma_wait3A_471 = tpu.memref_slice %arg5[%run_scoped3A_108, %dma_wait3A_470] : memref<8x200xi32, #tpu.memory_space<vmem>> -> memref<1x200xi32, #tpu.memory_space<vmem>>
      %dma_wait3A_472 = tpu.memref_squeeze %dma_wait3A_471 : memref<1x200xi32, #tpu.memory_space<vmem>> -> memref<200xi32, #tpu.memory_space<vmem>>
      %dma_wait3A_473 = tpu.memref_slice %arg2[%add3A_107] : memref<819200xi32, #tpu.memory_space<hbm>> -> memref<200xi32, #tpu.memory_space<hbm>>
      %dma_wait3A_474 = arith.constant 0 : i32
      %dma_wait3A_475 = tpu.memref_slice %arg5[%run_scoped3A_108, %dma_wait3A_474] : memref<8x200xi32, #tpu.memory_space<vmem>> -> memref<1x200xi32, #tpu.memory_space<vmem>>
      %dma_wait3A_476 = tpu.memref_squeeze %dma_wait3A_475 : memref<1x200xi32, #tpu.memory_space<vmem>> -> memref<200xi32, #tpu.memory_space<vmem>>
      %dma_wait3A_477 = tpu.memref_slice %arg2[%add3A_107] : memref<819200xi32, #tpu.memory_space<hbm>> -> memref<200xi32, #tpu.memory_space<hbm>>
      tpu.wait_dma2 semaphore(%run_scoped3A_461 : memref<!tpu.dma_semaphore, #tpu.memory_space<semaphore_mem>>) src(%dma_wait3A_477 : memref<200xi32, #tpu.memory_space<hbm>>) dst(%dma_wait3A_476 : memref<200xi32, #tpu.memory_space<vmem>>)
      tpu.yield
    }) : () -> ()
    %dma_start3A_109 = arith.constant 7 : i32
    %dma_start3A_110 = arith.constant 7 : i32
    %dma_start3A_111 = arith.constant 0 : i32
    %dma_start3A_112 = arith.constant 0 : i32
    %dma_start3A_113 = tpu.memref_slice %arg6[%dma_start3A_110, %dma_start3A_111, %dma_start3A_112] : memref<8x200x64xf32, #tpu.memory_space<vmem>> -> memref<1x200x64xf32, #tpu.memory_space<vmem>>
    %dma_start3A_114 = tpu.memref_squeeze %dma_start3A_113 : memref<1x200x64xf32, #tpu.memory_space<vmem>> -> memref<200x64xf32, #tpu.memory_space<vmem>>
    %dma_start3A_115 = arith.constant 0 : i32
    %dma_start3A_116 = tpu.memref_slice %arg5[%dma_start3A_109, %dma_start3A_115] : memref<8x200xi32, #tpu.memory_space<vmem>> -> memref<1x200xi32, #tpu.memory_space<vmem>>
    %dma_start3A_117 = tpu.memref_squeeze %dma_start3A_116 : memref<1x200xi32, #tpu.memory_space<vmem>> -> memref<200xi32, #tpu.memory_space<vmem>>
    %dma_start3A_118 = arith.constant 0 : i32
    %dma_start3A_119 = arith.constant 0 : i32
    %dma_start3A_120 = tpu.memref_slice %arg3[%dma_start3A_118, %dma_start3A_119] : memref<2000000x64xf32, #tpu.memory_space<hbm>> -> memref<2000000x64xf32, #tpu.memory_space<hbm>>
    tpu.enqueue_indirect_dma source(%dma_start3A_120 : memref<2000000x64xf32, #tpu.memory_space<hbm>>) target(%dma_start3A_114 : memref<200x64xf32, #tpu.memory_space<vmem>>) offsets(%dma_start3A_117 : memref<200xi32, #tpu.memory_space<vmem>>) semaphore(%arg14 : memref<!tpu.dma_semaphore, #tpu.memory_space<semaphore_mem>>)
    %scan3A = arith.constant 0 : i32
    %scan3A_121 = arith.constant 0 : i32
    %scan3A_122 = arith.constant 15 : i32
    %scan3A_123 = arith.addi %scan3A_121, %scan3A_122 : i32
    %scan3A_124 = arith.constant 1 : i32
    scf.for %scan3A_461 = %scan3A_121 to %scan3A_123 step %scan3A_124  : i32 {
      %mul3A_462 = arith.constant 8 : i32
      %mul3A_463 = arith.muli %scan3A_461, %mul3A_462 : i32
      %add3A_464 = arith.constant 0 : i32
      %add3A_465 = arith.addi %mul3A_463, %add3A_464 : i32
      %mul3A_466 = arith.constant 200 : i32
      %mul3A_467 = arith.muli %add3A_465, %mul3A_466 : i32
      %add3A_468 = arith.addi %mul3A_2, %mul3A_467 : i32
      %dma_wait3A_469 = arith.constant 0 : i32
      %dma_wait3A_470 = arith.constant 0 : i32
      %dma_wait3A_471 = arith.constant 0 : i32
      %dma_wait3A_472 = arith.constant 0 : i32
      %dma_wait3A_473 = tpu.memref_slice %arg6[%dma_wait3A_470, %dma_wait3A_471, %dma_wait3A_472] : memref<8x200x64xf32, #tpu.memory_space<vmem>> -> memref<1x200x64xf32, #tpu.memory_space<vmem>>
      %dma_wait3A_474 = tpu.memref_squeeze %dma_wait3A_473 : memref<1x200x64xf32, #tpu.memory_space<vmem>> -> memref<200x64xf32, #tpu.memory_space<vmem>>
      %dma_wait3A_475 = arith.constant 0 : i32
      %dma_wait3A_476 = tpu.memref_slice %arg5[%dma_wait3A_469, %dma_wait3A_475] : memref<8x200xi32, #tpu.memory_space<vmem>> -> memref<1x200xi32, #tpu.memory_space<vmem>>
      %dma_wait3A_477 = tpu.memref_squeeze %dma_wait3A_476 : memref<1x200xi32, #tpu.memory_space<vmem>> -> memref<200xi32, #tpu.memory_space<vmem>>
      %dma_wait3A_478 = arith.constant 0 : i32
      %dma_wait3A_479 = arith.constant 0 : i32
      %dma_wait3A_480 = tpu.memref_slice %arg3[%dma_wait3A_478, %dma_wait3A_479] : memref<2000000x64xf32, #tpu.memory_space<hbm>> -> memref<2000000x64xf32, #tpu.memory_space<hbm>>
      tpu.wait_indirect_dma semaphore(%arg7 : memref<!tpu.dma_semaphore, #tpu.memory_space<semaphore_mem>>) src(%dma_wait3A_480 : memref<2000000x64xf32, #tpu.memory_space<hbm>>) dst(%dma_wait3A_474 : memref<200x64xf32, #tpu.memory_space<vmem>>)
      %mul3A_481 = arith.constant 200 : i32
      %mul3A_482 = arith.muli %add3A_465, %mul3A_481 : i32
      %add3A_483 = arith.addi %mul3A_2, %mul3A_482 : i32
      %dma_start3A_484 = arith.constant 0 : i32
      %dma_start3A_485 = arith.constant 0 : i32
      %dma_start3A_486 = arith.constant 0 : i32
      %dma_start3A_487 = tpu.memref_slice %arg6[%dma_start3A_484, %dma_start3A_485, %dma_start3A_486] : memref<8x200x64xf32, #tpu.memory_space<vmem>> -> memref<1x200x64xf32, #tpu.memory_space<vmem>>
      %dma_start3A_488 = tpu.memref_squeeze %dma_start3A_487 : memref<1x200x64xf32, #tpu.memory_space<vmem>> -> memref<200x64xf32, #tpu.memory_space<vmem>>
      %dma_start3A_489 = arith.constant 0 : i32
      %dma_start3A_490 = tpu.memref_slice %arg4[%add3A_483, %dma_start3A_489] : memref<819200x128xf32, #tpu.memory_space<hbm>> -> memref<200x64xf32, #tpu.memory_space<hbm>>
      %dma_start3A_491 = arith.constant 0 : i32
      %dma_start3A_492 = tpu.memref_slice %arg4[%add3A_483, %dma_start3A_491] : memref<819200x128xf32, #tpu.memory_space<hbm>> -> memref<200x64xf32, #tpu.memory_space<hbm>>
      %dma_start3A_493 = arith.constant 0 : i32
      %dma_start3A_494 = arith.constant 0 : i32
      %dma_start3A_495 = tpu.memref_slice %arg6[%dma_start3A_484, %dma_start3A_493, %dma_start3A_494] : memref<8x200x64xf32, #tpu.memory_space<vmem>> -> memref<1x200x64xf32, #tpu.memory_space<vmem>>
      %dma_start3A_496 = tpu.memref_squeeze %dma_start3A_495 : memref<1x200x64xf32, #tpu.memory_space<vmem>> -> memref<200x64xf32, #tpu.memory_space<vmem>>
      tpu.enqueue_dma source(%dma_start3A_496 : memref<200x64xf32, #tpu.memory_space<vmem>>) target(%dma_start3A_492 : memref<200x64xf32, #tpu.memory_space<hbm>>) target_semaphore(%arg15 : memref<!tpu.dma_semaphore, #tpu.memory_space<semaphore_mem>>)
      %add3A_497 = arith.constant 1600 : i32
      %add3A_498 = arith.addi %add3A_468, %add3A_497 : i32
      %run_scoped3A_499 = arith.constant 0 : i32
      "tpu.region"() ({
        %run_scoped3A_990 = tpu.sem_alloc : memref<!tpu.dma_semaphore, #tpu.memory_space<semaphore_mem>>
        %dma_start3A_991 = arith.constant 0 : i32
        %dma_start3A_992 = tpu.memref_slice %arg5[%run_scoped3A_499, %dma_start3A_991] : memref<8x200xi32, #tpu.memory_space<vmem>> -> memref<1x200xi32, #tpu.memory_space<vmem>>
        %dma_start3A_993 = tpu.memref_squeeze %dma_start3A_992 : memref<1x200xi32, #tpu.memory_space<vmem>> -> memref<200xi32, #tpu.memory_space<vmem>>
        %dma_start3A_994 = tpu.memref_slice %arg2[%add3A_498] : memref<819200xi32, #tpu.memory_space<hbm>> -> memref<200xi32, #tpu.memory_space<hbm>>
        %dma_start3A_995 = arith.constant 0 : i32
        %dma_start3A_996 = tpu.memref_slice %arg5[%run_scoped3A_499, %dma_start3A_995] : memref<8x200xi32, #tpu.memory_space<vmem>> -> memref<1x200xi32, #tpu.memory_space<vmem>>
        %dma_start3A_997 = tpu.memref_squeeze %dma_start3A_996 : memref<1x200xi32, #tpu.memory_space<vmem>> -> memref<200xi32, #tpu.memory_space<vmem>>
        %dma_start3A_998 = tpu.memref_slice %arg2[%add3A_498] : memref<819200xi32, #tpu.memory_space<hbm>> -> memref<200xi32, #tpu.memory_space<hbm>>
        tpu.enqueue_dma source(%dma_start3A_998 : memref<200xi32, #tpu.memory_space<hbm>>) target(%dma_start3A_997 : memref<200xi32, #tpu.memory_space<vmem>>) target_semaphore(%run_scoped3A_990 : memref<!tpu.dma_semaphore, #tpu.memory_space<semaphore_mem>>)
        %dma_wait3A_999 = arith.constant 0 : i32
        %dma_wait3A_1000 = tpu.memref_slice %arg5[%run_scoped3A_499, %dma_wait3A_999] : memref<8x200xi32, #tpu.memory_space<vmem>> -> memref<1x200xi32, #tpu.memory_space<vmem>>
        %dma_wait3A_1001 = tpu.memref_squeeze %dma_wait3A_1000 : memref<1x200xi32, #tpu.memory_space<vmem>> -> memref<200xi32, #tpu.memory_space<vmem>>
        %dma_wait3A_1002 = tpu.memref_slice %arg2[%add3A_498] : memref<819200xi32, #tpu.memory_space<hbm>> -> memref<200xi32, #tpu.memory_space<hbm>>
        %dma_wait3A_1003 = arith.constant 0 : i32
        %dma_wait3A_1004 = tpu.memref_slice %arg5[%run_scoped3A_499, %dma_wait3A_1003] : memref<8x200xi32, #tpu.memory_space<vmem>> -> memref<1x200xi32, #tpu.memory_space<vmem>>
        %dma_wait3A_1005 = tpu.memref_squeeze %dma_wait3A_1004 : memref<1x200xi32, #tpu.memory_space<vmem>> -> memref<200xi32, #tpu.memory_space<vmem>>
        %dma_wait3A_1006 = tpu.memref_slice %arg2[%add3A_498] : memref<819200xi32, #tpu.memory_space<hbm>> -> memref<200xi32, #tpu.memory_space<hbm>>
        tpu.wait_dma2 semaphore(%run_scoped3A_990 : memref<!tpu.dma_semaphore, #tpu.memory_space<semaphore_mem>>) src(%dma_wait3A_1006 : memref<200xi32, #tpu.memory_space<hbm>>) dst(%dma_wait3A_1005 : memref<200xi32, #tpu.memory_space<vmem>>)
        tpu.yield
      }) : () -> ()
      %mul3A_500 = arith.constant 200 : i32
      %mul3A_501 = arith.muli %add3A_465, %mul3A_500 : i32
      %add3A_502 = arith.addi %mul3A_2, %mul3A_501 : i32
      %dma_wait3A_503 = arith.constant 0 : i32
      %dma_wait3A_504 = arith.constant 0 : i32
      %dma_wait3A_505 = arith.constant 0 : i32
      %dma_wait3A_506 = tpu.memref_slice %arg6[%dma_wait3A_503, %dma_wait3A_504, %dma_wait3A_505] : memref<8x200x64xf32, #tpu.memory_space<vmem>> -> memref<1x200x64xf32, #tpu.memory_space<vmem>>
      %dma_wait3A_507 = tpu.memref_squeeze %dma_wait3A_506 : memref<1x200x64xf32, #tpu.memory_space<vmem>> -> memref<200x64xf32, #tpu.memory_space<vmem>>
      %dma_wait3A_508 = arith.constant 0 : i32
      %dma_wait3A_509 = tpu.memref_slice %arg4[%add3A_502, %dma_wait3A_508] : memref<819200x128xf32, #tpu.memory_space<hbm>> -> memref<200x64xf32, #tpu.memory_space<hbm>>
      %dma_wait3A_510 = arith.constant 0 : i32
      %dma_wait3A_511 = tpu.memref_slice %arg4[%add3A_502, %dma_wait3A_510] : memref<819200x128xf32, #tpu.memory_space<hbm>> -> memref<200x64xf32, #tpu.memory_space<hbm>>
      %dma_wait3A_512 = arith.constant 0 : i32
      %dma_wait3A_513 = arith.constant 0 : i32
      %dma_wait3A_514 = tpu.memref_slice %arg6[%dma_wait3A_503, %dma_wait3A_512, %dma_wait3A_513] : memref<8x200x64xf32, #tpu.memory_space<vmem>> -> memref<1x200x64xf32, #tpu.memory_space<vmem>>
      %dma_wait3A_515 = tpu.memref_squeeze %dma_wait3A_514 : memref<1x200x64xf32, #tpu.memory_space<vmem>> -> memref<200x64xf32, #tpu.memory_space<vmem>>
      tpu.wait_dma2 semaphore(%arg15 : memref<!tpu.dma_semaphore, #tpu.memory_space<semaphore_mem>>) src(%dma_wait3A_515 : memref<200x64xf32, #tpu.memory_space<vmem>>) dst(%dma_wait3A_511 : memref<200x64xf32, #tpu.memory_space<hbm>>)
      %dma_start3A_516 = arith.constant 0 : i32
      %dma_start3A_517 = arith.constant 0 : i32
      %dma_start3A_518 = arith.constant 0 : i32
      %dma_start3A_519 = arith.constant 0 : i32
      %dma_start3A_520 = tpu.memref_slice %arg6[%dma_start3A_517, %dma_start3A_518, %dma_start3A_519] : memref<8x200x64xf32, #tpu.memory_space<vmem>> -> memref<1x200x64xf32, #tpu.memory_space<vmem>>
      %dma_start3A_521 = tpu.memref_squeeze %dma_start3A_520 : memref<1x200x64xf32, #tpu.memory_space<vmem>> -> memref<200x64xf32, #tpu.memory_space<vmem>>
      %dma_start3A_522 = arith.constant 0 : i32
      %dma_start3A_523 = tpu.memref_slice %arg5[%dma_start3A_516, %dma_start3A_522] : memref<8x200xi32, #tpu.memory_space<vmem>> -> memref<1x200xi32, #tpu.memory_space<vmem>>
      %dma_start3A_524 = tpu.memref_squeeze %dma_start3A_523 : memref<1x200xi32, #tpu.memory_space<vmem>> -> memref<200xi32, #tpu.memory_space<vmem>>
      %dma_start3A_525 = arith.constant 0 : i32
      %dma_start3A_526 = arith.constant 0 : i32
      %dma_start3A_527 = tpu.memref_slice %arg3[%dma_start3A_525, %dma_start3A_526] : memref<2000000x64xf32, #tpu.memory_space<hbm>> -> memref<2000000x64xf32, #tpu.memory_space<hbm>>
      tpu.enqueue_indirect_dma source(%dma_start3A_527 : memref<2000000x64xf32, #tpu.memory_space<hbm>>) target(%dma_start3A_521 : memref<200x64xf32, #tpu.memory_space<vmem>>) offsets(%dma_start3A_524 : memref<200xi32, #tpu.memory_space<vmem>>) semaphore(%arg7 : memref<!tpu.dma_semaphore, #tpu.memory_space<semaphore_mem>>)
      %mul3A_528 = arith.constant 8 : i32
      %mul3A_529 = arith.muli %scan3A_461, %mul3A_528 : i32
      %add3A_530 = arith.constant 1 : i32
      %add3A_531 = arith.addi %mul3A_529, %add3A_530 : i32
      %mul3A_532 = arith.constant 200 : i32
      %mul3A_533 = arith.muli %add3A_531, %mul3A_532 : i32
      %add3A_534 = arith.addi %mul3A_2, %mul3A_533 : i32
      %dma_wait3A_535 = arith.constant 1 : i32
      %dma_wait3A_536 = arith.constant 1 : i32
      %dma_wait3A_537 = arith.constant 0 : i32
      %dma_wait3A_538 = arith.constant 0 : i32
      %dma_wait3A_539 = tpu.memref_slice %arg6[%dma_wait3A_536, %dma_wait3A_537, %dma_wait3A_538] : memref<8x200x64xf32, #tpu.memory_space<vmem>> -> memref<1x200x64xf32, #tpu.memory_space<vmem>>
      %dma_wait3A_540 = tpu.memref_squeeze %dma_wait3A_539 : memref<1x200x64xf32, #tpu.memory_space<vmem>> -> memref<200x64xf32, #tpu.memory_space<vmem>>
      %dma_wait3A_541 = arith.constant 0 : i32
      %dma_wait3A_542 = tpu.memref_slice %arg5[%dma_wait3A_535, %dma_wait3A_541] : memref<8x200xi32, #tpu.memory_space<vmem>> -> memref<1x200xi32, #tpu.memory_space<vmem>>
      %dma_wait3A_543 = tpu.memref_squeeze %dma_wait3A_542 : memref<1x200xi32, #tpu.memory_space<vmem>> -> memref<200xi32, #tpu.memory_space<vmem>>
      %dma_wait3A_544 = arith.constant 0 : i32
      %dma_wait3A_545 = arith.constant 0 : i32
      %dma_wait3A_546 = tpu.memref_slice %arg3[%dma_wait3A_544, %dma_wait3A_545] : memref<2000000x64xf32, #tpu.memory_space<hbm>> -> memref<2000000x64xf32, #tpu.memory_space<hbm>>
      tpu.wait_indirect_dma semaphore(%arg8 : memref<!tpu.dma_semaphore, #tpu.memory_space<semaphore_mem>>) src(%dma_wait3A_546 : memref<2000000x64xf32, #tpu.memory_space<hbm>>) dst(%dma_wait3A_540 : memref<200x64xf32, #tpu.memory_space<vmem>>)
      %mul3A_547 = arith.constant 200 : i32
      %mul3A_548 = arith.muli %add3A_531, %mul3A_547 : i32
      %add3A_549 = arith.addi %mul3A_2, %mul3A_548 : i32
      %dma_start3A_550 = arith.constant 1 : i32
      %dma_start3A_551 = arith.constant 0 : i32
      %dma_start3A_552 = arith.constant 0 : i32
      %dma_start3A_553 = tpu.memref_slice %arg6[%dma_start3A_550, %dma_start3A_551, %dma_start3A_552] : memref<8x200x64xf32, #tpu.memory_space<vmem>> -> memref<1x200x64xf32, #tpu.memory_space<vmem>>
      %dma_start3A_554 = tpu.memref_squeeze %dma_start3A_553 : memref<1x200x64xf32, #tpu.memory_space<vmem>> -> memref<200x64xf32, #tpu.memory_space<vmem>>
      %dma_start3A_555 = arith.constant 0 : i32
      %dma_start3A_556 = tpu.memref_slice %arg4[%add3A_549, %dma_start3A_555] : memref<819200x128xf32, #tpu.memory_space<hbm>> -> memref<200x64xf32, #tpu.memory_space<hbm>>
      %dma_start3A_557 = arith.constant 0 : i32
      %dma_start3A_558 = tpu.memref_slice %arg4[%add3A_549, %dma_start3A_557] : memref<819200x128xf32, #tpu.memory_space<hbm>> -> memref<200x64xf32, #tpu.memory_space<hbm>>
      %dma_start3A_559 = arith.constant 0 : i32
      %dma_start3A_560 = arith.constant 0 : i32
      %dma_start3A_561 = tpu.memref_slice %arg6[%dma_start3A_550, %dma_start3A_559, %dma_start3A_560] : memref<8x200x64xf32, #tpu.memory_space<vmem>> -> memref<1x200x64xf32, #tpu.memory_space<vmem>>
      %dma_start3A_562 = tpu.memref_squeeze %dma_start3A_561 : memref<1x200x64xf32, #tpu.memory_space<vmem>> -> memref<200x64xf32, #tpu.memory_space<vmem>>
      tpu.enqueue_dma source(%dma_start3A_562 : memref<200x64xf32, #tpu.memory_space<vmem>>) target(%dma_start3A_558 : memref<200x64xf32, #tpu.memory_space<hbm>>) target_semaphore(%arg16 : memref<!tpu.dma_semaphore, #tpu.memory_space<semaphore_mem>>)
      %add3A_563 = arith.constant 1600 : i32
      %add3A_564 = arith.addi %add3A_534, %add3A_563 : i32
      %run_scoped3A_565 = arith.constant 1 : i32
      "tpu.region"() ({
        %run_scoped3A_990 = tpu.sem_alloc : memref<!tpu.dma_semaphore, #tpu.memory_space<semaphore_mem>>
        %dma_start3A_991 = arith.constant 0 : i32
        %dma_start3A_992 = tpu.memref_slice %arg5[%run_scoped3A_565, %dma_start3A_991] : memref<8x200xi32, #tpu.memory_space<vmem>> -> memref<1x200xi32, #tpu.memory_space<vmem>>
        %dma_start3A_993 = tpu.memref_squeeze %dma_start3A_992 : memref<1x200xi32, #tpu.memory_space<vmem>> -> memref<200xi32, #tpu.memory_space<vmem>>
        %dma_start3A_994 = tpu.memref_slice %arg2[%add3A_564] : memref<819200xi32, #tpu.memory_space<hbm>> -> memref<200xi32, #tpu.memory_space<hbm>>
        %dma_start3A_995 = arith.constant 0 : i32
        %dma_start3A_996 = tpu.memref_slice %arg5[%run_scoped3A_565, %dma_start3A_995] : memref<8x200xi32, #tpu.memory_space<vmem>> -> memref<1x200xi32, #tpu.memory_space<vmem>>
        %dma_start3A_997 = tpu.memref_squeeze %dma_start3A_996 : memref<1x200xi32, #tpu.memory_space<vmem>> -> memref<200xi32, #tpu.memory_space<vmem>>
        %dma_start3A_998 = tpu.memref_slice %arg2[%add3A_564] : memref<819200xi32, #tpu.memory_space<hbm>> -> memref<200xi32, #tpu.memory_space<hbm>>
        tpu.enqueue_dma source(%dma_start3A_998 : memref<200xi32, #tpu.memory_space<hbm>>) target(%dma_start3A_997 : memref<200xi32, #tpu.memory_space<vmem>>) target_semaphore(%run_scoped3A_990 : memref<!tpu.dma_semaphore, #tpu.memory_space<semaphore_mem>>)
        %dma_wait3A_999 = arith.constant 0 : i32
        %dma_wait3A_1000 = tpu.memref_slice %arg5[%run_scoped3A_565, %dma_wait3A_999] : memref<8x200xi32, #tpu.memory_space<vmem>> -> memref<1x200xi32, #tpu.memory_space<vmem>>
        %dma_wait3A_1001 = tpu.memref_squeeze %dma_wait3A_1000 : memref<1x200xi32, #tpu.memory_space<vmem>> -> memref<200xi32, #tpu.memory_space<vmem>>
        %dma_wait3A_1002 = tpu.memref_slice %arg2[%add3A_564] : memref<819200xi32, #tpu.memory_space<hbm>> -> memref<200xi32, #tpu.memory_space<hbm>>
        %dma_wait3A_1003 = arith.constant 0 : i32
        %dma_wait3A_1004 = tpu.memref_slice %arg5[%run_scoped3A_565, %dma_wait3A_1003] : memref<8x200xi32, #tpu.memory_space<vmem>> -> memref<1x200xi32, #tpu.memory_space<vmem>>
        %dma_wait3A_1005 = tpu.memref_squeeze %dma_wait3A_1004 : memref<1x200xi32, #tpu.memory_space<vmem>> -> memref<200xi32, #tpu.memory_space<vmem>>
        %dma_wait3A_1006 = tpu.memref_slice %arg2[%add3A_564] : memref<819200xi32, #tpu.memory_space<hbm>> -> memref<200xi32, #tpu.memory_space<hbm>>
        tpu.wait_dma2 semaphore(%run_scoped3A_990 : memref<!tpu.dma_semaphore, #tpu.memory_space<semaphore_mem>>) src(%dma_wait3A_1006 : memref<200xi32, #tpu.memory_space<hbm>>) dst(%dma_wait3A_1005 : memref<200xi32, #tpu.memory_space<vmem>>)
        tpu.yield
      }) : () -> ()
      %mul3A_566 = arith.constant 200 : i32
      %mul3A_567 = arith.muli %add3A_531, %mul3A_566 : i32
      %add3A_568 = arith.addi %mul3A_2, %mul3A_567 : i32
      %dma_wait3A_569 = arith.constant 1 : i32
      %dma_wait3A_570 = arith.constant 0 : i32
      %dma_wait3A_571 = arith.constant 0 : i32
      %dma_wait3A_572 = tpu.memref_slice %arg6[%dma_wait3A_569, %dma_wait3A_570, %dma_wait3A_571] : memref<8x200x64xf32, #tpu.memory_space<vmem>> -> memref<1x200x64xf32, #tpu.memory_space<vmem>>
      %dma_wait3A_573 = tpu.memref_squeeze %dma_wait3A_572 : memref<1x200x64xf32, #tpu.memory_space<vmem>> -> memref<200x64xf32, #tpu.memory_space<vmem>>
      %dma_wait3A_574 = arith.constant 0 : i32
      %dma_wait3A_575 = tpu.memref_slice %arg4[%add3A_568, %dma_wait3A_574] : memref<819200x128xf32, #tpu.memory_space<hbm>> -> memref<200x64xf32, #tpu.memory_space<hbm>>
      %dma_wait3A_576 = arith.constant 0 : i32
      %dma_wait3A_577 = tpu.memref_slice %arg4[%add3A_568, %dma_wait3A_576] : memref<819200x128xf32, #tpu.memory_space<hbm>> -> memref<200x64xf32, #tpu.memory_space<hbm>>
      %dma_wait3A_578 = arith.constant 0 : i32
      %dma_wait3A_579 = arith.constant 0 : i32
      %dma_wait3A_580 = tpu.memref_slice %arg6[%dma_wait3A_569, %dma_wait3A_578, %dma_wait3A_579] : memref<8x200x64xf32, #tpu.memory_space<vmem>> -> memref<1x200x64xf32, #tpu.memory_space<vmem>>
      %dma_wait3A_581 = tpu.memref_squeeze %dma_wait3A_580 : memref<1x200x64xf32, #tpu.memory_space<vmem>> -> memref<200x64xf32, #tpu.memory_space<vmem>>
      tpu.wait_dma2 semaphore(%arg16 : memref<!tpu.dma_semaphore, #tpu.memory_space<semaphore_mem>>) src(%dma_wait3A_581 : memref<200x64xf32, #tpu.memory_space<vmem>>) dst(%dma_wait3A_577 : memref<200x64xf32, #tpu.memory_space<hbm>>)
      %dma_start3A_582 = arith.constant 1 : i32
      %dma_start3A_583 = arith.constant 1 : i32
      %dma_start3A_584 = arith.constant 0 : i32
      %dma_start3A_585 = arith.constant 0 : i32
      %dma_start3A_586 = tpu.memref_slice %arg6[%dma_start3A_583, %dma_start3A_584, %dma_start3A_585] : memref<8x200x64xf32, #tpu.memory_space<vmem>> -> memref<1x200x64xf32, #tpu.memory_space<vmem>>
      %dma_start3A_587 = tpu.memref_squeeze %dma_start3A_586 : memref<1x200x64xf32, #tpu.memory_space<vmem>> -> memref<200x64xf32, #tpu.memory_space<vmem>>
      %dma_start3A_588 = arith.constant 0 : i32
      %dma_start3A_589 = tpu.memref_slice %arg5[%dma_start3A_582, %dma_start3A_588] : memref<8x200xi32, #tpu.memory_space<vmem>> -> memref<1x200xi32, #tpu.memory_space<vmem>>
      %dma_start3A_590 = tpu.memref_squeeze %dma_start3A_589 : memref<1x200xi32, #tpu.memory_space<vmem>> -> memref<200xi32, #tpu.memory_space<vmem>>
      %dma_start3A_591 = arith.constant 0 : i32
      %dma_start3A_592 = arith.constant 0 : i32
      %dma_start3A_593 = tpu.memref_slice %arg3[%dma_start3A_591, %dma_start3A_592] : memref<2000000x64xf32, #tpu.memory_space<hbm>> -> memref<2000000x64xf32, #tpu.memory_space<hbm>>
      tpu.enqueue_indirect_dma source(%dma_start3A_593 : memref<2000000x64xf32, #tpu.memory_space<hbm>>) target(%dma_start3A_587 : memref<200x64xf32, #tpu.memory_space<vmem>>) offsets(%dma_start3A_590 : memref<200xi32, #tpu.memory_space<vmem>>) semaphore(%arg8 : memref<!tpu.dma_semaphore, #tpu.memory_space<semaphore_mem>>)
      %mul3A_594 = arith.constant 8 : i32
      %mul3A_595 = arith.muli %scan3A_461, %mul3A_594 : i32
      %add3A_596 = arith.constant 2 : i32
      %add3A_597 = arith.addi %mul3A_595, %add3A_596 : i32
      %mul3A_598 = arith.constant 200 : i32
      %mul3A_599 = arith.muli %add3A_597, %mul3A_598 : i32
      %add3A_600 = arith.addi %mul3A_2, %mul3A_599 : i32
      %dma_wait3A_601 = arith.constant 2 : i32
      %dma_wait3A_602 = arith.constant 2 : i32
      %dma_wait3A_603 = arith.constant 0 : i32
      %dma_wait3A_604 = arith.constant 0 : i32
      %dma_wait3A_605 = tpu.memref_slice %arg6[%dma_wait3A_602, %dma_wait3A_603, %dma_wait3A_604] : memref<8x200x64xf32, #tpu.memory_space<vmem>> -> memref<1x200x64xf32, #tpu.memory_space<vmem>>
      %dma_wait3A_606 = tpu.memref_squeeze %dma_wait3A_605 : memref<1x200x64xf32, #tpu.memory_space<vmem>> -> memref<200x64xf32, #tpu.memory_space<vmem>>
      %dma_wait3A_607 = arith.constant 0 : i32
      %dma_wait3A_608 = tpu.memref_slice %arg5[%dma_wait3A_601, %dma_wait3A_607] : memref<8x200xi32, #tpu.memory_space<vmem>> -> memref<1x200xi32, #tpu.memory_space<vmem>>
      %dma_wait3A_609 = tpu.memref_squeeze %dma_wait3A_608 : memref<1x200xi32, #tpu.memory_space<vmem>> -> memref<200xi32, #tpu.memory_space<vmem>>
      %dma_wait3A_610 = arith.constant 0 : i32
      %dma_wait3A_611 = arith.constant 0 : i32
      %dma_wait3A_612 = tpu.memref_slice %arg3[%dma_wait3A_610, %dma_wait3A_611] : memref<2000000x64xf32, #tpu.memory_space<hbm>> -> memref<2000000x64xf32, #tpu.memory_space<hbm>>
      tpu.wait_indirect_dma semaphore(%arg9 : memref<!tpu.dma_semaphore, #tpu.memory_space<semaphore_mem>>) src(%dma_wait3A_612 : memref<2000000x64xf32, #tpu.memory_space<hbm>>) dst(%dma_wait3A_606 : memref<200x64xf32, #tpu.memory_space<vmem>>)
      %mul3A_613 = arith.constant 200 : i32
      %mul3A_614 = arith.muli %add3A_597, %mul3A_613 : i32
      %add3A_615 = arith.addi %mul3A_2, %mul3A_614 : i32
      %dma_start3A_616 = arith.constant 2 : i32
      %dma_start3A_617 = arith.constant 0 : i32
      %dma_start3A_618 = arith.constant 0 : i32
      %dma_start3A_619 = tpu.memref_slice %arg6[%dma_start3A_616, %dma_start3A_617, %dma_start3A_618] : memref<8x200x64xf32, #tpu.memory_space<vmem>> -> memref<1x200x64xf32, #tpu.memory_space<vmem>>
      %dma_start3A_620 = tpu.memref_squeeze %dma_start3A_619 : memref<1x200x64xf32, #tpu.memory_space<vmem>> -> memref<200x64xf32, #tpu.memory_space<vmem>>
      %dma_start3A_621 = arith.constant 0 : i32
      %dma_start3A_622 = tpu.memref_slice %arg4[%add3A_615, %dma_start3A_621] : memref<819200x128xf32, #tpu.memory_space<hbm>> -> memref<200x64xf32, #tpu.memory_space<hbm>>
      %dma_start3A_623 = arith.constant 0 : i32
      %dma_start3A_624 = tpu.memref_slice %arg4[%add3A_615, %dma_start3A_623] : memref<819200x128xf32, #tpu.memory_space<hbm>> -> memref<200x64xf32, #tpu.memory_space<hbm>>
      %dma_start3A_625 = arith.constant 0 : i32
      %dma_start3A_626 = arith.constant 0 : i32
      %dma_start3A_627 = tpu.memref_slice %arg6[%dma_start3A_616, %dma_start3A_625, %dma_start3A_626] : memref<8x200x64xf32, #tpu.memory_space<vmem>> -> memref<1x200x64xf32, #tpu.memory_space<vmem>>
      %dma_start3A_628 = tpu.memref_squeeze %dma_start3A_627 : memref<1x200x64xf32, #tpu.memory_space<vmem>> -> memref<200x64xf32, #tpu.memory_space<vmem>>
      tpu.enqueue_dma source(%dma_start3A_628 : memref<200x64xf32, #tpu.memory_space<vmem>>) target(%dma_start3A_624 : memref<200x64xf32, #tpu.memory_space<hbm>>) target_semaphore(%arg17 : memref<!tpu.dma_semaphore, #tpu.memory_space<semaphore_mem>>)
      %add3A_629 = arith.constant 1600 : i32
      %add3A_630 = arith.addi %add3A_600, %add3A_629 : i32
      %run_scoped3A_631 = arith.constant 2 : i32
      "tpu.region"() ({
        %run_scoped3A_990 = tpu.sem_alloc : memref<!tpu.dma_semaphore, #tpu.memory_space<semaphore_mem>>
        %dma_start3A_991 = arith.constant 0 : i32
        %dma_start3A_992 = tpu.memref_slice %arg5[%run_scoped3A_631, %dma_start3A_991] : memref<8x200xi32, #tpu.memory_space<vmem>> -> memref<1x200xi32, #tpu.memory_space<vmem>>
        %dma_start3A_993 = tpu.memref_squeeze %dma_start3A_992 : memref<1x200xi32, #tpu.memory_space<vmem>> -> memref<200xi32, #tpu.memory_space<vmem>>
        %dma_start3A_994 = tpu.memref_slice %arg2[%add3A_630] : memref<819200xi32, #tpu.memory_space<hbm>> -> memref<200xi32, #tpu.memory_space<hbm>>
        %dma_start3A_995 = arith.constant 0 : i32
        %dma_start3A_996 = tpu.memref_slice %arg5[%run_scoped3A_631, %dma_start3A_995] : memref<8x200xi32, #tpu.memory_space<vmem>> -> memref<1x200xi32, #tpu.memory_space<vmem>>
        %dma_start3A_997 = tpu.memref_squeeze %dma_start3A_996 : memref<1x200xi32, #tpu.memory_space<vmem>> -> memref<200xi32, #tpu.memory_space<vmem>>
        %dma_start3A_998 = tpu.memref_slice %arg2[%add3A_630] : memref<819200xi32, #tpu.memory_space<hbm>> -> memref<200xi32, #tpu.memory_space<hbm>>
        tpu.enqueue_dma source(%dma_start3A_998 : memref<200xi32, #tpu.memory_space<hbm>>) target(%dma_start3A_997 : memref<200xi32, #tpu.memory_space<vmem>>) target_semaphore(%run_scoped3A_990 : memref<!tpu.dma_semaphore, #tpu.memory_space<semaphore_mem>>)
        %dma_wait3A_999 = arith.constant 0 : i32
        %dma_wait3A_1000 = tpu.memref_slice %arg5[%run_scoped3A_631, %dma_wait3A_999] : memref<8x200xi32, #tpu.memory_space<vmem>> -> memref<1x200xi32, #tpu.memory_space<vmem>>
        %dma_wait3A_1001 = tpu.memref_squeeze %dma_wait3A_1000 : memref<1x200xi32, #tpu.memory_space<vmem>> -> memref<200xi32, #tpu.memory_space<vmem>>
        %dma_wait3A_1002 = tpu.memref_slice %arg2[%add3A_630] : memref<819200xi32, #tpu.memory_space<hbm>> -> memref<200xi32, #tpu.memory_space<hbm>>
        %dma_wait3A_1003 = arith.constant 0 : i32
        %dma_wait3A_1004 = tpu.memref_slice %arg5[%run_scoped3A_631, %dma_wait3A_1003] : memref<8x200xi32, #tpu.memory_space<vmem>> -> memref<1x200xi32, #tpu.memory_space<vmem>>
        %dma_wait3A_1005 = tpu.memref_squeeze %dma_wait3A_1004 : memref<1x200xi32, #tpu.memory_space<vmem>> -> memref<200xi32, #tpu.memory_space<vmem>>
        %dma_wait3A_1006 = tpu.memref_slice %arg2[%add3A_630] : memref<819200xi32, #tpu.memory_space<hbm>> -> memref<200xi32, #tpu.memory_space<hbm>>
        tpu.wait_dma2 semaphore(%run_scoped3A_990 : memref<!tpu.dma_semaphore, #tpu.memory_space<semaphore_mem>>) src(%dma_wait3A_1006 : memref<200xi32, #tpu.memory_space<hbm>>) dst(%dma_wait3A_1005 : memref<200xi32, #tpu.memory_space<vmem>>)
        tpu.yield
      }) : () -> ()
      %mul3A_632 = arith.constant 200 : i32
      %mul3A_633 = arith.muli %add3A_597, %mul3A_632 : i32
      %add3A_634 = arith.addi %mul3A_2, %mul3A_633 : i32
      %dma_wait3A_635 = arith.constant 2 : i32
      %dma_wait3A_636 = arith.constant 0 : i32
      %dma_wait3A_637 = arith.constant 0 : i32
      %dma_wait3A_638 = tpu.memref_slice %arg6[%dma_wait3A_635, %dma_wait3A_636, %dma_wait3A_637] : memref<8x200x64xf32, #tpu.memory_space<vmem>> -> memref<1x200x64xf32, #tpu.memory_space<vmem>>
      %dma_wait3A_639 = tpu.memref_squeeze %dma_wait3A_638 : memref<1x200x64xf32, #tpu.memory_space<vmem>> -> memref<200x64xf32, #tpu.memory_space<vmem>>
      %dma_wait3A_640 = arith.constant 0 : i32
      %dma_wait3A_641 = tpu.memref_slice %arg4[%add3A_634, %dma_wait3A_640] : memref<819200x128xf32, #tpu.memory_space<hbm>> -> memref<200x64xf32, #tpu.memory_space<hbm>>
      %dma_wait3A_642 = arith.constant 0 : i32
      %dma_wait3A_643 = tpu.memref_slice %arg4[%add3A_634, %dma_wait3A_642] : memref<819200x128xf32, #tpu.memory_space<hbm>> -> memref<200x64xf32, #tpu.memory_space<hbm>>
      %dma_wait3A_644 = arith.constant 0 : i32
      %dma_wait3A_645 = arith.constant 0 : i32
      %dma_wait3A_646 = tpu.memref_slice %arg6[%dma_wait3A_635, %dma_wait3A_644, %dma_wait3A_645] : memref<8x200x64xf32, #tpu.memory_space<vmem>> -> memref<1x200x64xf32, #tpu.memory_space<vmem>>
      %dma_wait3A_647 = tpu.memref_squeeze %dma_wait3A_646 : memref<1x200x64xf32, #tpu.memory_space<vmem>> -> memref<200x64xf32, #tpu.memory_space<vmem>>
      tpu.wait_dma2 semaphore(%arg17 : memref<!tpu.dma_semaphore, #tpu.memory_space<semaphore_mem>>) src(%dma_wait3A_647 : memref<200x64xf32, #tpu.memory_space<vmem>>) dst(%dma_wait3A_643 : memref<200x64xf32, #tpu.memory_space<hbm>>)
      %dma_start3A_648 = arith.constant 2 : i32
      %dma_start3A_649 = arith.constant 2 : i32
      %dma_start3A_650 = arith.constant 0 : i32
      %dma_start3A_651 = arith.constant 0 : i32
      %dma_start3A_652 = tpu.memref_slice %arg6[%dma_start3A_649, %dma_start3A_650, %dma_start3A_651] : memref<8x200x64xf32, #tpu.memory_space<vmem>> -> memref<1x200x64xf32, #tpu.memory_space<vmem>>
      %dma_start3A_653 = tpu.memref_squeeze %dma_start3A_652 : memref<1x200x64xf32, #tpu.memory_space<vmem>> -> memref<200x64xf32, #tpu.memory_space<vmem>>
      %dma_start3A_654 = arith.constant 0 : i32
      %dma_start3A_655 = tpu.memref_slice %arg5[%dma_start3A_648, %dma_start3A_654] : memref<8x200xi32, #tpu.memory_space<vmem>> -> memref<1x200xi32, #tpu.memory_space<vmem>>
      %dma_start3A_656 = tpu.memref_squeeze %dma_start3A_655 : memref<1x200xi32, #tpu.memory_space<vmem>> -> memref<200xi32, #tpu.memory_space<vmem>>
      %dma_start3A_657 = arith.constant 0 : i32
      %dma_start3A_658 = arith.constant 0 : i32
      %dma_start3A_659 = tpu.memref_slice %arg3[%dma_start3A_657, %dma_start3A_658] : memref<2000000x64xf32, #tpu.memory_space<hbm>> -> memref<2000000x64xf32, #tpu.memory_space<hbm>>
      tpu.enqueue_indirect_dma source(%dma_start3A_659 : memref<2000000x64xf32, #tpu.memory_space<hbm>>) target(%dma_start3A_653 : memref<200x64xf32, #tpu.memory_space<vmem>>) offsets(%dma_start3A_656 : memref<200xi32, #tpu.memory_space<vmem>>) semaphore(%arg9 : memref<!tpu.dma_semaphore, #tpu.memory_space<semaphore_mem>>)
      %mul3A_660 = arith.constant 8 : i32
      %mul3A_661 = arith.muli %scan3A_461, %mul3A_660 : i32
      %add3A_662 = arith.constant 3 : i32
      %add3A_663 = arith.addi %mul3A_661, %add3A_662 : i32
      %mul3A_664 = arith.constant 200 : i32
      %mul3A_665 = arith.muli %add3A_663, %mul3A_664 : i32
      %add3A_666 = arith.addi %mul3A_2, %mul3A_665 : i32
      %dma_wait3A_667 = arith.constant 3 : i32
      %dma_wait3A_668 = arith.constant 3 : i32
      %dma_wait3A_669 = arith.constant 0 : i32
      %dma_wait3A_670 = arith.constant 0 : i32
      %dma_wait3A_671 = tpu.memref_slice %arg6[%dma_wait3A_668, %dma_wait3A_669, %dma_wait3A_670] : memref<8x200x64xf32, #tpu.memory_space<vmem>> -> memref<1x200x64xf32, #tpu.memory_space<vmem>>
      %dma_wait3A_672 = tpu.memref_squeeze %dma_wait3A_671 : memref<1x200x64xf32, #tpu.memory_space<vmem>> -> memref<200x64xf32, #tpu.memory_space<vmem>>
      %dma_wait3A_673 = arith.constant 0 : i32
      %dma_wait3A_674 = tpu.memref_slice %arg5[%dma_wait3A_667, %dma_wait3A_673] : memref<8x200xi32, #tpu.memory_space<vmem>> -> memref<1x200xi32, #tpu.memory_space<vmem>>
      %dma_wait3A_675 = tpu.memref_squeeze %dma_wait3A_674 : memref<1x200xi32, #tpu.memory_space<vmem>> -> memref<200xi32, #tpu.memory_space<vmem>>
      %dma_wait3A_676 = arith.constant 0 : i32
      %dma_wait3A_677 = arith.constant 0 : i32
      %dma_wait3A_678 = tpu.memref_slice %arg3[%dma_wait3A_676, %dma_wait3A_677] : memref<2000000x64xf32, #tpu.memory_space<hbm>> -> memref<2000000x64xf32, #tpu.memory_space<hbm>>
      tpu.wait_indirect_dma semaphore(%arg10 : memref<!tpu.dma_semaphore, #tpu.memory_space<semaphore_mem>>) src(%dma_wait3A_678 : memref<2000000x64xf32, #tpu.memory_space<hbm>>) dst(%dma_wait3A_672 : memref<200x64xf32, #tpu.memory_space<vmem>>)
      %mul3A_679 = arith.constant 200 : i32
      %mul3A_680 = arith.muli %add3A_663, %mul3A_679 : i32
      %add3A_681 = arith.addi %mul3A_2, %mul3A_680 : i32
      %dma_start3A_682 = arith.constant 3 : i32
      %dma_start3A_683 = arith.constant 0 : i32
      %dma_start3A_684 = arith.constant 0 : i32
      %dma_start3A_685 = tpu.memref_slice %arg6[%dma_start3A_682, %dma_start3A_683, %dma_start3A_684] : memref<8x200x64xf32, #tpu.memory_space<vmem>> -> memref<1x200x64xf32, #tpu.memory_space<vmem>>
      %dma_start3A_686 = tpu.memref_squeeze %dma_start3A_685 : memref<1x200x64xf32, #tpu.memory_space<vmem>> -> memref<200x64xf32, #tpu.memory_space<vmem>>
      %dma_start3A_687 = arith.constant 0 : i32
      %dma_start3A_688 = tpu.memref_slice %arg4[%add3A_681, %dma_start3A_687] : memref<819200x128xf32, #tpu.memory_space<hbm>> -> memref<200x64xf32, #tpu.memory_space<hbm>>
      %dma_start3A_689 = arith.constant 0 : i32
      %dma_start3A_690 = tpu.memref_slice %arg4[%add3A_681, %dma_start3A_689] : memref<819200x128xf32, #tpu.memory_space<hbm>> -> memref<200x64xf32, #tpu.memory_space<hbm>>
      %dma_start3A_691 = arith.constant 0 : i32
      %dma_start3A_692 = arith.constant 0 : i32
      %dma_start3A_693 = tpu.memref_slice %arg6[%dma_start3A_682, %dma_start3A_691, %dma_start3A_692] : memref<8x200x64xf32, #tpu.memory_space<vmem>> -> memref<1x200x64xf32, #tpu.memory_space<vmem>>
      %dma_start3A_694 = tpu.memref_squeeze %dma_start3A_693 : memref<1x200x64xf32, #tpu.memory_space<vmem>> -> memref<200x64xf32, #tpu.memory_space<vmem>>
      tpu.enqueue_dma source(%dma_start3A_694 : memref<200x64xf32, #tpu.memory_space<vmem>>) target(%dma_start3A_690 : memref<200x64xf32, #tpu.memory_space<hbm>>) target_semaphore(%arg18 : memref<!tpu.dma_semaphore, #tpu.memory_space<semaphore_mem>>)
      %add3A_695 = arith.constant 1600 : i32
      %add3A_696 = arith.addi %add3A_666, %add3A_695 : i32
      %run_scoped3A_697 = arith.constant 3 : i32
      "tpu.region"() ({
        %run_scoped3A_990 = tpu.sem_alloc : memref<!tpu.dma_semaphore, #tpu.memory_space<semaphore_mem>>
        %dma_start3A_991 = arith.constant 0 : i32
        %dma_start3A_992 = tpu.memref_slice %arg5[%run_scoped3A_697, %dma_start3A_991] : memref<8x200xi32, #tpu.memory_space<vmem>> -> memref<1x200xi32, #tpu.memory_space<vmem>>
        %dma_start3A_993 = tpu.memref_squeeze %dma_start3A_992 : memref<1x200xi32, #tpu.memory_space<vmem>> -> memref<200xi32, #tpu.memory_space<vmem>>
        %dma_start3A_994 = tpu.memref_slice %arg2[%add3A_696] : memref<819200xi32, #tpu.memory_space<hbm>> -> memref<200xi32, #tpu.memory_space<hbm>>
        %dma_start3A_995 = arith.constant 0 : i32
        %dma_start3A_996 = tpu.memref_slice %arg5[%run_scoped3A_697, %dma_start3A_995] : memref<8x200xi32, #tpu.memory_space<vmem>> -> memref<1x200xi32, #tpu.memory_space<vmem>>
        %dma_start3A_997 = tpu.memref_squeeze %dma_start3A_996 : memref<1x200xi32, #tpu.memory_space<vmem>> -> memref<200xi32, #tpu.memory_space<vmem>>
        %dma_start3A_998 = tpu.memref_slice %arg2[%add3A_696] : memref<819200xi32, #tpu.memory_space<hbm>> -> memref<200xi32, #tpu.memory_space<hbm>>
        tpu.enqueue_dma source(%dma_start3A_998 : memref<200xi32, #tpu.memory_space<hbm>>) target(%dma_start3A_997 : memref<200xi32, #tpu.memory_space<vmem>>) target_semaphore(%run_scoped3A_990 : memref<!tpu.dma_semaphore, #tpu.memory_space<semaphore_mem>>)
        %dma_wait3A_999 = arith.constant 0 : i32
        %dma_wait3A_1000 = tpu.memref_slice %arg5[%run_scoped3A_697, %dma_wait3A_999] : memref<8x200xi32, #tpu.memory_space<vmem>> -> memref<1x200xi32, #tpu.memory_space<vmem>>
        %dma_wait3A_1001 = tpu.memref_squeeze %dma_wait3A_1000 : memref<1x200xi32, #tpu.memory_space<vmem>> -> memref<200xi32, #tpu.memory_space<vmem>>
        %dma_wait3A_1002 = tpu.memref_slice %arg2[%add3A_696] : memref<819200xi32, #tpu.memory_space<hbm>> -> memref<200xi32, #tpu.memory_space<hbm>>
        %dma_wait3A_1003 = arith.constant 0 : i32
        %dma_wait3A_1004 = tpu.memref_slice %arg5[%run_scoped3A_697, %dma_wait3A_1003] : memref<8x200xi32, #tpu.memory_space<vmem>> -> memref<1x200xi32, #tpu.memory_space<vmem>>
        %dma_wait3A_1005 = tpu.memref_squeeze %dma_wait3A_1004 : memref<1x200xi32, #tpu.memory_space<vmem>> -> memref<200xi32, #tpu.memory_space<vmem>>
        %dma_wait3A_1006 = tpu.memref_slice %arg2[%add3A_696] : memref<819200xi32, #tpu.memory_space<hbm>> -> memref<200xi32, #tpu.memory_space<hbm>>
        tpu.wait_dma2 semaphore(%run_scoped3A_990 : memref<!tpu.dma_semaphore, #tpu.memory_space<semaphore_mem>>) src(%dma_wait3A_1006 : memref<200xi32, #tpu.memory_space<hbm>>) dst(%dma_wait3A_1005 : memref<200xi32, #tpu.memory_space<vmem>>)
        tpu.yield
      }) : () -> ()
      %mul3A_698 = arith.constant 200 : i32
      %mul3A_699 = arith.muli %add3A_663, %mul3A_698 : i32
      %add3A_700 = arith.addi %mul3A_2, %mul3A_699 : i32
      %dma_wait3A_701 = arith.constant 3 : i32
      %dma_wait3A_702 = arith.constant 0 : i32
      %dma_wait3A_703 = arith.constant 0 : i32
      %dma_wait3A_704 = tpu.memref_slice %arg6[%dma_wait3A_701, %dma_wait3A_702, %dma_wait3A_703] : memref<8x200x64xf32, #tpu.memory_space<vmem>> -> memref<1x200x64xf32, #tpu.memory_space<vmem>>
      %dma_wait3A_705 = tpu.memref_squeeze %dma_wait3A_704 : memref<1x200x64xf32, #tpu.memory_space<vmem>> -> memref<200x64xf32, #tpu.memory_space<vmem>>
      %dma_wait3A_706 = arith.constant 0 : i32
      %dma_wait3A_707 = tpu.memref_slice %arg4[%add3A_700, %dma_wait3A_706] : memref<819200x128xf32, #tpu.memory_space<hbm>> -> memref<200x64xf32, #tpu.memory_space<hbm>>
      %dma_wait3A_708 = arith.constant 0 : i32
      %dma_wait3A_709 = tpu.memref_slice %arg4[%add3A_700, %dma_wait3A_708] : memref<819200x128xf32, #tpu.memory_space<hbm>> -> memref<200x64xf32, #tpu.memory_space<hbm>>
      %dma_wait3A_710 = arith.constant 0 : i32
      %dma_wait3A_711 = arith.constant 0 : i32
      %dma_wait3A_712 = tpu.memref_slice %arg6[%dma_wait3A_701, %dma_wait3A_710, %dma_wait3A_711] : memref<8x200x64xf32, #tpu.memory_space<vmem>> -> memref<1x200x64xf32, #tpu.memory_space<vmem>>
      %dma_wait3A_713 = tpu.memref_squeeze %dma_wait3A_712 : memref<1x200x64xf32, #tpu.memory_space<vmem>> -> memref<200x64xf32, #tpu.memory_space<vmem>>
      tpu.wait_dma2 semaphore(%arg18 : memref<!tpu.dma_semaphore, #tpu.memory_space<semaphore_mem>>) src(%dma_wait3A_713 : memref<200x64xf32, #tpu.memory_space<vmem>>) dst(%dma_wait3A_709 : memref<200x64xf32, #tpu.memory_space<hbm>>)
      %dma_start3A_714 = arith.constant 3 : i32
      %dma_start3A_715 = arith.constant 3 : i32
      %dma_start3A_716 = arith.constant 0 : i32
      %dma_start3A_717 = arith.constant 0 : i32
      %dma_start3A_718 = tpu.memref_slice %arg6[%dma_start3A_715, %dma_start3A_716, %dma_start3A_717] : memref<8x200x64xf32, #tpu.memory_space<vmem>> -> memref<1x200x64xf32, #tpu.memory_space<vmem>>
      %dma_start3A_719 = tpu.memref_squeeze %dma_start3A_718 : memref<1x200x64xf32, #tpu.memory_space<vmem>> -> memref<200x64xf32, #tpu.memory_space<vmem>>
      %dma_start3A_720 = arith.constant 0 : i32
      %dma_start3A_721 = tpu.memref_slice %arg5[%dma_start3A_714, %dma_start3A_720] : memref<8x200xi32, #tpu.memory_space<vmem>> -> memref<1x200xi32, #tpu.memory_space<vmem>>
      %dma_start3A_722 = tpu.memref_squeeze %dma_start3A_721 : memref<1x200xi32, #tpu.memory_space<vmem>> -> memref<200xi32, #tpu.memory_space<vmem>>
      %dma_start3A_723 = arith.constant 0 : i32
      %dma_start3A_724 = arith.constant 0 : i32
      %dma_start3A_725 = tpu.memref_slice %arg3[%dma_start3A_723, %dma_start3A_724] : memref<2000000x64xf32, #tpu.memory_space<hbm>> -> memref<2000000x64xf32, #tpu.memory_space<hbm>>
      tpu.enqueue_indirect_dma source(%dma_start3A_725 : memref<2000000x64xf32, #tpu.memory_space<hbm>>) target(%dma_start3A_719 : memref<200x64xf32, #tpu.memory_space<vmem>>) offsets(%dma_start3A_722 : memref<200xi32, #tpu.memory_space<vmem>>) semaphore(%arg10 : memref<!tpu.dma_semaphore, #tpu.memory_space<semaphore_mem>>)
      %mul3A_726 = arith.constant 8 : i32
      %mul3A_727 = arith.muli %scan3A_461, %mul3A_726 : i32
      %add3A_728 = arith.constant 4 : i32
      %add3A_729 = arith.addi %mul3A_727, %add3A_728 : i32
      %mul3A_730 = arith.constant 200 : i32
      %mul3A_731 = arith.muli %add3A_729, %mul3A_730 : i32
      %add3A_732 = arith.addi %mul3A_2, %mul3A_731 : i32
      %dma_wait3A_733 = arith.constant 4 : i32
      %dma_wait3A_734 = arith.constant 4 : i32
      %dma_wait3A_735 = arith.constant 0 : i32
      %dma_wait3A_736 = arith.constant 0 : i32
      %dma_wait3A_737 = tpu.memref_slice %arg6[%dma_wait3A_734, %dma_wait3A_735, %dma_wait3A_736] : memref<8x200x64xf32, #tpu.memory_space<vmem>> -> memref<1x200x64xf32, #tpu.memory_space<vmem>>
      %dma_wait3A_738 = tpu.memref_squeeze %dma_wait3A_737 : memref<1x200x64xf32, #tpu.memory_space<vmem>> -> memref<200x64xf32, #tpu.memory_space<vmem>>
      %dma_wait3A_739 = arith.constant 0 : i32
      %dma_wait3A_740 = tpu.memref_slice %arg5[%dma_wait3A_733, %dma_wait3A_739] : memref<8x200xi32, #tpu.memory_space<vmem>> -> memref<1x200xi32, #tpu.memory_space<vmem>>
      %dma_wait3A_741 = tpu.memref_squeeze %dma_wait3A_740 : memref<1x200xi32, #tpu.memory_space<vmem>> -> memref<200xi32, #tpu.memory_space<vmem>>
      %dma_wait3A_742 = arith.constant 0 : i32
      %dma_wait3A_743 = arith.constant 0 : i32
      %dma_wait3A_744 = tpu.memref_slice %arg3[%dma_wait3A_742, %dma_wait3A_743] : memref<2000000x64xf32, #tpu.memory_space<hbm>> -> memref<2000000x64xf32, #tpu.memory_space<hbm>>
      tpu.wait_indirect_dma semaphore(%arg11 : memref<!tpu.dma_semaphore, #tpu.memory_space<semaphore_mem>>) src(%dma_wait3A_744 : memref<2000000x64xf32, #tpu.memory_space<hbm>>) dst(%dma_wait3A_738 : memref<200x64xf32, #tpu.memory_space<vmem>>)
      %mul3A_745 = arith.constant 200 : i32
      %mul3A_746 = arith.muli %add3A_729, %mul3A_745 : i32
      %add3A_747 = arith.addi %mul3A_2, %mul3A_746 : i32
      %dma_start3A_748 = arith.constant 4 : i32
      %dma_start3A_749 = arith.constant 0 : i32
      %dma_start3A_750 = arith.constant 0 : i32
      %dma_start3A_751 = tpu.memref_slice %arg6[%dma_start3A_748, %dma_start3A_749, %dma_start3A_750] : memref<8x200x64xf32, #tpu.memory_space<vmem>> -> memref<1x200x64xf32, #tpu.memory_space<vmem>>
      %dma_start3A_752 = tpu.memref_squeeze %dma_start3A_751 : memref<1x200x64xf32, #tpu.memory_space<vmem>> -> memref<200x64xf32, #tpu.memory_space<vmem>>
      %dma_start3A_753 = arith.constant 0 : i32
      %dma_start3A_754 = tpu.memref_slice %arg4[%add3A_747, %dma_start3A_753] : memref<819200x128xf32, #tpu.memory_space<hbm>> -> memref<200x64xf32, #tpu.memory_space<hbm>>
      %dma_start3A_755 = arith.constant 0 : i32
      %dma_start3A_756 = tpu.memref_slice %arg4[%add3A_747, %dma_start3A_755] : memref<819200x128xf32, #tpu.memory_space<hbm>> -> memref<200x64xf32, #tpu.memory_space<hbm>>
      %dma_start3A_757 = arith.constant 0 : i32
      %dma_start3A_758 = arith.constant 0 : i32
      %dma_start3A_759 = tpu.memref_slice %arg6[%dma_start3A_748, %dma_start3A_757, %dma_start3A_758] : memref<8x200x64xf32, #tpu.memory_space<vmem>> -> memref<1x200x64xf32, #tpu.memory_space<vmem>>
      %dma_start3A_760 = tpu.memref_squeeze %dma_start3A_759 : memref<1x200x64xf32, #tpu.memory_space<vmem>> -> memref<200x64xf32, #tpu.memory_space<vmem>>
      tpu.enqueue_dma source(%dma_start3A_760 : memref<200x64xf32, #tpu.memory_space<vmem>>) target(%dma_start3A_756 : memref<200x64xf32, #tpu.memory_space<hbm>>) target_semaphore(%arg19 : memref<!tpu.dma_semaphore, #tpu.memory_space<semaphore_mem>>)
      %add3A_761 = arith.constant 1600 : i32
      %add3A_762 = arith.addi %add3A_732, %add3A_761 : i32
      %run_scoped3A_763 = arith.constant 4 : i32
      "tpu.region"() ({
        %run_scoped3A_990 = tpu.sem_alloc : memref<!tpu.dma_semaphore, #tpu.memory_space<semaphore_mem>>
        %dma_start3A_991 = arith.constant 0 : i32
        %dma_start3A_992 = tpu.memref_slice %arg5[%run_scoped3A_763, %dma_start3A_991] : memref<8x200xi32, #tpu.memory_space<vmem>> -> memref<1x200xi32, #tpu.memory_space<vmem>>
        %dma_start3A_993 = tpu.memref_squeeze %dma_start3A_992 : memref<1x200xi32, #tpu.memory_space<vmem>> -> memref<200xi32, #tpu.memory_space<vmem>>
        %dma_start3A_994 = tpu.memref_slice %arg2[%add3A_762] : memref<819200xi32, #tpu.memory_space<hbm>> -> memref<200xi32, #tpu.memory_space<hbm>>
        %dma_start3A_995 = arith.constant 0 : i32
        %dma_start3A_996 = tpu.memref_slice %arg5[%run_scoped3A_763, %dma_start3A_995] : memref<8x200xi32, #tpu.memory_space<vmem>> -> memref<1x200xi32, #tpu.memory_space<vmem>>
        %dma_start3A_997 = tpu.memref_squeeze %dma_start3A_996 : memref<1x200xi32, #tpu.memory_space<vmem>> -> memref<200xi32, #tpu.memory_space<vmem>>
        %dma_start3A_998 = tpu.memref_slice %arg2[%add3A_762] : memref<819200xi32, #tpu.memory_space<hbm>> -> memref<200xi32, #tpu.memory_space<hbm>>
        tpu.enqueue_dma source(%dma_start3A_998 : memref<200xi32, #tpu.memory_space<hbm>>) target(%dma_start3A_997 : memref<200xi32, #tpu.memory_space<vmem>>) target_semaphore(%run_scoped3A_990 : memref<!tpu.dma_semaphore, #tpu.memory_space<semaphore_mem>>)
        %dma_wait3A_999 = arith.constant 0 : i32
        %dma_wait3A_1000 = tpu.memref_slice %arg5[%run_scoped3A_763, %dma_wait3A_999] : memref<8x200xi32, #tpu.memory_space<vmem>> -> memref<1x200xi32, #tpu.memory_space<vmem>>
        %dma_wait3A_1001 = tpu.memref_squeeze %dma_wait3A_1000 : memref<1x200xi32, #tpu.memory_space<vmem>> -> memref<200xi32, #tpu.memory_space<vmem>>
        %dma_wait3A_1002 = tpu.memref_slice %arg2[%add3A_762] : memref<819200xi32, #tpu.memory_space<hbm>> -> memref<200xi32, #tpu.memory_space<hbm>>
        %dma_wait3A_1003 = arith.constant 0 : i32
        %dma_wait3A_1004 = tpu.memref_slice %arg5[%run_scoped3A_763, %dma_wait3A_1003] : memref<8x200xi32, #tpu.memory_space<vmem>> -> memref<1x200xi32, #tpu.memory_space<vmem>>
        %dma_wait3A_1005 = tpu.memref_squeeze %dma_wait3A_1004 : memref<1x200xi32, #tpu.memory_space<vmem>> -> memref<200xi32, #tpu.memory_space<vmem>>
        %dma_wait3A_1006 = tpu.memref_slice %arg2[%add3A_762] : memref<819200xi32, #tpu.memory_space<hbm>> -> memref<200xi32, #tpu.memory_space<hbm>>
        tpu.wait_dma2 semaphore(%run_scoped3A_990 : memref<!tpu.dma_semaphore, #tpu.memory_space<semaphore_mem>>) src(%dma_wait3A_1006 : memref<200xi32, #tpu.memory_space<hbm>>) dst(%dma_wait3A_1005 : memref<200xi32, #tpu.memory_space<vmem>>)
        tpu.yield
      }) : () -> ()
      %mul3A_764 = arith.constant 200 : i32
      %mul3A_765 = arith.muli %add3A_729, %mul3A_764 : i32
      %add3A_766 = arith.addi %mul3A_2, %mul3A_765 : i32
      %dma_wait3A_767 = arith.constant 4 : i32
      %dma_wait3A_768 = arith.constant 0 : i32
      %dma_wait3A_769 = arith.constant 0 : i32
      %dma_wait3A_770 = tpu.memref_slice %arg6[%dma_wait3A_767, %dma_wait3A_768, %dma_wait3A_769] : memref<8x200x64xf32, #tpu.memory_space<vmem>> -> memref<1x200x64xf32, #tpu.memory_space<vmem>>
      %dma_wait3A_771 = tpu.memref_squeeze %dma_wait3A_770 : memref<1x200x64xf32, #tpu.memory_space<vmem>> -> memref<200x64xf32, #tpu.memory_space<vmem>>
      %dma_wait3A_772 = arith.constant 0 : i32
      %dma_wait3A_773 = tpu.memref_slice %arg4[%add3A_766, %dma_wait3A_772] : memref<819200x128xf32, #tpu.memory_space<hbm>> -> memref<200x64xf32, #tpu.memory_space<hbm>>
      %dma_wait3A_774 = arith.constant 0 : i32
      %dma_wait3A_775 = tpu.memref_slice %arg4[%add3A_766, %dma_wait3A_774] : memref<819200x128xf32, #tpu.memory_space<hbm>> -> memref<200x64xf32, #tpu.memory_space<hbm>>
      %dma_wait3A_776 = arith.constant 0 : i32
      %dma_wait3A_777 = arith.constant 0 : i32
      %dma_wait3A_778 = tpu.memref_slice %arg6[%dma_wait3A_767, %dma_wait3A_776, %dma_wait3A_777] : memref<8x200x64xf32, #tpu.memory_space<vmem>> -> memref<1x200x64xf32, #tpu.memory_space<vmem>>
      %dma_wait3A_779 = tpu.memref_squeeze %dma_wait3A_778 : memref<1x200x64xf32, #tpu.memory_space<vmem>> -> memref<200x64xf32, #tpu.memory_space<vmem>>
      tpu.wait_dma2 semaphore(%arg19 : memref<!tpu.dma_semaphore, #tpu.memory_space<semaphore_mem>>) src(%dma_wait3A_779 : memref<200x64xf32, #tpu.memory_space<vmem>>) dst(%dma_wait3A_775 : memref<200x64xf32, #tpu.memory_space<hbm>>)
      %dma_start3A_780 = arith.constant 4 : i32
      %dma_start3A_781 = arith.constant 4 : i32
      %dma_start3A_782 = arith.constant 0 : i32
      %dma_start3A_783 = arith.constant 0 : i32
      %dma_start3A_784 = tpu.memref_slice %arg6[%dma_start3A_781, %dma_start3A_782, %dma_start3A_783] : memref<8x200x64xf32, #tpu.memory_space<vmem>> -> memref<1x200x64xf32, #tpu.memory_space<vmem>>
      %dma_start3A_785 = tpu.memref_squeeze %dma_start3A_784 : memref<1x200x64xf32, #tpu.memory_space<vmem>> -> memref<200x64xf32, #tpu.memory_space<vmem>>
      %dma_start3A_786 = arith.constant 0 : i32
      %dma_start3A_787 = tpu.memref_slice %arg5[%dma_start3A_780, %dma_start3A_786] : memref<8x200xi32, #tpu.memory_space<vmem>> -> memref<1x200xi32, #tpu.memory_space<vmem>>
      %dma_start3A_788 = tpu.memref_squeeze %dma_start3A_787 : memref<1x200xi32, #tpu.memory_space<vmem>> -> memref<200xi32, #tpu.memory_space<vmem>>
      %dma_start3A_789 = arith.constant 0 : i32
      %dma_start3A_790 = arith.constant 0 : i32
      %dma_start3A_791 = tpu.memref_slice %arg3[%dma_start3A_789, %dma_start3A_790] : memref<2000000x64xf32, #tpu.memory_space<hbm>> -> memref<2000000x64xf32, #tpu.memory_space<hbm>>
      tpu.enqueue_indirect_dma source(%dma_start3A_791 : memref<2000000x64xf32, #tpu.memory_space<hbm>>) target(%dma_start3A_785 : memref<200x64xf32, #tpu.memory_space<vmem>>) offsets(%dma_start3A_788 : memref<200xi32, #tpu.memory_space<vmem>>) semaphore(%arg11 : memref<!tpu.dma_semaphore, #tpu.memory_space<semaphore_mem>>)
      %mul3A_792 = arith.constant 8 : i32
      %mul3A_793 = arith.muli %scan3A_461, %mul3A_792 : i32
      %add3A_794 = arith.constant 5 : i32
      %add3A_795 = arith.addi %mul3A_793, %add3A_794 : i32
      %mul3A_796 = arith.constant 200 : i32
      %mul3A_797 = arith.muli %add3A_795, %mul3A_796 : i32
      %add3A_798 = arith.addi %mul3A_2, %mul3A_797 : i32
      %dma_wait3A_799 = arith.constant 5 : i32
      %dma_wait3A_800 = arith.constant 5 : i32
      %dma_wait3A_801 = arith.constant 0 : i32
      %dma_wait3A_802 = arith.constant 0 : i32
      %dma_wait3A_803 = tpu.memref_slice %arg6[%dma_wait3A_800, %dma_wait3A_801, %dma_wait3A_802] : memref<8x200x64xf32, #tpu.memory_space<vmem>> -> memref<1x200x64xf32, #tpu.memory_space<vmem>>
      %dma_wait3A_804 = tpu.memref_squeeze %dma_wait3A_803 : memref<1x200x64xf32, #tpu.memory_space<vmem>> -> memref<200x64xf32, #tpu.memory_space<vmem>>
      %dma_wait3A_805 = arith.constant 0 : i32
      %dma_wait3A_806 = tpu.memref_slice %arg5[%dma_wait3A_799, %dma_wait3A_805] : memref<8x200xi32, #tpu.memory_space<vmem>> -> memref<1x200xi32, #tpu.memory_space<vmem>>
      %dma_wait3A_807 = tpu.memref_squeeze %dma_wait3A_806 : memref<1x200xi32, #tpu.memory_space<vmem>> -> memref<200xi32, #tpu.memory_space<vmem>>
      %dma_wait3A_808 = arith.constant 0 : i32
      %dma_wait3A_809 = arith.constant 0 : i32
      %dma_wait3A_810 = tpu.memref_slice %arg3[%dma_wait3A_808, %dma_wait3A_809] : memref<2000000x64xf32, #tpu.memory_space<hbm>> -> memref<2000000x64xf32, #tpu.memory_space<hbm>>
      tpu.wait_indirect_dma semaphore(%arg12 : memref<!tpu.dma_semaphore, #tpu.memory_space<semaphore_mem>>) src(%dma_wait3A_810 : memref<2000000x64xf32, #tpu.memory_space<hbm>>) dst(%dma_wait3A_804 : memref<200x64xf32, #tpu.memory_space<vmem>>)
      %mul3A_811 = arith.constant 200 : i32
      %mul3A_812 = arith.muli %add3A_795, %mul3A_811 : i32
      %add3A_813 = arith.addi %mul3A_2, %mul3A_812 : i32
      %dma_start3A_814 = arith.constant 5 : i32
      %dma_start3A_815 = arith.constant 0 : i32
      %dma_start3A_816 = arith.constant 0 : i32
      %dma_start3A_817 = tpu.memref_slice %arg6[%dma_start3A_814, %dma_start3A_815, %dma_start3A_816] : memref<8x200x64xf32, #tpu.memory_space<vmem>> -> memref<1x200x64xf32, #tpu.memory_space<vmem>>
      %dma_start3A_818 = tpu.memref_squeeze %dma_start3A_817 : memref<1x200x64xf32, #tpu.memory_space<vmem>> -> memref<200x64xf32, #tpu.memory_space<vmem>>
      %dma_start3A_819 = arith.constant 0 : i32
      %dma_start3A_820 = tpu.memref_slice %arg4[%add3A_813, %dma_start3A_819] : memref<819200x128xf32, #tpu.memory_space<hbm>> -> memref<200x64xf32, #tpu.memory_space<hbm>>
      %dma_start3A_821 = arith.constant 0 : i32
      %dma_start3A_822 = tpu.memref_slice %arg4[%add3A_813, %dma_start3A_821] : memref<819200x128xf32, #tpu.memory_space<hbm>> -> memref<200x64xf32, #tpu.memory_space<hbm>>
      %dma_start3A_823 = arith.constant 0 : i32
      %dma_start3A_824 = arith.constant 0 : i32
      %dma_start3A_825 = tpu.memref_slice %arg6[%dma_start3A_814, %dma_start3A_823, %dma_start3A_824] : memref<8x200x64xf32, #tpu.memory_space<vmem>> -> memref<1x200x64xf32, #tpu.memory_space<vmem>>
      %dma_start3A_826 = tpu.memref_squeeze %dma_start3A_825 : memref<1x200x64xf32, #tpu.memory_space<vmem>> -> memref<200x64xf32, #tpu.memory_space<vmem>>
      tpu.enqueue_dma source(%dma_start3A_826 : memref<200x64xf32, #tpu.memory_space<vmem>>) target(%dma_start3A_822 : memref<200x64xf32, #tpu.memory_space<hbm>>) target_semaphore(%arg20 : memref<!tpu.dma_semaphore, #tpu.memory_space<semaphore_mem>>)
      %add3A_827 = arith.constant 1600 : i32
      %add3A_828 = arith.addi %add3A_798, %add3A_827 : i32
      %run_scoped3A_829 = arith.constant 5 : i32
      "tpu.region"() ({
        %run_scoped3A_990 = tpu.sem_alloc : memref<!tpu.dma_semaphore, #tpu.memory_space<semaphore_mem>>
        %dma_start3A_991 = arith.constant 0 : i32
        %dma_start3A_992 = tpu.memref_slice %arg5[%run_scoped3A_829, %dma_start3A_991] : memref<8x200xi32, #tpu.memory_space<vmem>> -> memref<1x200xi32, #tpu.memory_space<vmem>>
        %dma_start3A_993 = tpu.memref_squeeze %dma_start3A_992 : memref<1x200xi32, #tpu.memory_space<vmem>> -> memref<200xi32, #tpu.memory_space<vmem>>
        %dma_start3A_994 = tpu.memref_slice %arg2[%add3A_828] : memref<819200xi32, #tpu.memory_space<hbm>> -> memref<200xi32, #tpu.memory_space<hbm>>
        %dma_start3A_995 = arith.constant 0 : i32
        %dma_start3A_996 = tpu.memref_slice %arg5[%run_scoped3A_829, %dma_start3A_995] : memref<8x200xi32, #tpu.memory_space<vmem>> -> memref<1x200xi32, #tpu.memory_space<vmem>>
        %dma_start3A_997 = tpu.memref_squeeze %dma_start3A_996 : memref<1x200xi32, #tpu.memory_space<vmem>> -> memref<200xi32, #tpu.memory_space<vmem>>
        %dma_start3A_998 = tpu.memref_slice %arg2[%add3A_828] : memref<819200xi32, #tpu.memory_space<hbm>> -> memref<200xi32, #tpu.memory_space<hbm>>
        tpu.enqueue_dma source(%dma_start3A_998 : memref<200xi32, #tpu.memory_space<hbm>>) target(%dma_start3A_997 : memref<200xi32, #tpu.memory_space<vmem>>) target_semaphore(%run_scoped3A_990 : memref<!tpu.dma_semaphore, #tpu.memory_space<semaphore_mem>>)
        %dma_wait3A_999 = arith.constant 0 : i32
        %dma_wait3A_1000 = tpu.memref_slice %arg5[%run_scoped3A_829, %dma_wait3A_999] : memref<8x200xi32, #tpu.memory_space<vmem>> -> memref<1x200xi32, #tpu.memory_space<vmem>>
        %dma_wait3A_1001 = tpu.memref_squeeze %dma_wait3A_1000 : memref<1x200xi32, #tpu.memory_space<vmem>> -> memref<200xi32, #tpu.memory_space<vmem>>
        %dma_wait3A_1002 = tpu.memref_slice %arg2[%add3A_828] : memref<819200xi32, #tpu.memory_space<hbm>> -> memref<200xi32, #tpu.memory_space<hbm>>
        %dma_wait3A_1003 = arith.constant 0 : i32
        %dma_wait3A_1004 = tpu.memref_slice %arg5[%run_scoped3A_829, %dma_wait3A_1003] : memref<8x200xi32, #tpu.memory_space<vmem>> -> memref<1x200xi32, #tpu.memory_space<vmem>>
        %dma_wait3A_1005 = tpu.memref_squeeze %dma_wait3A_1004 : memref<1x200xi32, #tpu.memory_space<vmem>> -> memref<200xi32, #tpu.memory_space<vmem>>
        %dma_wait3A_1006 = tpu.memref_slice %arg2[%add3A_828] : memref<819200xi32, #tpu.memory_space<hbm>> -> memref<200xi32, #tpu.memory_space<hbm>>
        tpu.wait_dma2 semaphore(%run_scoped3A_990 : memref<!tpu.dma_semaphore, #tpu.memory_space<semaphore_mem>>) src(%dma_wait3A_1006 : memref<200xi32, #tpu.memory_space<hbm>>) dst(%dma_wait3A_1005 : memref<200xi32, #tpu.memory_space<vmem>>)
        tpu.yield
      }) : () -> ()
      %mul3A_830 = arith.constant 200 : i32
      %mul3A_831 = arith.muli %add3A_795, %mul3A_830 : i32
      %add3A_832 = arith.addi %mul3A_2, %mul3A_831 : i32
      %dma_wait3A_833 = arith.constant 5 : i32
      %dma_wait3A_834 = arith.constant 0 : i32
      %dma_wait3A_835 = arith.constant 0 : i32
      %dma_wait3A_836 = tpu.memref_slice %arg6[%dma_wait3A_833, %dma_wait3A_834, %dma_wait3A_835] : memref<8x200x64xf32, #tpu.memory_space<vmem>> -> memref<1x200x64xf32, #tpu.memory_space<vmem>>
      %dma_wait3A_837 = tpu.memref_squeeze %dma_wait3A_836 : memref<1x200x64xf32, #tpu.memory_space<vmem>> -> memref<200x64xf32, #tpu.memory_space<vmem>>
      %dma_wait3A_838 = arith.constant 0 : i32
      %dma_wait3A_839 = tpu.memref_slice %arg4[%add3A_832, %dma_wait3A_838] : memref<819200x128xf32, #tpu.memory_space<hbm>> -> memref<200x64xf32, #tpu.memory_space<hbm>>
      %dma_wait3A_840 = arith.constant 0 : i32
      %dma_wait3A_841 = tpu.memref_slice %arg4[%add3A_832, %dma_wait3A_840] : memref<819200x128xf32, #tpu.memory_space<hbm>> -> memref<200x64xf32, #tpu.memory_space<hbm>>
      %dma_wait3A_842 = arith.constant 0 : i32
      %dma_wait3A_843 = arith.constant 0 : i32
      %dma_wait3A_844 = tpu.memref_slice %arg6[%dma_wait3A_833, %dma_wait3A_842, %dma_wait3A_843] : memref<8x200x64xf32, #tpu.memory_space<vmem>> -> memref<1x200x64xf32, #tpu.memory_space<vmem>>
      %dma_wait3A_845 = tpu.memref_squeeze %dma_wait3A_844 : memref<1x200x64xf32, #tpu.memory_space<vmem>> -> memref<200x64xf32, #tpu.memory_space<vmem>>
      tpu.wait_dma2 semaphore(%arg20 : memref<!tpu.dma_semaphore, #tpu.memory_space<semaphore_mem>>) src(%dma_wait3A_845 : memref<200x64xf32, #tpu.memory_space<vmem>>) dst(%dma_wait3A_841 : memref<200x64xf32, #tpu.memory_space<hbm>>)
      %dma_start3A_846 = arith.constant 5 : i32
      %dma_start3A_847 = arith.constant 5 : i32
      %dma_start3A_848 = arith.constant 0 : i32
      %dma_start3A_849 = arith.constant 0 : i32
      %dma_start3A_850 = tpu.memref_slice %arg6[%dma_start3A_847, %dma_start3A_848, %dma_start3A_849] : memref<8x200x64xf32, #tpu.memory_space<vmem>> -> memref<1x200x64xf32, #tpu.memory_space<vmem>>
      %dma_start3A_851 = tpu.memref_squeeze %dma_start3A_850 : memref<1x200x64xf32, #tpu.memory_space<vmem>> -> memref<200x64xf32, #tpu.memory_space<vmem>>
      %dma_start3A_852 = arith.constant 0 : i32
      %dma_start3A_853 = tpu.memref_slice %arg5[%dma_start3A_846, %dma_start3A_852] : memref<8x200xi32, #tpu.memory_space<vmem>> -> memref<1x200xi32, #tpu.memory_space<vmem>>
      %dma_start3A_854 = tpu.memref_squeeze %dma_start3A_853 : memref<1x200xi32, #tpu.memory_space<vmem>> -> memref<200xi32, #tpu.memory_space<vmem>>
      %dma_start3A_855 = arith.constant 0 : i32
      %dma_start3A_856 = arith.constant 0 : i32
      %dma_start3A_857 = tpu.memref_slice %arg3[%dma_start3A_855, %dma_start3A_856] : memref<2000000x64xf32, #tpu.memory_space<hbm>> -> memref<2000000x64xf32, #tpu.memory_space<hbm>>
      tpu.enqueue_indirect_dma source(%dma_start3A_857 : memref<2000000x64xf32, #tpu.memory_space<hbm>>) target(%dma_start3A_851 : memref<200x64xf32, #tpu.memory_space<vmem>>) offsets(%dma_start3A_854 : memref<200xi32, #tpu.memory_space<vmem>>) semaphore(%arg12 : memref<!tpu.dma_semaphore, #tpu.memory_space<semaphore_mem>>)
      %mul3A_858 = arith.constant 8 : i32
      %mul3A_859 = arith.muli %scan3A_461, %mul3A_858 : i32
      %add3A_860 = arith.constant 6 : i32
      %add3A_861 = arith.addi %mul3A_859, %add3A_860 : i32
      %mul3A_862 = arith.constant 200 : i32
      %mul3A_863 = arith.muli %add3A_861, %mul3A_862 : i32
      %add3A_864 = arith.addi %mul3A_2, %mul3A_863 : i32
      %dma_wait3A_865 = arith.constant 6 : i32
      %dma_wait3A_866 = arith.constant 6 : i32
      %dma_wait3A_867 = arith.constant 0 : i32
      %dma_wait3A_868 = arith.constant 0 : i32
      %dma_wait3A_869 = tpu.memref_slice %arg6[%dma_wait3A_866, %dma_wait3A_867, %dma_wait3A_868] : memref<8x200x64xf32, #tpu.memory_space<vmem>> -> memref<1x200x64xf32, #tpu.memory_space<vmem>>
      %dma_wait3A_870 = tpu.memref_squeeze %dma_wait3A_869 : memref<1x200x64xf32, #tpu.memory_space<vmem>> -> memref<200x64xf32, #tpu.memory_space<vmem>>
      %dma_wait3A_871 = arith.constant 0 : i32
      %dma_wait3A_872 = tpu.memref_slice %arg5[%dma_wait3A_865, %dma_wait3A_871] : memref<8x200xi32, #tpu.memory_space<vmem>> -> memref<1x200xi32, #tpu.memory_space<vmem>>
      %dma_wait3A_873 = tpu.memref_squeeze %dma_wait3A_872 : memref<1x200xi32, #tpu.memory_space<vmem>> -> memref<200xi32, #tpu.memory_space<vmem>>
      %dma_wait3A_874 = arith.constant 0 : i32
      %dma_wait3A_875 = arith.constant 0 : i32
      %dma_wait3A_876 = tpu.memref_slice %arg3[%dma_wait3A_874, %dma_wait3A_875] : memref<2000000x64xf32, #tpu.memory_space<hbm>> -> memref<2000000x64xf32, #tpu.memory_space<hbm>>
      tpu.wait_indirect_dma semaphore(%arg13 : memref<!tpu.dma_semaphore, #tpu.memory_space<semaphore_mem>>) src(%dma_wait3A_876 : memref<2000000x64xf32, #tpu.memory_space<hbm>>) dst(%dma_wait3A_870 : memref<200x64xf32, #tpu.memory_space<vmem>>)
      %mul3A_877 = arith.constant 200 : i32
      %mul3A_878 = arith.muli %add3A_861, %mul3A_877 : i32
      %add3A_879 = arith.addi %mul3A_2, %mul3A_878 : i32
      %dma_start3A_880 = arith.constant 6 : i32
      %dma_start3A_881 = arith.constant 0 : i32
      %dma_start3A_882 = arith.constant 0 : i32
      %dma_start3A_883 = tpu.memref_slice %arg6[%dma_start3A_880, %dma_start3A_881, %dma_start3A_882] : memref<8x200x64xf32, #tpu.memory_space<vmem>> -> memref<1x200x64xf32, #tpu.memory_space<vmem>>
      %dma_start3A_884 = tpu.memref_squeeze %dma_start3A_883 : memref<1x200x64xf32, #tpu.memory_space<vmem>> -> memref<200x64xf32, #tpu.memory_space<vmem>>
      %dma_start3A_885 = arith.constant 0 : i32
      %dma_start3A_886 = tpu.memref_slice %arg4[%add3A_879, %dma_start3A_885] : memref<819200x128xf32, #tpu.memory_space<hbm>> -> memref<200x64xf32, #tpu.memory_space<hbm>>
      %dma_start3A_887 = arith.constant 0 : i32
      %dma_start3A_888 = tpu.memref_slice %arg4[%add3A_879, %dma_start3A_887] : memref<819200x128xf32, #tpu.memory_space<hbm>> -> memref<200x64xf32, #tpu.memory_space<hbm>>
      %dma_start3A_889 = arith.constant 0 : i32
      %dma_start3A_890 = arith.constant 0 : i32
      %dma_start3A_891 = tpu.memref_slice %arg6[%dma_start3A_880, %dma_start3A_889, %dma_start3A_890] : memref<8x200x64xf32, #tpu.memory_space<vmem>> -> memref<1x200x64xf32, #tpu.memory_space<vmem>>
      %dma_start3A_892 = tpu.memref_squeeze %dma_start3A_891 : memref<1x200x64xf32, #tpu.memory_space<vmem>> -> memref<200x64xf32, #tpu.memory_space<vmem>>
      tpu.enqueue_dma source(%dma_start3A_892 : memref<200x64xf32, #tpu.memory_space<vmem>>) target(%dma_start3A_888 : memref<200x64xf32, #tpu.memory_space<hbm>>) target_semaphore(%arg21 : memref<!tpu.dma_semaphore, #tpu.memory_space<semaphore_mem>>)
      %add3A_893 = arith.constant 1600 : i32
      %add3A_894 = arith.addi %add3A_864, %add3A_893 : i32
      %run_scoped3A_895 = arith.constant 6 : i32
      "tpu.region"() ({
        %run_scoped3A_990 = tpu.sem_alloc : memref<!tpu.dma_semaphore, #tpu.memory_space<semaphore_mem>>
        %dma_start3A_991 = arith.constant 0 : i32
        %dma_start3A_992 = tpu.memref_slice %arg5[%run_scoped3A_895, %dma_start3A_991] : memref<8x200xi32, #tpu.memory_space<vmem>> -> memref<1x200xi32, #tpu.memory_space<vmem>>
        %dma_start3A_993 = tpu.memref_squeeze %dma_start3A_992 : memref<1x200xi32, #tpu.memory_space<vmem>> -> memref<200xi32, #tpu.memory_space<vmem>>
        %dma_start3A_994 = tpu.memref_slice %arg2[%add3A_894] : memref<819200xi32, #tpu.memory_space<hbm>> -> memref<200xi32, #tpu.memory_space<hbm>>
        %dma_start3A_995 = arith.constant 0 : i32
        %dma_start3A_996 = tpu.memref_slice %arg5[%run_scoped3A_895, %dma_start3A_995] : memref<8x200xi32, #tpu.memory_space<vmem>> -> memref<1x200xi32, #tpu.memory_space<vmem>>
        %dma_start3A_997 = tpu.memref_squeeze %dma_start3A_996 : memref<1x200xi32, #tpu.memory_space<vmem>> -> memref<200xi32, #tpu.memory_space<vmem>>
        %dma_start3A_998 = tpu.memref_slice %arg2[%add3A_894] : memref<819200xi32, #tpu.memory_space<hbm>> -> memref<200xi32, #tpu.memory_space<hbm>>
        tpu.enqueue_dma source(%dma_start3A_998 : memref<200xi32, #tpu.memory_space<hbm>>) target(%dma_start3A_997 : memref<200xi32, #tpu.memory_space<vmem>>) target_semaphore(%run_scoped3A_990 : memref<!tpu.dma_semaphore, #tpu.memory_space<semaphore_mem>>)
        %dma_wait3A_999 = arith.constant 0 : i32
        %dma_wait3A_1000 = tpu.memref_slice %arg5[%run_scoped3A_895, %dma_wait3A_999] : memref<8x200xi32, #tpu.memory_space<vmem>> -> memref<1x200xi32, #tpu.memory_space<vmem>>
        %dma_wait3A_1001 = tpu.memref_squeeze %dma_wait3A_1000 : memref<1x200xi32, #tpu.memory_space<vmem>> -> memref<200xi32, #tpu.memory_space<vmem>>
        %dma_wait3A_1002 = tpu.memref_slice %arg2[%add3A_894] : memref<819200xi32, #tpu.memory_space<hbm>> -> memref<200xi32, #tpu.memory_space<hbm>>
        %dma_wait3A_1003 = arith.constant 0 : i32
        %dma_wait3A_1004 = tpu.memref_slice %arg5[%run_scoped3A_895, %dma_wait3A_1003] : memref<8x200xi32, #tpu.memory_space<vmem>> -> memref<1x200xi32, #tpu.memory_space<vmem>>
        %dma_wait3A_1005 = tpu.memref_squeeze %dma_wait3A_1004 : memref<1x200xi32, #tpu.memory_space<vmem>> -> memref<200xi32, #tpu.memory_space<vmem>>
        %dma_wait3A_1006 = tpu.memref_slice %arg2[%add3A_894] : memref<819200xi32, #tpu.memory_space<hbm>> -> memref<200xi32, #tpu.memory_space<hbm>>
        tpu.wait_dma2 semaphore(%run_scoped3A_990 : memref<!tpu.dma_semaphore, #tpu.memory_space<semaphore_mem>>) src(%dma_wait3A_1006 : memref<200xi32, #tpu.memory_space<hbm>>) dst(%dma_wait3A_1005 : memref<200xi32, #tpu.memory_space<vmem>>)
        tpu.yield
      }) : () -> ()
      %mul3A_896 = arith.constant 200 : i32
      %mul3A_897 = arith.muli %add3A_861, %mul3A_896 : i32
      %add3A_898 = arith.addi %mul3A_2, %mul3A_897 : i32
      %dma_wait3A_899 = arith.constant 6 : i32
      %dma_wait3A_900 = arith.constant 0 : i32
      %dma_wait3A_901 = arith.constant 0 : i32
      %dma_wait3A_902 = tpu.memref_slice %arg6[%dma_wait3A_899, %dma_wait3A_900, %dma_wait3A_901] : memref<8x200x64xf32, #tpu.memory_space<vmem>> -> memref<1x200x64xf32, #tpu.memory_space<vmem>>
      %dma_wait3A_903 = tpu.memref_squeeze %dma_wait3A_902 : memref<1x200x64xf32, #tpu.memory_space<vmem>> -> memref<200x64xf32, #tpu.memory_space<vmem>>
      %dma_wait3A_904 = arith.constant 0 : i32
      %dma_wait3A_905 = tpu.memref_slice %arg4[%add3A_898, %dma_wait3A_904] : memref<819200x128xf32, #tpu.memory_space<hbm>> -> memref<200x64xf32, #tpu.memory_space<hbm>>
      %dma_wait3A_906 = arith.constant 0 : i32
      %dma_wait3A_907 = tpu.memref_slice %arg4[%add3A_898, %dma_wait3A_906] : memref<819200x128xf32, #tpu.memory_space<hbm>> -> memref<200x64xf32, #tpu.memory_space<hbm>>
      %dma_wait3A_908 = arith.constant 0 : i32
      %dma_wait3A_909 = arith.constant 0 : i32
      %dma_wait3A_910 = tpu.memref_slice %arg6[%dma_wait3A_899, %dma_wait3A_908, %dma_wait3A_909] : memref<8x200x64xf32, #tpu.memory_space<vmem>> -> memref<1x200x64xf32, #tpu.memory_space<vmem>>
      %dma_wait3A_911 = tpu.memref_squeeze %dma_wait3A_910 : memref<1x200x64xf32, #tpu.memory_space<vmem>> -> memref<200x64xf32, #tpu.memory_space<vmem>>
      tpu.wait_dma2 semaphore(%arg21 : memref<!tpu.dma_semaphore, #tpu.memory_space<semaphore_mem>>) src(%dma_wait3A_911 : memref<200x64xf32, #tpu.memory_space<vmem>>) dst(%dma_wait3A_907 : memref<200x64xf32, #tpu.memory_space<hbm>>)
      %dma_start3A_912 = arith.constant 6 : i32
      %dma_start3A_913 = arith.constant 6 : i32
      %dma_start3A_914 = arith.constant 0 : i32
      %dma_start3A_915 = arith.constant 0 : i32
      %dma_start3A_916 = tpu.memref_slice %arg6[%dma_start3A_913, %dma_start3A_914, %dma_start3A_915] : memref<8x200x64xf32, #tpu.memory_space<vmem>> -> memref<1x200x64xf32, #tpu.memory_space<vmem>>
      %dma_start3A_917 = tpu.memref_squeeze %dma_start3A_916 : memref<1x200x64xf32, #tpu.memory_space<vmem>> -> memref<200x64xf32, #tpu.memory_space<vmem>>
      %dma_start3A_918 = arith.constant 0 : i32
      %dma_start3A_919 = tpu.memref_slice %arg5[%dma_start3A_912, %dma_start3A_918] : memref<8x200xi32, #tpu.memory_space<vmem>> -> memref<1x200xi32, #tpu.memory_space<vmem>>
      %dma_start3A_920 = tpu.memref_squeeze %dma_start3A_919 : memref<1x200xi32, #tpu.memory_space<vmem>> -> memref<200xi32, #tpu.memory_space<vmem>>
      %dma_start3A_921 = arith.constant 0 : i32
      %dma_start3A_922 = arith.constant 0 : i32
      %dma_start3A_923 = tpu.memref_slice %arg3[%dma_start3A_921, %dma_start3A_922] : memref<2000000x64xf32, #tpu.memory_space<hbm>> -> memref<2000000x64xf32, #tpu.memory_space<hbm>>
      tpu.enqueue_indirect_dma source(%dma_start3A_923 : memref<2000000x64xf32, #tpu.memory_space<hbm>>) target(%dma_start3A_917 : memref<200x64xf32, #tpu.memory_space<vmem>>) offsets(%dma_start3A_920 : memref<200xi32, #tpu.memory_space<vmem>>) semaphore(%arg13 : memref<!tpu.dma_semaphore, #tpu.memory_space<semaphore_mem>>)
      %mul3A_924 = arith.constant 8 : i32
      %mul3A_925 = arith.muli %scan3A_461, %mul3A_924 : i32
      %add3A_926 = arith.constant 7 : i32
      %add3A_927 = arith.addi %mul3A_925, %add3A_926 : i32
      %mul3A_928 = arith.constant 200 : i32
      %mul3A_929 = arith.muli %add3A_927, %mul3A_928 : i32
      %add3A_930 = arith.addi %mul3A_2, %mul3A_929 : i32
      %dma_wait3A_931 = arith.constant 7 : i32
      %dma_wait3A_932 = arith.constant 7 : i32
      %dma_wait3A_933 = arith.constant 0 : i32
      %dma_wait3A_934 = arith.constant 0 : i32
      %dma_wait3A_935 = tpu.memref_slice %arg6[%dma_wait3A_932, %dma_wait3A_933, %dma_wait3A_934] : memref<8x200x64xf32, #tpu.memory_space<vmem>> -> memref<1x200x64xf32, #tpu.memory_space<vmem>>
      %dma_wait3A_936 = tpu.memref_squeeze %dma_wait3A_935 : memref<1x200x64xf32, #tpu.memory_space<vmem>> -> memref<200x64xf32, #tpu.memory_space<vmem>>
      %dma_wait3A_937 = arith.constant 0 : i32
      %dma_wait3A_938 = tpu.memref_slice %arg5[%dma_wait3A_931, %dma_wait3A_937] : memref<8x200xi32, #tpu.memory_space<vmem>> -> memref<1x200xi32, #tpu.memory_space<vmem>>
      %dma_wait3A_939 = tpu.memref_squeeze %dma_wait3A_938 : memref<1x200xi32, #tpu.memory_space<vmem>> -> memref<200xi32, #tpu.memory_space<vmem>>
      %dma_wait3A_940 = arith.constant 0 : i32
      %dma_wait3A_941 = arith.constant 0 : i32
      %dma_wait3A_942 = tpu.memref_slice %arg3[%dma_wait3A_940, %dma_wait3A_941] : memref<2000000x64xf32, #tpu.memory_space<hbm>> -> memref<2000000x64xf32, #tpu.memory_space<hbm>>
      tpu.wait_indirect_dma semaphore(%arg14 : memref<!tpu.dma_semaphore, #tpu.memory_space<semaphore_mem>>) src(%dma_wait3A_942 : memref<2000000x64xf32, #tpu.memory_space<hbm>>) dst(%dma_wait3A_936 : memref<200x64xf32, #tpu.memory_space<vmem>>)
      %mul3A_943 = arith.constant 200 : i32
      %mul3A_944 = arith.muli %add3A_927, %mul3A_943 : i32
      %add3A_945 = arith.addi %mul3A_2, %mul3A_944 : i32
      %dma_start3A_946 = arith.constant 7 : i32
      %dma_start3A_947 = arith.constant 0 : i32
      %dma_start3A_948 = arith.constant 0 : i32
      %dma_start3A_949 = tpu.memref_slice %arg6[%dma_start3A_946, %dma_start3A_947, %dma_start3A_948] : memref<8x200x64xf32, #tpu.memory_space<vmem>> -> memref<1x200x64xf32, #tpu.memory_space<vmem>>
      %dma_start3A_950 = tpu.memref_squeeze %dma_start3A_949 : memref<1x200x64xf32, #tpu.memory_space<vmem>> -> memref<200x64xf32, #tpu.memory_space<vmem>>
      %dma_start3A_951 = arith.constant 0 : i32
      %dma_start3A_952 = tpu.memref_slice %arg4[%add3A_945, %dma_start3A_951] : memref<819200x128xf32, #tpu.memory_space<hbm>> -> memref<200x64xf32, #tpu.memory_space<hbm>>
      %dma_start3A_953 = arith.constant 0 : i32
      %dma_start3A_954 = tpu.memref_slice %arg4[%add3A_945, %dma_start3A_953] : memref<819200x128xf32, #tpu.memory_space<hbm>> -> memref<200x64xf32, #tpu.memory_space<hbm>>
      %dma_start3A_955 = arith.constant 0 : i32
      %dma_start3A_956 = arith.constant 0 : i32
      %dma_start3A_957 = tpu.memref_slice %arg6[%dma_start3A_946, %dma_start3A_955, %dma_start3A_956] : memref<8x200x64xf32, #tpu.memory_space<vmem>> -> memref<1x200x64xf32, #tpu.memory_space<vmem>>
      %dma_start3A_958 = tpu.memref_squeeze %dma_start3A_957 : memref<1x200x64xf32, #tpu.memory_space<vmem>> -> memref<200x64xf32, #tpu.memory_space<vmem>>
      tpu.enqueue_dma source(%dma_start3A_958 : memref<200x64xf32, #tpu.memory_space<vmem>>) target(%dma_start3A_954 : memref<200x64xf32, #tpu.memory_space<hbm>>) target_semaphore(%arg22 : memref<!tpu.dma_semaphore, #tpu.memory_space<semaphore_mem>>)
      %add3A_959 = arith.constant 1600 : i32
      %add3A_960 = arith.addi %add3A_930, %add3A_959 : i32
      %run_scoped3A_961 = arith.constant 7 : i32
      "tpu.region"() ({
        %run_scoped3A_990 = tpu.sem_alloc : memref<!tpu.dma_semaphore, #tpu.memory_space<semaphore_mem>>
        %dma_start3A_991 = arith.constant 0 : i32
        %dma_start3A_992 = tpu.memref_slice %arg5[%run_scoped3A_961, %dma_start3A_991] : memref<8x200xi32, #tpu.memory_space<vmem>> -> memref<1x200xi32, #tpu.memory_space<vmem>>
        %dma_start3A_993 = tpu.memref_squeeze %dma_start3A_992 : memref<1x200xi32, #tpu.memory_space<vmem>> -> memref<200xi32, #tpu.memory_space<vmem>>
        %dma_start3A_994 = tpu.memref_slice %arg2[%add3A_960] : memref<819200xi32, #tpu.memory_space<hbm>> -> memref<200xi32, #tpu.memory_space<hbm>>
        %dma_start3A_995 = arith.constant 0 : i32
        %dma_start3A_996 = tpu.memref_slice %arg5[%run_scoped3A_961, %dma_start3A_995] : memref<8x200xi32, #tpu.memory_space<vmem>> -> memref<1x200xi32, #tpu.memory_space<vmem>>
        %dma_start3A_997 = tpu.memref_squeeze %dma_start3A_996 : memref<1x200xi32, #tpu.memory_space<vmem>> -> memref<200xi32, #tpu.memory_space<vmem>>
        %dma_start3A_998 = tpu.memref_slice %arg2[%add3A_960] : memref<819200xi32, #tpu.memory_space<hbm>> -> memref<200xi32, #tpu.memory_space<hbm>>
        tpu.enqueue_dma source(%dma_start3A_998 : memref<200xi32, #tpu.memory_space<hbm>>) target(%dma_start3A_997 : memref<200xi32, #tpu.memory_space<vmem>>) target_semaphore(%run_scoped3A_990 : memref<!tpu.dma_semaphore, #tpu.memory_space<semaphore_mem>>)
        %dma_wait3A_999 = arith.constant 0 : i32
        %dma_wait3A_1000 = tpu.memref_slice %arg5[%run_scoped3A_961, %dma_wait3A_999] : memref<8x200xi32, #tpu.memory_space<vmem>> -> memref<1x200xi32, #tpu.memory_space<vmem>>
        %dma_wait3A_1001 = tpu.memref_squeeze %dma_wait3A_1000 : memref<1x200xi32, #tpu.memory_space<vmem>> -> memref<200xi32, #tpu.memory_space<vmem>>
        %dma_wait3A_1002 = tpu.memref_slice %arg2[%add3A_960] : memref<819200xi32, #tpu.memory_space<hbm>> -> memref<200xi32, #tpu.memory_space<hbm>>
        %dma_wait3A_1003 = arith.constant 0 : i32
        %dma_wait3A_1004 = tpu.memref_slice %arg5[%run_scoped3A_961, %dma_wait3A_1003] : memref<8x200xi32, #tpu.memory_space<vmem>> -> memref<1x200xi32, #tpu.memory_space<vmem>>
        %dma_wait3A_1005 = tpu.memref_squeeze %dma_wait3A_1004 : memref<1x200xi32, #tpu.memory_space<vmem>> -> memref<200xi32, #tpu.memory_space<vmem>>
        %dma_wait3A_1006 = tpu.memref_slice %arg2[%add3A_960] : memref<819200xi32, #tpu.memory_space<hbm>> -> memref<200xi32, #tpu.memory_space<hbm>>
        tpu.wait_dma2 semaphore(%run_scoped3A_990 : memref<!tpu.dma_semaphore, #tpu.memory_space<semaphore_mem>>) src(%dma_wait3A_1006 : memref<200xi32, #tpu.memory_space<hbm>>) dst(%dma_wait3A_1005 : memref<200xi32, #tpu.memory_space<vmem>>)
        tpu.yield
      }) : () -> ()
      %mul3A_962 = arith.constant 200 : i32
      %mul3A_963 = arith.muli %add3A_927, %mul3A_962 : i32
      %add3A_964 = arith.addi %mul3A_2, %mul3A_963 : i32
      %dma_wait3A_965 = arith.constant 7 : i32
      %dma_wait3A_966 = arith.constant 0 : i32
      %dma_wait3A_967 = arith.constant 0 : i32
      %dma_wait3A_968 = tpu.memref_slice %arg6[%dma_wait3A_965, %dma_wait3A_966, %dma_wait3A_967] : memref<8x200x64xf32, #tpu.memory_space<vmem>> -> memref<1x200x64xf32, #tpu.memory_space<vmem>>
      %dma_wait3A_969 = tpu.memref_squeeze %dma_wait3A_968 : memref<1x200x64xf32, #tpu.memory_space<vmem>> -> memref<200x64xf32, #tpu.memory_space<vmem>>
      %dma_wait3A_970 = arith.constant 0 : i32
      %dma_wait3A_971 = tpu.memref_slice %arg4[%add3A_964, %dma_wait3A_970] : memref<819200x128xf32, #tpu.memory_space<hbm>> -> memref<200x64xf32, #tpu.memory_space<hbm>>
      %dma_wait3A_972 = arith.constant 0 : i32
      %dma_wait3A_973 = tpu.memref_slice %arg4[%add3A_964, %dma_wait3A_972] : memref<819200x128xf32, #tpu.memory_space<hbm>> -> memref<200x64xf32, #tpu.memory_space<hbm>>
      %dma_wait3A_974 = arith.constant 0 : i32
      %dma_wait3A_975 = arith.constant 0 : i32
      %dma_wait3A_976 = tpu.memref_slice %arg6[%dma_wait3A_965, %dma_wait3A_974, %dma_wait3A_975] : memref<8x200x64xf32, #tpu.memory_space<vmem>> -> memref<1x200x64xf32, #tpu.memory_space<vmem>>
      %dma_wait3A_977 = tpu.memref_squeeze %dma_wait3A_976 : memref<1x200x64xf32, #tpu.memory_space<vmem>> -> memref<200x64xf32, #tpu.memory_space<vmem>>
      tpu.wait_dma2 semaphore(%arg22 : memref<!tpu.dma_semaphore, #tpu.memory_space<semaphore_mem>>) src(%dma_wait3A_977 : memref<200x64xf32, #tpu.memory_space<vmem>>) dst(%dma_wait3A_973 : memref<200x64xf32, #tpu.memory_space<hbm>>)
      %dma_start3A_978 = arith.constant 7 : i32
      %dma_start3A_979 = arith.constant 7 : i32
      %dma_start3A_980 = arith.constant 0 : i32
      %dma_start3A_981 = arith.constant 0 : i32
      %dma_start3A_982 = tpu.memref_slice %arg6[%dma_start3A_979, %dma_start3A_980, %dma_start3A_981] : memref<8x200x64xf32, #tpu.memory_space<vmem>> -> memref<1x200x64xf32, #tpu.memory_space<vmem>>
      %dma_start3A_983 = tpu.memref_squeeze %dma_start3A_982 : memref<1x200x64xf32, #tpu.memory_space<vmem>> -> memref<200x64xf32, #tpu.memory_space<vmem>>
      %dma_start3A_984 = arith.constant 0 : i32
      %dma_start3A_985 = tpu.memref_slice %arg5[%dma_start3A_978, %dma_start3A_984] : memref<8x200xi32, #tpu.memory_space<vmem>> -> memref<1x200xi32, #tpu.memory_space<vmem>>
      %dma_start3A_986 = tpu.memref_squeeze %dma_start3A_985 : memref<1x200xi32, #tpu.memory_space<vmem>> -> memref<200xi32, #tpu.memory_space<vmem>>
      %dma_start3A_987 = arith.constant 0 : i32
      %dma_start3A_988 = arith.constant 0 : i32
      %dma_start3A_989 = tpu.memref_slice %arg3[%dma_start3A_987, %dma_start3A_988] : memref<2000000x64xf32, #tpu.memory_space<hbm>> -> memref<2000000x64xf32, #tpu.memory_space<hbm>>
      tpu.enqueue_indirect_dma source(%dma_start3A_989 : memref<2000000x64xf32, #tpu.memory_space<hbm>>) target(%dma_start3A_983 : memref<200x64xf32, #tpu.memory_space<vmem>>) offsets(%dma_start3A_986 : memref<200xi32, #tpu.memory_space<vmem>>) semaphore(%arg14 : memref<!tpu.dma_semaphore, #tpu.memory_space<semaphore_mem>>)
    }
    %scan3A_125 = arith.constant 15 : i32
    %dma_wait3A = arith.constant 0 : i32
    %dma_wait3A_126 = arith.constant 0 : i32
    %dma_wait3A_127 = arith.constant 0 : i32
    %dma_wait3A_128 = arith.constant 0 : i32
    %dma_wait3A_129 = tpu.memref_slice %arg6[%dma_wait3A_126, %dma_wait3A_127, %dma_wait3A_128] : memref<8x200x64xf32, #tpu.memory_space<vmem>> -> memref<1x200x64xf32, #tpu.memory_space<vmem>>
    %dma_wait3A_130 = tpu.memref_squeeze %dma_wait3A_129 : memref<1x200x64xf32, #tpu.memory_space<vmem>> -> memref<200x64xf32, #tpu.memory_space<vmem>>
    %dma_wait3A_131 = arith.constant 0 : i32
    %dma_wait3A_132 = tpu.memref_slice %arg5[%dma_wait3A, %dma_wait3A_131] : memref<8x200xi32, #tpu.memory_space<vmem>> -> memref<1x200xi32, #tpu.memory_space<vmem>>
    %dma_wait3A_133 = tpu.memref_squeeze %dma_wait3A_132 : memref<1x200xi32, #tpu.memory_space<vmem>> -> memref<200xi32, #tpu.memory_space<vmem>>
    %dma_wait3A_134 = arith.constant 0 : i32
    %dma_wait3A_135 = arith.constant 0 : i32
    %dma_wait3A_136 = tpu.memref_slice %arg3[%dma_wait3A_134, %dma_wait3A_135] : memref<2000000x64xf32, #tpu.memory_space<hbm>> -> memref<2000000x64xf32, #tpu.memory_space<hbm>>
    tpu.wait_indirect_dma semaphore(%arg7 : memref<!tpu.dma_semaphore, #tpu.memory_space<semaphore_mem>>) src(%dma_wait3A_136 : memref<2000000x64xf32, #tpu.memory_space<hbm>>) dst(%dma_wait3A_130 : memref<200x64xf32, #tpu.memory_space<vmem>>)
    %add3A_137 = arith.constant 24000 : i32
    %add3A_138 = arith.addi %mul3A_2, %add3A_137 : i32
    %dma_start3A_139 = arith.constant 0 : i32
    %dma_start3A_140 = arith.constant 0 : i32
    %dma_start3A_141 = arith.constant 0 : i32
    %dma_start3A_142 = tpu.memref_slice %arg6[%dma_start3A_139, %dma_start3A_140, %dma_start3A_141] : memref<8x200x64xf32, #tpu.memory_space<vmem>> -> memref<1x200x64xf32, #tpu.memory_space<vmem>>
    %dma_start3A_143 = tpu.memref_squeeze %dma_start3A_142 : memref<1x200x64xf32, #tpu.memory_space<vmem>> -> memref<200x64xf32, #tpu.memory_space<vmem>>
    %dma_start3A_144 = arith.constant 0 : i32
    %dma_start3A_145 = tpu.memref_slice %arg4[%add3A_138, %dma_start3A_144] : memref<819200x128xf32, #tpu.memory_space<hbm>> -> memref<200x64xf32, #tpu.memory_space<hbm>>
    %dma_start3A_146 = arith.constant 0 : i32
    %dma_start3A_147 = tpu.memref_slice %arg4[%add3A_138, %dma_start3A_146] : memref<819200x128xf32, #tpu.memory_space<hbm>> -> memref<200x64xf32, #tpu.memory_space<hbm>>
    %dma_start3A_148 = arith.constant 0 : i32
    %dma_start3A_149 = arith.constant 0 : i32
    %dma_start3A_150 = tpu.memref_slice %arg6[%dma_start3A_139, %dma_start3A_148, %dma_start3A_149] : memref<8x200x64xf32, #tpu.memory_space<vmem>> -> memref<1x200x64xf32, #tpu.memory_space<vmem>>
    %dma_start3A_151 = tpu.memref_squeeze %dma_start3A_150 : memref<1x200x64xf32, #tpu.memory_space<vmem>> -> memref<200x64xf32, #tpu.memory_space<vmem>>
    tpu.enqueue_dma source(%dma_start3A_151 : memref<200x64xf32, #tpu.memory_space<vmem>>) target(%dma_start3A_147 : memref<200x64xf32, #tpu.memory_space<hbm>>) target_semaphore(%arg15 : memref<!tpu.dma_semaphore, #tpu.memory_space<semaphore_mem>>)
    %dma_wait3A_152 = arith.constant 1 : i32
    %dma_wait3A_153 = arith.constant 1 : i32
    %dma_wait3A_154 = arith.constant 0 : i32
    %dma_wait3A_155 = arith.constant 0 : i32
    %dma_wait3A_156 = tpu.memref_slice %arg6[%dma_wait3A_153, %dma_wait3A_154, %dma_wait3A_155] : memref<8x200x64xf32, #tpu.memory_space<vmem>> -> memref<1x200x64xf32, #tpu.memory_space<vmem>>
    %dma_wait3A_157 = tpu.memref_squeeze %dma_wait3A_156 : memref<1x200x64xf32, #tpu.memory_space<vmem>> -> memref<200x64xf32, #tpu.memory_space<vmem>>
    %dma_wait3A_158 = arith.constant 0 : i32
    %dma_wait3A_159 = tpu.memref_slice %arg5[%dma_wait3A_152, %dma_wait3A_158] : memref<8x200xi32, #tpu.memory_space<vmem>> -> memref<1x200xi32, #tpu.memory_space<vmem>>
    %dma_wait3A_160 = tpu.memref_squeeze %dma_wait3A_159 : memref<1x200xi32, #tpu.memory_space<vmem>> -> memref<200xi32, #tpu.memory_space<vmem>>
    %dma_wait3A_161 = arith.constant 0 : i32
    %dma_wait3A_162 = arith.constant 0 : i32
    %dma_wait3A_163 = tpu.memref_slice %arg3[%dma_wait3A_161, %dma_wait3A_162] : memref<2000000x64xf32, #tpu.memory_space<hbm>> -> memref<2000000x64xf32, #tpu.memory_space<hbm>>
    tpu.wait_indirect_dma semaphore(%arg8 : memref<!tpu.dma_semaphore, #tpu.memory_space<semaphore_mem>>) src(%dma_wait3A_163 : memref<2000000x64xf32, #tpu.memory_space<hbm>>) dst(%dma_wait3A_157 : memref<200x64xf32, #tpu.memory_space<vmem>>)
    %add3A_164 = arith.constant 24200 : i32
    %add3A_165 = arith.addi %mul3A_2, %add3A_164 : i32
    %dma_start3A_166 = arith.constant 1 : i32
    %dma_start3A_167 = arith.constant 0 : i32
    %dma_start3A_168 = arith.constant 0 : i32
    %dma_start3A_169 = tpu.memref_slice %arg6[%dma_start3A_166, %dma_start3A_167, %dma_start3A_168] : memref<8x200x64xf32, #tpu.memory_space<vmem>> -> memref<1x200x64xf32, #tpu.memory_space<vmem>>
    %dma_start3A_170 = tpu.memref_squeeze %dma_start3A_169 : memref<1x200x64xf32, #tpu.memory_space<vmem>> -> memref<200x64xf32, #tpu.memory_space<vmem>>
    %dma_start3A_171 = arith.constant 0 : i32
    %dma_start3A_172 = tpu.memref_slice %arg4[%add3A_165, %dma_start3A_171] : memref<819200x128xf32, #tpu.memory_space<hbm>> -> memref<200x64xf32, #tpu.memory_space<hbm>>
    %dma_start3A_173 = arith.constant 0 : i32
    %dma_start3A_174 = tpu.memref_slice %arg4[%add3A_165, %dma_start3A_173] : memref<819200x128xf32, #tpu.memory_space<hbm>> -> memref<200x64xf32, #tpu.memory_space<hbm>>
    %dma_start3A_175 = arith.constant 0 : i32
    %dma_start3A_176 = arith.constant 0 : i32
    %dma_start3A_177 = tpu.memref_slice %arg6[%dma_start3A_166, %dma_start3A_175, %dma_start3A_176] : memref<8x200x64xf32, #tpu.memory_space<vmem>> -> memref<1x200x64xf32, #tpu.memory_space<vmem>>
    %dma_start3A_178 = tpu.memref_squeeze %dma_start3A_177 : memref<1x200x64xf32, #tpu.memory_space<vmem>> -> memref<200x64xf32, #tpu.memory_space<vmem>>
    tpu.enqueue_dma source(%dma_start3A_178 : memref<200x64xf32, #tpu.memory_space<vmem>>) target(%dma_start3A_174 : memref<200x64xf32, #tpu.memory_space<hbm>>) target_semaphore(%arg16 : memref<!tpu.dma_semaphore, #tpu.memory_space<semaphore_mem>>)
    %dma_wait3A_179 = arith.constant 2 : i32
    %dma_wait3A_180 = arith.constant 2 : i32
    %dma_wait3A_181 = arith.constant 0 : i32
    %dma_wait3A_182 = arith.constant 0 : i32
    %dma_wait3A_183 = tpu.memref_slice %arg6[%dma_wait3A_180, %dma_wait3A_181, %dma_wait3A_182] : memref<8x200x64xf32, #tpu.memory_space<vmem>> -> memref<1x200x64xf32, #tpu.memory_space<vmem>>
    %dma_wait3A_184 = tpu.memref_squeeze %dma_wait3A_183 : memref<1x200x64xf32, #tpu.memory_space<vmem>> -> memref<200x64xf32, #tpu.memory_space<vmem>>
    %dma_wait3A_185 = arith.constant 0 : i32
    %dma_wait3A_186 = tpu.memref_slice %arg5[%dma_wait3A_179, %dma_wait3A_185] : memref<8x200xi32, #tpu.memory_space<vmem>> -> memref<1x200xi32, #tpu.memory_space<vmem>>
    %dma_wait3A_187 = tpu.memref_squeeze %dma_wait3A_186 : memref<1x200xi32, #tpu.memory_space<vmem>> -> memref<200xi32, #tpu.memory_space<vmem>>
    %dma_wait3A_188 = arith.constant 0 : i32
    %dma_wait3A_189 = arith.constant 0 : i32
    %dma_wait3A_190 = tpu.memref_slice %arg3[%dma_wait3A_188, %dma_wait3A_189] : memref<2000000x64xf32, #tpu.memory_space<hbm>> -> memref<2000000x64xf32, #tpu.memory_space<hbm>>
    tpu.wait_indirect_dma semaphore(%arg9 : memref<!tpu.dma_semaphore, #tpu.memory_space<semaphore_mem>>) src(%dma_wait3A_190 : memref<2000000x64xf32, #tpu.memory_space<hbm>>) dst(%dma_wait3A_184 : memref<200x64xf32, #tpu.memory_space<vmem>>)
    %add3A_191 = arith.constant 24400 : i32
    %add3A_192 = arith.addi %mul3A_2, %add3A_191 : i32
    %dma_start3A_193 = arith.constant 2 : i32
    %dma_start3A_194 = arith.constant 0 : i32
    %dma_start3A_195 = arith.constant 0 : i32
    %dma_start3A_196 = tpu.memref_slice %arg6[%dma_start3A_193, %dma_start3A_194, %dma_start3A_195] : memref<8x200x64xf32, #tpu.memory_space<vmem>> -> memref<1x200x64xf32, #tpu.memory_space<vmem>>
    %dma_start3A_197 = tpu.memref_squeeze %dma_start3A_196 : memref<1x200x64xf32, #tpu.memory_space<vmem>> -> memref<200x64xf32, #tpu.memory_space<vmem>>
    %dma_start3A_198 = arith.constant 0 : i32
    %dma_start3A_199 = tpu.memref_slice %arg4[%add3A_192, %dma_start3A_198] : memref<819200x128xf32, #tpu.memory_space<hbm>> -> memref<200x64xf32, #tpu.memory_space<hbm>>
    %dma_start3A_200 = arith.constant 0 : i32
    %dma_start3A_201 = tpu.memref_slice %arg4[%add3A_192, %dma_start3A_200] : memref<819200x128xf32, #tpu.memory_space<hbm>> -> memref<200x64xf32, #tpu.memory_space<hbm>>
    %dma_start3A_202 = arith.constant 0 : i32
    %dma_start3A_203 = arith.constant 0 : i32
    %dma_start3A_204 = tpu.memref_slice %arg6[%dma_start3A_193, %dma_start3A_202, %dma_start3A_203] : memref<8x200x64xf32, #tpu.memory_space<vmem>> -> memref<1x200x64xf32, #tpu.memory_space<vmem>>
    %dma_start3A_205 = tpu.memref_squeeze %dma_start3A_204 : memref<1x200x64xf32, #tpu.memory_space<vmem>> -> memref<200x64xf32, #tpu.memory_space<vmem>>
    tpu.enqueue_dma source(%dma_start3A_205 : memref<200x64xf32, #tpu.memory_space<vmem>>) target(%dma_start3A_201 : memref<200x64xf32, #tpu.memory_space<hbm>>) target_semaphore(%arg17 : memref<!tpu.dma_semaphore, #tpu.memory_space<semaphore_mem>>)
    %dma_wait3A_206 = arith.constant 3 : i32
    %dma_wait3A_207 = arith.constant 3 : i32
    %dma_wait3A_208 = arith.constant 0 : i32
    %dma_wait3A_209 = arith.constant 0 : i32
    %dma_wait3A_210 = tpu.memref_slice %arg6[%dma_wait3A_207, %dma_wait3A_208, %dma_wait3A_209] : memref<8x200x64xf32, #tpu.memory_space<vmem>> -> memref<1x200x64xf32, #tpu.memory_space<vmem>>
    %dma_wait3A_211 = tpu.memref_squeeze %dma_wait3A_210 : memref<1x200x64xf32, #tpu.memory_space<vmem>> -> memref<200x64xf32, #tpu.memory_space<vmem>>
    %dma_wait3A_212 = arith.constant 0 : i32
    %dma_wait3A_213 = tpu.memref_slice %arg5[%dma_wait3A_206, %dma_wait3A_212] : memref<8x200xi32, #tpu.memory_space<vmem>> -> memref<1x200xi32, #tpu.memory_space<vmem>>
    %dma_wait3A_214 = tpu.memref_squeeze %dma_wait3A_213 : memref<1x200xi32, #tpu.memory_space<vmem>> -> memref<200xi32, #tpu.memory_space<vmem>>
    %dma_wait3A_215 = arith.constant 0 : i32
    %dma_wait3A_216 = arith.constant 0 : i32
    %dma_wait3A_217 = tpu.memref_slice %arg3[%dma_wait3A_215, %dma_wait3A_216] : memref<2000000x64xf32, #tpu.memory_space<hbm>> -> memref<2000000x64xf32, #tpu.memory_space<hbm>>
    tpu.wait_indirect_dma semaphore(%arg10 : memref<!tpu.dma_semaphore, #tpu.memory_space<semaphore_mem>>) src(%dma_wait3A_217 : memref<2000000x64xf32, #tpu.memory_space<hbm>>) dst(%dma_wait3A_211 : memref<200x64xf32, #tpu.memory_space<vmem>>)
    %add3A_218 = arith.constant 24600 : i32
    %add3A_219 = arith.addi %mul3A_2, %add3A_218 : i32
    %dma_start3A_220 = arith.constant 3 : i32
    %dma_start3A_221 = arith.constant 0 : i32
    %dma_start3A_222 = arith.constant 0 : i32
    %dma_start3A_223 = tpu.memref_slice %arg6[%dma_start3A_220, %dma_start3A_221, %dma_start3A_222] : memref<8x200x64xf32, #tpu.memory_space<vmem>> -> memref<1x200x64xf32, #tpu.memory_space<vmem>>
    %dma_start3A_224 = tpu.memref_squeeze %dma_start3A_223 : memref<1x200x64xf32, #tpu.memory_space<vmem>> -> memref<200x64xf32, #tpu.memory_space<vmem>>
    %dma_start3A_225 = arith.constant 0 : i32
    %dma_start3A_226 = tpu.memref_slice %arg4[%add3A_219, %dma_start3A_225] : memref<819200x128xf32, #tpu.memory_space<hbm>> -> memref<200x64xf32, #tpu.memory_space<hbm>>
    %dma_start3A_227 = arith.constant 0 : i32
    %dma_start3A_228 = tpu.memref_slice %arg4[%add3A_219, %dma_start3A_227] : memref<819200x128xf32, #tpu.memory_space<hbm>> -> memref<200x64xf32, #tpu.memory_space<hbm>>
    %dma_start3A_229 = arith.constant 0 : i32
    %dma_start3A_230 = arith.constant 0 : i32
    %dma_start3A_231 = tpu.memref_slice %arg6[%dma_start3A_220, %dma_start3A_229, %dma_start3A_230] : memref<8x200x64xf32, #tpu.memory_space<vmem>> -> memref<1x200x64xf32, #tpu.memory_space<vmem>>
    %dma_start3A_232 = tpu.memref_squeeze %dma_start3A_231 : memref<1x200x64xf32, #tpu.memory_space<vmem>> -> memref<200x64xf32, #tpu.memory_space<vmem>>
    tpu.enqueue_dma source(%dma_start3A_232 : memref<200x64xf32, #tpu.memory_space<vmem>>) target(%dma_start3A_228 : memref<200x64xf32, #tpu.memory_space<hbm>>) target_semaphore(%arg18 : memref<!tpu.dma_semaphore, #tpu.memory_space<semaphore_mem>>)
    %dma_wait3A_233 = arith.constant 4 : i32
    %dma_wait3A_234 = arith.constant 4 : i32
    %dma_wait3A_235 = arith.constant 0 : i32
    %dma_wait3A_236 = arith.constant 0 : i32
    %dma_wait3A_237 = tpu.memref_slice %arg6[%dma_wait3A_234, %dma_wait3A_235, %dma_wait3A_236] : memref<8x200x64xf32, #tpu.memory_space<vmem>> -> memref<1x200x64xf32, #tpu.memory_space<vmem>>
    %dma_wait3A_238 = tpu.memref_squeeze %dma_wait3A_237 : memref<1x200x64xf32, #tpu.memory_space<vmem>> -> memref<200x64xf32, #tpu.memory_space<vmem>>
    %dma_wait3A_239 = arith.constant 0 : i32
    %dma_wait3A_240 = tpu.memref_slice %arg5[%dma_wait3A_233, %dma_wait3A_239] : memref<8x200xi32, #tpu.memory_space<vmem>> -> memref<1x200xi32, #tpu.memory_space<vmem>>
    %dma_wait3A_241 = tpu.memref_squeeze %dma_wait3A_240 : memref<1x200xi32, #tpu.memory_space<vmem>> -> memref<200xi32, #tpu.memory_space<vmem>>
    %dma_wait3A_242 = arith.constant 0 : i32
    %dma_wait3A_243 = arith.constant 0 : i32
    %dma_wait3A_244 = tpu.memref_slice %arg3[%dma_wait3A_242, %dma_wait3A_243] : memref<2000000x64xf32, #tpu.memory_space<hbm>> -> memref<2000000x64xf32, #tpu.memory_space<hbm>>
    tpu.wait_indirect_dma semaphore(%arg11 : memref<!tpu.dma_semaphore, #tpu.memory_space<semaphore_mem>>) src(%dma_wait3A_244 : memref<2000000x64xf32, #tpu.memory_space<hbm>>) dst(%dma_wait3A_238 : memref<200x64xf32, #tpu.memory_space<vmem>>)
    %add3A_245 = arith.constant 24800 : i32
    %add3A_246 = arith.addi %mul3A_2, %add3A_245 : i32
    %dma_start3A_247 = arith.constant 4 : i32
    %dma_start3A_248 = arith.constant 0 : i32
    %dma_start3A_249 = arith.constant 0 : i32
    %dma_start3A_250 = tpu.memref_slice %arg6[%dma_start3A_247, %dma_start3A_248, %dma_start3A_249] : memref<8x200x64xf32, #tpu.memory_space<vmem>> -> memref<1x200x64xf32, #tpu.memory_space<vmem>>
    %dma_start3A_251 = tpu.memref_squeeze %dma_start3A_250 : memref<1x200x64xf32, #tpu.memory_space<vmem>> -> memref<200x64xf32, #tpu.memory_space<vmem>>
    %dma_start3A_252 = arith.constant 0 : i32
    %dma_start3A_253 = tpu.memref_slice %arg4[%add3A_246, %dma_start3A_252] : memref<819200x128xf32, #tpu.memory_space<hbm>> -> memref<200x64xf32, #tpu.memory_space<hbm>>
    %dma_start3A_254 = arith.constant 0 : i32
    %dma_start3A_255 = tpu.memref_slice %arg4[%add3A_246, %dma_start3A_254] : memref<819200x128xf32, #tpu.memory_space<hbm>> -> memref<200x64xf32, #tpu.memory_space<hbm>>
    %dma_start3A_256 = arith.constant 0 : i32
    %dma_start3A_257 = arith.constant 0 : i32
    %dma_start3A_258 = tpu.memref_slice %arg6[%dma_start3A_247, %dma_start3A_256, %dma_start3A_257] : memref<8x200x64xf32, #tpu.memory_space<vmem>> -> memref<1x200x64xf32, #tpu.memory_space<vmem>>
    %dma_start3A_259 = tpu.memref_squeeze %dma_start3A_258 : memref<1x200x64xf32, #tpu.memory_space<vmem>> -> memref<200x64xf32, #tpu.memory_space<vmem>>
    tpu.enqueue_dma source(%dma_start3A_259 : memref<200x64xf32, #tpu.memory_space<vmem>>) target(%dma_start3A_255 : memref<200x64xf32, #tpu.memory_space<hbm>>) target_semaphore(%arg19 : memref<!tpu.dma_semaphore, #tpu.memory_space<semaphore_mem>>)
    %dma_wait3A_260 = arith.constant 5 : i32
    %dma_wait3A_261 = arith.constant 5 : i32
    %dma_wait3A_262 = arith.constant 0 : i32
    %dma_wait3A_263 = arith.constant 0 : i32
    %dma_wait3A_264 = tpu.memref_slice %arg6[%dma_wait3A_261, %dma_wait3A_262, %dma_wait3A_263] : memref<8x200x64xf32, #tpu.memory_space<vmem>> -> memref<1x200x64xf32, #tpu.memory_space<vmem>>
    %dma_wait3A_265 = tpu.memref_squeeze %dma_wait3A_264 : memref<1x200x64xf32, #tpu.memory_space<vmem>> -> memref<200x64xf32, #tpu.memory_space<vmem>>
    %dma_wait3A_266 = arith.constant 0 : i32
    %dma_wait3A_267 = tpu.memref_slice %arg5[%dma_wait3A_260, %dma_wait3A_266] : memref<8x200xi32, #tpu.memory_space<vmem>> -> memref<1x200xi32, #tpu.memory_space<vmem>>
    %dma_wait3A_268 = tpu.memref_squeeze %dma_wait3A_267 : memref<1x200xi32, #tpu.memory_space<vmem>> -> memref<200xi32, #tpu.memory_space<vmem>>
    %dma_wait3A_269 = arith.constant 0 : i32
    %dma_wait3A_270 = arith.constant 0 : i32
    %dma_wait3A_271 = tpu.memref_slice %arg3[%dma_wait3A_269, %dma_wait3A_270] : memref<2000000x64xf32, #tpu.memory_space<hbm>> -> memref<2000000x64xf32, #tpu.memory_space<hbm>>
    tpu.wait_indirect_dma semaphore(%arg12 : memref<!tpu.dma_semaphore, #tpu.memory_space<semaphore_mem>>) src(%dma_wait3A_271 : memref<2000000x64xf32, #tpu.memory_space<hbm>>) dst(%dma_wait3A_265 : memref<200x64xf32, #tpu.memory_space<vmem>>)
    %add3A_272 = arith.constant 25000 : i32
    %add3A_273 = arith.addi %mul3A_2, %add3A_272 : i32
    %dma_start3A_274 = arith.constant 5 : i32
    %dma_start3A_275 = arith.constant 0 : i32
    %dma_start3A_276 = arith.constant 0 : i32
    %dma_start3A_277 = tpu.memref_slice %arg6[%dma_start3A_274, %dma_start3A_275, %dma_start3A_276] : memref<8x200x64xf32, #tpu.memory_space<vmem>> -> memref<1x200x64xf32, #tpu.memory_space<vmem>>
    %dma_start3A_278 = tpu.memref_squeeze %dma_start3A_277 : memref<1x200x64xf32, #tpu.memory_space<vmem>> -> memref<200x64xf32, #tpu.memory_space<vmem>>
    %dma_start3A_279 = arith.constant 0 : i32
    %dma_start3A_280 = tpu.memref_slice %arg4[%add3A_273, %dma_start3A_279] : memref<819200x128xf32, #tpu.memory_space<hbm>> -> memref<200x64xf32, #tpu.memory_space<hbm>>
    %dma_start3A_281 = arith.constant 0 : i32
    %dma_start3A_282 = tpu.memref_slice %arg4[%add3A_273, %dma_start3A_281] : memref<819200x128xf32, #tpu.memory_space<hbm>> -> memref<200x64xf32, #tpu.memory_space<hbm>>
    %dma_start3A_283 = arith.constant 0 : i32
    %dma_start3A_284 = arith.constant 0 : i32
    %dma_start3A_285 = tpu.memref_slice %arg6[%dma_start3A_274, %dma_start3A_283, %dma_start3A_284] : memref<8x200x64xf32, #tpu.memory_space<vmem>> -> memref<1x200x64xf32, #tpu.memory_space<vmem>>
    %dma_start3A_286 = tpu.memref_squeeze %dma_start3A_285 : memref<1x200x64xf32, #tpu.memory_space<vmem>> -> memref<200x64xf32, #tpu.memory_space<vmem>>
    tpu.enqueue_dma source(%dma_start3A_286 : memref<200x64xf32, #tpu.memory_space<vmem>>) target(%dma_start3A_282 : memref<200x64xf32, #tpu.memory_space<hbm>>) target_semaphore(%arg20 : memref<!tpu.dma_semaphore, #tpu.memory_space<semaphore_mem>>)
    %dma_wait3A_287 = arith.constant 6 : i32
    %dma_wait3A_288 = arith.constant 6 : i32
    %dma_wait3A_289 = arith.constant 0 : i32
    %dma_wait3A_290 = arith.constant 0 : i32
    %dma_wait3A_291 = tpu.memref_slice %arg6[%dma_wait3A_288, %dma_wait3A_289, %dma_wait3A_290] : memref<8x200x64xf32, #tpu.memory_space<vmem>> -> memref<1x200x64xf32, #tpu.memory_space<vmem>>
    %dma_wait3A_292 = tpu.memref_squeeze %dma_wait3A_291 : memref<1x200x64xf32, #tpu.memory_space<vmem>> -> memref<200x64xf32, #tpu.memory_space<vmem>>
    %dma_wait3A_293 = arith.constant 0 : i32
    %dma_wait3A_294 = tpu.memref_slice %arg5[%dma_wait3A_287, %dma_wait3A_293] : memref<8x200xi32, #tpu.memory_space<vmem>> -> memref<1x200xi32, #tpu.memory_space<vmem>>
    %dma_wait3A_295 = tpu.memref_squeeze %dma_wait3A_294 : memref<1x200xi32, #tpu.memory_space<vmem>> -> memref<200xi32, #tpu.memory_space<vmem>>
    %dma_wait3A_296 = arith.constant 0 : i32
    %dma_wait3A_297 = arith.constant 0 : i32
    %dma_wait3A_298 = tpu.memref_slice %arg3[%dma_wait3A_296, %dma_wait3A_297] : memref<2000000x64xf32, #tpu.memory_space<hbm>> -> memref<2000000x64xf32, #tpu.memory_space<hbm>>
    tpu.wait_indirect_dma semaphore(%arg13 : memref<!tpu.dma_semaphore, #tpu.memory_space<semaphore_mem>>) src(%dma_wait3A_298 : memref<2000000x64xf32, #tpu.memory_space<hbm>>) dst(%dma_wait3A_292 : memref<200x64xf32, #tpu.memory_space<vmem>>)
    %add3A_299 = arith.constant 25200 : i32
    %add3A_300 = arith.addi %mul3A_2, %add3A_299 : i32
    %dma_start3A_301 = arith.constant 6 : i32
    %dma_start3A_302 = arith.constant 0 : i32
    %dma_start3A_303 = arith.constant 0 : i32
    %dma_start3A_304 = tpu.memref_slice %arg6[%dma_start3A_301, %dma_start3A_302, %dma_start3A_303] : memref<8x200x64xf32, #tpu.memory_space<vmem>> -> memref<1x200x64xf32, #tpu.memory_space<vmem>>
    %dma_start3A_305 = tpu.memref_squeeze %dma_start3A_304 : memref<1x200x64xf32, #tpu.memory_space<vmem>> -> memref<200x64xf32, #tpu.memory_space<vmem>>
    %dma_start3A_306 = arith.constant 0 : i32
    %dma_start3A_307 = tpu.memref_slice %arg4[%add3A_300, %dma_start3A_306] : memref<819200x128xf32, #tpu.memory_space<hbm>> -> memref<200x64xf32, #tpu.memory_space<hbm>>
    %dma_start3A_308 = arith.constant 0 : i32
    %dma_start3A_309 = tpu.memref_slice %arg4[%add3A_300, %dma_start3A_308] : memref<819200x128xf32, #tpu.memory_space<hbm>> -> memref<200x64xf32, #tpu.memory_space<hbm>>
    %dma_start3A_310 = arith.constant 0 : i32
    %dma_start3A_311 = arith.constant 0 : i32
    %dma_start3A_312 = tpu.memref_slice %arg6[%dma_start3A_301, %dma_start3A_310, %dma_start3A_311] : memref<8x200x64xf32, #tpu.memory_space<vmem>> -> memref<1x200x64xf32, #tpu.memory_space<vmem>>
    %dma_start3A_313 = tpu.memref_squeeze %dma_start3A_312 : memref<1x200x64xf32, #tpu.memory_space<vmem>> -> memref<200x64xf32, #tpu.memory_space<vmem>>
    tpu.enqueue_dma source(%dma_start3A_313 : memref<200x64xf32, #tpu.memory_space<vmem>>) target(%dma_start3A_309 : memref<200x64xf32, #tpu.memory_space<hbm>>) target_semaphore(%arg21 : memref<!tpu.dma_semaphore, #tpu.memory_space<semaphore_mem>>)
    %dma_wait3A_314 = arith.constant 7 : i32
    %dma_wait3A_315 = arith.constant 7 : i32
    %dma_wait3A_316 = arith.constant 0 : i32
    %dma_wait3A_317 = arith.constant 0 : i32
    %dma_wait3A_318 = tpu.memref_slice %arg6[%dma_wait3A_315, %dma_wait3A_316, %dma_wait3A_317] : memref<8x200x64xf32, #tpu.memory_space<vmem>> -> memref<1x200x64xf32, #tpu.memory_space<vmem>>
    %dma_wait3A_319 = tpu.memref_squeeze %dma_wait3A_318 : memref<1x200x64xf32, #tpu.memory_space<vmem>> -> memref<200x64xf32, #tpu.memory_space<vmem>>
    %dma_wait3A_320 = arith.constant 0 : i32
    %dma_wait3A_321 = tpu.memref_slice %arg5[%dma_wait3A_314, %dma_wait3A_320] : memref<8x200xi32, #tpu.memory_space<vmem>> -> memref<1x200xi32, #tpu.memory_space<vmem>>
    %dma_wait3A_322 = tpu.memref_squeeze %dma_wait3A_321 : memref<1x200xi32, #tpu.memory_space<vmem>> -> memref<200xi32, #tpu.memory_space<vmem>>
    %dma_wait3A_323 = arith.constant 0 : i32
    %dma_wait3A_324 = arith.constant 0 : i32
    %dma_wait3A_325 = tpu.memref_slice %arg3[%dma_wait3A_323, %dma_wait3A_324] : memref<2000000x64xf32, #tpu.memory_space<hbm>> -> memref<2000000x64xf32, #tpu.memory_space<hbm>>
    tpu.wait_indirect_dma semaphore(%arg14 : memref<!tpu.dma_semaphore, #tpu.memory_space<semaphore_mem>>) src(%dma_wait3A_325 : memref<2000000x64xf32, #tpu.memory_space<hbm>>) dst(%dma_wait3A_319 : memref<200x64xf32, #tpu.memory_space<vmem>>)
    %add3A_326 = arith.constant 25400 : i32
    %add3A_327 = arith.addi %mul3A_2, %add3A_326 : i32
    %dma_start3A_328 = arith.constant 7 : i32
    %dma_start3A_329 = arith.constant 0 : i32
    %dma_start3A_330 = arith.constant 0 : i32
    %dma_start3A_331 = tpu.memref_slice %arg6[%dma_start3A_328, %dma_start3A_329, %dma_start3A_330] : memref<8x200x64xf32, #tpu.memory_space<vmem>> -> memref<1x200x64xf32, #tpu.memory_space<vmem>>
    %dma_start3A_332 = tpu.memref_squeeze %dma_start3A_331 : memref<1x200x64xf32, #tpu.memory_space<vmem>> -> memref<200x64xf32, #tpu.memory_space<vmem>>
    %dma_start3A_333 = arith.constant 0 : i32
    %dma_start3A_334 = tpu.memref_slice %arg4[%add3A_327, %dma_start3A_333] : memref<819200x128xf32, #tpu.memory_space<hbm>> -> memref<200x64xf32, #tpu.memory_space<hbm>>
    %dma_start3A_335 = arith.constant 0 : i32
    %dma_start3A_336 = tpu.memref_slice %arg4[%add3A_327, %dma_start3A_335] : memref<819200x128xf32, #tpu.memory_space<hbm>> -> memref<200x64xf32, #tpu.memory_space<hbm>>
    %dma_start3A_337 = arith.constant 0 : i32
    %dma_start3A_338 = arith.constant 0 : i32
    %dma_start3A_339 = tpu.memref_slice %arg6[%dma_start3A_328, %dma_start3A_337, %dma_start3A_338] : memref<8x200x64xf32, #tpu.memory_space<vmem>> -> memref<1x200x64xf32, #tpu.memory_space<vmem>>
    %dma_start3A_340 = tpu.memref_squeeze %dma_start3A_339 : memref<1x200x64xf32, #tpu.memory_space<vmem>> -> memref<200x64xf32, #tpu.memory_space<vmem>>
    tpu.enqueue_dma source(%dma_start3A_340 : memref<200x64xf32, #tpu.memory_space<vmem>>) target(%dma_start3A_336 : memref<200x64xf32, #tpu.memory_space<hbm>>) target_semaphore(%arg22 : memref<!tpu.dma_semaphore, #tpu.memory_space<semaphore_mem>>)
    %add3A_341 = arith.constant 24000 : i32
    %add3A_342 = arith.addi %mul3A_2, %add3A_341 : i32
    %dma_wait3A_343 = arith.constant 0 : i32
    %dma_wait3A_344 = arith.constant 0 : i32
    %dma_wait3A_345 = arith.constant 0 : i32
    %dma_wait3A_346 = tpu.memref_slice %arg6[%dma_wait3A_343, %dma_wait3A_344, %dma_wait3A_345] : memref<8x200x64xf32, #tpu.memory_space<vmem>> -> memref<1x200x64xf32, #tpu.memory_space<vmem>>
    %dma_wait3A_347 = tpu.memref_squeeze %dma_wait3A_346 : memref<1x200x64xf32, #tpu.memory_space<vmem>> -> memref<200x64xf32, #tpu.memory_space<vmem>>
    %dma_wait3A_348 = arith.constant 0 : i32
    %dma_wait3A_349 = tpu.memref_slice %arg4[%add3A_342, %dma_wait3A_348] : memref<819200x128xf32, #tpu.memory_space<hbm>> -> memref<200x64xf32, #tpu.memory_space<hbm>>
    %dma_wait3A_350 = arith.constant 0 : i32
    %dma_wait3A_351 = tpu.memref_slice %arg4[%add3A_342, %dma_wait3A_350] : memref<819200x128xf32, #tpu.memory_space<hbm>> -> memref<200x64xf32, #tpu.memory_space<hbm>>
    %dma_wait3A_352 = arith.constant 0 : i32
    %dma_wait3A_353 = arith.constant 0 : i32
    %dma_wait3A_354 = tpu.memref_slice %arg6[%dma_wait3A_343, %dma_wait3A_352, %dma_wait3A_353] : memref<8x200x64xf32, #tpu.memory_space<vmem>> -> memref<1x200x64xf32, #tpu.memory_space<vmem>>
    %dma_wait3A_355 = tpu.memref_squeeze %dma_wait3A_354 : memref<1x200x64xf32, #tpu.memory_space<vmem>> -> memref<200x64xf32, #tpu.memory_space<vmem>>
    tpu.wait_dma2 semaphore(%arg15 : memref<!tpu.dma_semaphore, #tpu.memory_space<semaphore_mem>>) src(%dma_wait3A_355 : memref<200x64xf32, #tpu.memory_space<vmem>>) dst(%dma_wait3A_351 : memref<200x64xf32, #tpu.memory_space<hbm>>)
    %add3A_356 = arith.constant 24200 : i32
    %add3A_357 = arith.addi %mul3A_2, %add3A_356 : i32
    %dma_wait3A_358 = arith.constant 1 : i32
    %dma_wait3A_359 = arith.constant 0 : i32
    %dma_wait3A_360 = arith.constant 0 : i32
    %dma_wait3A_361 = tpu.memref_slice %arg6[%dma_wait3A_358, %dma_wait3A_359, %dma_wait3A_360] : memref<8x200x64xf32, #tpu.memory_space<vmem>> -> memref<1x200x64xf32, #tpu.memory_space<vmem>>
    %dma_wait3A_362 = tpu.memref_squeeze %dma_wait3A_361 : memref<1x200x64xf32, #tpu.memory_space<vmem>> -> memref<200x64xf32, #tpu.memory_space<vmem>>
    %dma_wait3A_363 = arith.constant 0 : i32
    %dma_wait3A_364 = tpu.memref_slice %arg4[%add3A_357, %dma_wait3A_363] : memref<819200x128xf32, #tpu.memory_space<hbm>> -> memref<200x64xf32, #tpu.memory_space<hbm>>
    %dma_wait3A_365 = arith.constant 0 : i32
    %dma_wait3A_366 = tpu.memref_slice %arg4[%add3A_357, %dma_wait3A_365] : memref<819200x128xf32, #tpu.memory_space<hbm>> -> memref<200x64xf32, #tpu.memory_space<hbm>>
    %dma_wait3A_367 = arith.constant 0 : i32
    %dma_wait3A_368 = arith.constant 0 : i32
    %dma_wait3A_369 = tpu.memref_slice %arg6[%dma_wait3A_358, %dma_wait3A_367, %dma_wait3A_368] : memref<8x200x64xf32, #tpu.memory_space<vmem>> -> memref<1x200x64xf32, #tpu.memory_space<vmem>>
    %dma_wait3A_370 = tpu.memref_squeeze %dma_wait3A_369 : memref<1x200x64xf32, #tpu.memory_space<vmem>> -> memref<200x64xf32, #tpu.memory_space<vmem>>
    tpu.wait_dma2 semaphore(%arg16 : memref<!tpu.dma_semaphore, #tpu.memory_space<semaphore_mem>>) src(%dma_wait3A_370 : memref<200x64xf32, #tpu.memory_space<vmem>>) dst(%dma_wait3A_366 : memref<200x64xf32, #tpu.memory_space<hbm>>)
    %add3A_371 = arith.constant 24400 : i32
    %add3A_372 = arith.addi %mul3A_2, %add3A_371 : i32
    %dma_wait3A_373 = arith.constant 2 : i32
    %dma_wait3A_374 = arith.constant 0 : i32
    %dma_wait3A_375 = arith.constant 0 : i32
    %dma_wait3A_376 = tpu.memref_slice %arg6[%dma_wait3A_373, %dma_wait3A_374, %dma_wait3A_375] : memref<8x200x64xf32, #tpu.memory_space<vmem>> -> memref<1x200x64xf32, #tpu.memory_space<vmem>>
    %dma_wait3A_377 = tpu.memref_squeeze %dma_wait3A_376 : memref<1x200x64xf32, #tpu.memory_space<vmem>> -> memref<200x64xf32, #tpu.memory_space<vmem>>
    %dma_wait3A_378 = arith.constant 0 : i32
    %dma_wait3A_379 = tpu.memref_slice %arg4[%add3A_372, %dma_wait3A_378] : memref<819200x128xf32, #tpu.memory_space<hbm>> -> memref<200x64xf32, #tpu.memory_space<hbm>>
    %dma_wait3A_380 = arith.constant 0 : i32
    %dma_wait3A_381 = tpu.memref_slice %arg4[%add3A_372, %dma_wait3A_380] : memref<819200x128xf32, #tpu.memory_space<hbm>> -> memref<200x64xf32, #tpu.memory_space<hbm>>
    %dma_wait3A_382 = arith.constant 0 : i32
    %dma_wait3A_383 = arith.constant 0 : i32
    %dma_wait3A_384 = tpu.memref_slice %arg6[%dma_wait3A_373, %dma_wait3A_382, %dma_wait3A_383] : memref<8x200x64xf32, #tpu.memory_space<vmem>> -> memref<1x200x64xf32, #tpu.memory_space<vmem>>
    %dma_wait3A_385 = tpu.memref_squeeze %dma_wait3A_384 : memref<1x200x64xf32, #tpu.memory_space<vmem>> -> memref<200x64xf32, #tpu.memory_space<vmem>>
    tpu.wait_dma2 semaphore(%arg17 : memref<!tpu.dma_semaphore, #tpu.memory_space<semaphore_mem>>) src(%dma_wait3A_385 : memref<200x64xf32, #tpu.memory_space<vmem>>) dst(%dma_wait3A_381 : memref<200x64xf32, #tpu.memory_space<hbm>>)
    %add3A_386 = arith.constant 24600 : i32
    %add3A_387 = arith.addi %mul3A_2, %add3A_386 : i32
    %dma_wait3A_388 = arith.constant 3 : i32
    %dma_wait3A_389 = arith.constant 0 : i32
    %dma_wait3A_390 = arith.constant 0 : i32
    %dma_wait3A_391 = tpu.memref_slice %arg6[%dma_wait3A_388, %dma_wait3A_389, %dma_wait3A_390] : memref<8x200x64xf32, #tpu.memory_space<vmem>> -> memref<1x200x64xf32, #tpu.memory_space<vmem>>
    %dma_wait3A_392 = tpu.memref_squeeze %dma_wait3A_391 : memref<1x200x64xf32, #tpu.memory_space<vmem>> -> memref<200x64xf32, #tpu.memory_space<vmem>>
    %dma_wait3A_393 = arith.constant 0 : i32
    %dma_wait3A_394 = tpu.memref_slice %arg4[%add3A_387, %dma_wait3A_393] : memref<819200x128xf32, #tpu.memory_space<hbm>> -> memref<200x64xf32, #tpu.memory_space<hbm>>
    %dma_wait3A_395 = arith.constant 0 : i32
    %dma_wait3A_396 = tpu.memref_slice %arg4[%add3A_387, %dma_wait3A_395] : memref<819200x128xf32, #tpu.memory_space<hbm>> -> memref<200x64xf32, #tpu.memory_space<hbm>>
    %dma_wait3A_397 = arith.constant 0 : i32
    %dma_wait3A_398 = arith.constant 0 : i32
    %dma_wait3A_399 = tpu.memref_slice %arg6[%dma_wait3A_388, %dma_wait3A_397, %dma_wait3A_398] : memref<8x200x64xf32, #tpu.memory_space<vmem>> -> memref<1x200x64xf32, #tpu.memory_space<vmem>>
    %dma_wait3A_400 = tpu.memref_squeeze %dma_wait3A_399 : memref<1x200x64xf32, #tpu.memory_space<vmem>> -> memref<200x64xf32, #tpu.memory_space<vmem>>
    tpu.wait_dma2 semaphore(%arg18 : memref<!tpu.dma_semaphore, #tpu.memory_space<semaphore_mem>>) src(%dma_wait3A_400 : memref<200x64xf32, #tpu.memory_space<vmem>>) dst(%dma_wait3A_396 : memref<200x64xf32, #tpu.memory_space<hbm>>)
    %add3A_401 = arith.constant 24800 : i32
    %add3A_402 = arith.addi %mul3A_2, %add3A_401 : i32
    %dma_wait3A_403 = arith.constant 4 : i32
    %dma_wait3A_404 = arith.constant 0 : i32
    %dma_wait3A_405 = arith.constant 0 : i32
    %dma_wait3A_406 = tpu.memref_slice %arg6[%dma_wait3A_403, %dma_wait3A_404, %dma_wait3A_405] : memref<8x200x64xf32, #tpu.memory_space<vmem>> -> memref<1x200x64xf32, #tpu.memory_space<vmem>>
    %dma_wait3A_407 = tpu.memref_squeeze %dma_wait3A_406 : memref<1x200x64xf32, #tpu.memory_space<vmem>> -> memref<200x64xf32, #tpu.memory_space<vmem>>
    %dma_wait3A_408 = arith.constant 0 : i32
    %dma_wait3A_409 = tpu.memref_slice %arg4[%add3A_402, %dma_wait3A_408] : memref<819200x128xf32, #tpu.memory_space<hbm>> -> memref<200x64xf32, #tpu.memory_space<hbm>>
    %dma_wait3A_410 = arith.constant 0 : i32
    %dma_wait3A_411 = tpu.memref_slice %arg4[%add3A_402, %dma_wait3A_410] : memref<819200x128xf32, #tpu.memory_space<hbm>> -> memref<200x64xf32, #tpu.memory_space<hbm>>
    %dma_wait3A_412 = arith.constant 0 : i32
    %dma_wait3A_413 = arith.constant 0 : i32
    %dma_wait3A_414 = tpu.memref_slice %arg6[%dma_wait3A_403, %dma_wait3A_412, %dma_wait3A_413] : memref<8x200x64xf32, #tpu.memory_space<vmem>> -> memref<1x200x64xf32, #tpu.memory_space<vmem>>
    %dma_wait3A_415 = tpu.memref_squeeze %dma_wait3A_414 : memref<1x200x64xf32, #tpu.memory_space<vmem>> -> memref<200x64xf32, #tpu.memory_space<vmem>>
    tpu.wait_dma2 semaphore(%arg19 : memref<!tpu.dma_semaphore, #tpu.memory_space<semaphore_mem>>) src(%dma_wait3A_415 : memref<200x64xf32, #tpu.memory_space<vmem>>) dst(%dma_wait3A_411 : memref<200x64xf32, #tpu.memory_space<hbm>>)
    %add3A_416 = arith.constant 25000 : i32
    %add3A_417 = arith.addi %mul3A_2, %add3A_416 : i32
    %dma_wait3A_418 = arith.constant 5 : i32
    %dma_wait3A_419 = arith.constant 0 : i32
    %dma_wait3A_420 = arith.constant 0 : i32
    %dma_wait3A_421 = tpu.memref_slice %arg6[%dma_wait3A_418, %dma_wait3A_419, %dma_wait3A_420] : memref<8x200x64xf32, #tpu.memory_space<vmem>> -> memref<1x200x64xf32, #tpu.memory_space<vmem>>
    %dma_wait3A_422 = tpu.memref_squeeze %dma_wait3A_421 : memref<1x200x64xf32, #tpu.memory_space<vmem>> -> memref<200x64xf32, #tpu.memory_space<vmem>>
    %dma_wait3A_423 = arith.constant 0 : i32
    %dma_wait3A_424 = tpu.memref_slice %arg4[%add3A_417, %dma_wait3A_423] : memref<819200x128xf32, #tpu.memory_space<hbm>> -> memref<200x64xf32, #tpu.memory_space<hbm>>
    %dma_wait3A_425 = arith.constant 0 : i32
    %dma_wait3A_426 = tpu.memref_slice %arg4[%add3A_417, %dma_wait3A_425] : memref<819200x128xf32, #tpu.memory_space<hbm>> -> memref<200x64xf32, #tpu.memory_space<hbm>>
    %dma_wait3A_427 = arith.constant 0 : i32
    %dma_wait3A_428 = arith.constant 0 : i32
    %dma_wait3A_429 = tpu.memref_slice %arg6[%dma_wait3A_418, %dma_wait3A_427, %dma_wait3A_428] : memref<8x200x64xf32, #tpu.memory_space<vmem>> -> memref<1x200x64xf32, #tpu.memory_space<vmem>>
    %dma_wait3A_430 = tpu.memref_squeeze %dma_wait3A_429 : memref<1x200x64xf32, #tpu.memory_space<vmem>> -> memref<200x64xf32, #tpu.memory_space<vmem>>
    tpu.wait_dma2 semaphore(%arg20 : memref<!tpu.dma_semaphore, #tpu.memory_space<semaphore_mem>>) src(%dma_wait3A_430 : memref<200x64xf32, #tpu.memory_space<vmem>>) dst(%dma_wait3A_426 : memref<200x64xf32, #tpu.memory_space<hbm>>)
    %add3A_431 = arith.constant 25200 : i32
    %add3A_432 = arith.addi %mul3A_2, %add3A_431 : i32
    %dma_wait3A_433 = arith.constant 6 : i32
    %dma_wait3A_434 = arith.constant 0 : i32
    %dma_wait3A_435 = arith.constant 0 : i32
    %dma_wait3A_436 = tpu.memref_slice %arg6[%dma_wait3A_433, %dma_wait3A_434, %dma_wait3A_435] : memref<8x200x64xf32, #tpu.memory_space<vmem>> -> memref<1x200x64xf32, #tpu.memory_space<vmem>>
    %dma_wait3A_437 = tpu.memref_squeeze %dma_wait3A_436 : memref<1x200x64xf32, #tpu.memory_space<vmem>> -> memref<200x64xf32, #tpu.memory_space<vmem>>
    %dma_wait3A_438 = arith.constant 0 : i32
    %dma_wait3A_439 = tpu.memref_slice %arg4[%add3A_432, %dma_wait3A_438] : memref<819200x128xf32, #tpu.memory_space<hbm>> -> memref<200x64xf32, #tpu.memory_space<hbm>>
    %dma_wait3A_440 = arith.constant 0 : i32
    %dma_wait3A_441 = tpu.memref_slice %arg4[%add3A_432, %dma_wait3A_440] : memref<819200x128xf32, #tpu.memory_space<hbm>> -> memref<200x64xf32, #tpu.memory_space<hbm>>
    %dma_wait3A_442 = arith.constant 0 : i32
    %dma_wait3A_443 = arith.constant 0 : i32
    %dma_wait3A_444 = tpu.memref_slice %arg6[%dma_wait3A_433, %dma_wait3A_442, %dma_wait3A_443] : memref<8x200x64xf32, #tpu.memory_space<vmem>> -> memref<1x200x64xf32, #tpu.memory_space<vmem>>
    %dma_wait3A_445 = tpu.memref_squeeze %dma_wait3A_444 : memref<1x200x64xf32, #tpu.memory_space<vmem>> -> memref<200x64xf32, #tpu.memory_space<vmem>>
    tpu.wait_dma2 semaphore(%arg21 : memref<!tpu.dma_semaphore, #tpu.memory_space<semaphore_mem>>) src(%dma_wait3A_445 : memref<200x64xf32, #tpu.memory_space<vmem>>) dst(%dma_wait3A_441 : memref<200x64xf32, #tpu.memory_space<hbm>>)
    %add3A_446 = arith.constant 25400 : i32
    %add3A_447 = arith.addi %mul3A_2, %add3A_446 : i32
    %dma_wait3A_448 = arith.constant 7 : i32
    %dma_wait3A_449 = arith.constant 0 : i32
    %dma_wait3A_450 = arith.constant 0 : i32
    %dma_wait3A_451 = tpu.memref_slice %arg6[%dma_wait3A_448, %dma_wait3A_449, %dma_wait3A_450] : memref<8x200x64xf32, #tpu.memory_space<vmem>> -> memref<1x200x64xf32, #tpu.memory_space<vmem>>
    %dma_wait3A_452 = tpu.memref_squeeze %dma_wait3A_451 : memref<1x200x64xf32, #tpu.memory_space<vmem>> -> memref<200x64xf32, #tpu.memory_space<vmem>>
    %dma_wait3A_453 = arith.constant 0 : i32
    %dma_wait3A_454 = tpu.memref_slice %arg4[%add3A_447, %dma_wait3A_453] : memref<819200x128xf32, #tpu.memory_space<hbm>> -> memref<200x64xf32, #tpu.memory_space<hbm>>
    %dma_wait3A_455 = arith.constant 0 : i32
    %dma_wait3A_456 = tpu.memref_slice %arg4[%add3A_447, %dma_wait3A_455] : memref<819200x128xf32, #tpu.memory_space<hbm>> -> memref<200x64xf32, #tpu.memory_space<hbm>>
    %dma_wait3A_457 = arith.constant 0 : i32
    %dma_wait3A_458 = arith.constant 0 : i32
    %dma_wait3A_459 = tpu.memref_slice %arg6[%dma_wait3A_448, %dma_wait3A_457, %dma_wait3A_458] : memref<8x200x64xf32, #tpu.memory_space<vmem>> -> memref<1x200x64xf32, #tpu.memory_space<vmem>>
    %dma_wait3A_460 = tpu.memref_squeeze %dma_wait3A_459 : memref<1x200x64xf32, #tpu.memory_space<vmem>> -> memref<200x64xf32, #tpu.memory_space<vmem>>
    tpu.wait_dma2 semaphore(%arg22 : memref<!tpu.dma_semaphore, #tpu.memory_space<semaphore_mem>>) src(%dma_wait3A_460 : memref<200x64xf32, #tpu.memory_space<vmem>>) dst(%dma_wait3A_456 : memref<200x64xf32, #tpu.memory_space<hbm>>)
    return
  }
}

</mosaic_0001>

<sc_bundles>
// kernel: kernel.3.cloned.1.call-start
scs
__scs_entry_jumppad:
0x0: {  	(pc) =	sbr.rel $0x88, $3  }
0x1: {  	(tag) =	ssettag $0x0;
	lr =	simm.s32 $0x1  }
0x2: {  	[smem:$0x3F9F] =	sst lr;
	_ =	strace $0xD0000000  }
0x3: {  	_ = 	snop  }
0x4: {  	_ = 	snop  }
0x5: {  	_ = 	snop  }
0x6: {  	_ = 	snop  }
0x7: {  	_ = 	snop  }
__scs_overlays_trampoline_lowered:
0x8: {  	[smem:$0x3FAE] =	sst s0  }
0x9: {  	[smem:$0x3FAF] =	sst s1  }
0xa: {  	[smem:$0x3FB0] =	sst s2  }
0xb: {  	[smem:$0x3FB1] =	sst s3  }
0xc: {  	[smem:$0x3FB2] =	sst s4  }
0xd: {  	[smem:$0x3FB3] =	sst s5  }
0xe: {  	[smem:$0x3FB4] =	sst s6  }
0xf: {  	[smem:$0x3FB5] =	sst s7  }
0x10: {  	[smem:$0x3FB6] =	sst s8  }
0x11: {  	[smem:$0x3FB7] =	sst s9;
	s0 =	simm.s32 @!p0 $0x0  }
0x12: {  	s1 =	sld [smem:$0x3F9D];
	s0 =	simm.s32 @p0 $0x1  }
0x13: {  	[smem:$0x3FB8] =	sst s0;
	s0 =	simm.s32 @!p1 $0x0  }
0x14: {  	s2 =	sld [smem:$0x3F9C];
	s0 =	simm.s32 @p1 $0x1  }
0x15: {  	[smem:$0x3FB9] =	sst s0;
	s0 =	simm.s32 @!p2 $0x0  }
0x16: {  	s3 =	sld [smem:$0x3FDB];
	s0 =	simm.s32 @p2 $0x1  }
0x17: {  	s4 =	simm.s32 $0x1BF5;
	[smem:$0x3FBB] =	sst s0  }
0x18: {  	s0 =	sld [smem:$0x3F9E];
	_ =	swait.ge [sflag:s4], $0x0  }
0x19: {  	s7 =	sld [smem:$0x3F9F]  }
0x1a: {  	s8 =	sadd.s32 $0xFFFFE003, lr  }
0x1b: {  	s9 =	sadd.s32 $0xFFFFFEF7, lr;
	s5 =	simm.s32 $0xFFFFFFFF;
	p2 =	slt.u32 s8, $0xFFFFF086  }
0x1c: {  	p1 =	slt.u32 s9, $0xF7A;
	s5 =	simm.s32 @!p2 $0x0  }
0x1d: {  	s5 =	simm.s32 @p1 $0x1;
	p0 =	seq.s32 s7, s2  }
0x1e: {  	s7 =	smul.u32 @!p0 $0xF7A, s2;
	p2 =	seq.s32 @!p0 s5, $0x0  }
0x1f: {  	s9 =	smul.u32 $0xF7A, s1;
	s8 =	simm.s32 @!p0 $0x1BF5;
	p2 =	por !p2, p0  }
0x20: {  	[sflag:s8] =	ssyncset.s32 @!p0 $0xFFFFF086;
	s6 =	sadd.s32 @!p0 s3, s7;
	s7 =	simm.s32 @!p0 $0x108  }
0x21: {  	s3 =	sadd.s32 s3, s9;
	s6 =	sadd.s32 @!p0 $0x88, s6;
	s7 =	simm.s32 @p2 $0x1082  }
0x22: {  	[simem:s7], [sflag:s8] =	dma.local @!p0 [hbm:s6], $0xF7A  }
0x23: {  	s9 =	sor.u32 $0xD0000000, s2;
	s6 =	simm.s32 $0x108;
	_ =	swait.ge @!p0 [sflag:s8], $0x0  }
0x24: {  	s3 =	sadd.s32 $0x88, s3;
	s6 =	simm.s32 @!p1 $0x1082;
	[sflag:s4] =	ssyncset.s32 $0xFFFFF086  }
0x25: {  	[simem:s6], [sflag:s4] =	dma.local [hbm:s3], $0xF7A  }
0x26: {  	[smem:$0x3F9F] =	sst s1;
	(tag) =	ssettag s2;
	_ =	strace s9  }
0x27: {  	s1 =	sld [smem:$0x3FAF]  }
0x28: {  	s2 =	sld [smem:$0x3FB0]  }
0x29: {  	s4 =	sld [smem:$0x3FB2]  }
0x2a: {  	p0 =	seq.s32 s5, $0x0;
	s5 =	sld [smem:$0x3FB3]  }
0x2b: {  	s6 =	sld [smem:$0x3FB4]  }
0x2c: {  	s7 =	sld [smem:$0x3FB5]  }
0x2d: {  	s3 =	simm.s32 $0x108;
	s8 =	sld [smem:$0x3FB6]  }
0x2e: {  	s3 =	simm.s32 @!p0 $0x1082;
	s9 =	sld [smem:$0x3FB7]  }
0x2f: {  	lr =	sadd.s32 s0, s3;
	s0 =	sld [smem:$0x3FAE]  }
0x30: {  	s3 =	sld [smem:$0x3FB1]  }
0x31: {  	[smem:$0x3FBA] =	sst s10  }
0x32: {  	s10 =	sld [smem:$0x3FB8];
	_ =	sdelay $0x3  }
0x33: {  	p0 =	seq.s32 s10, $0x1;
	s10 =	sld [smem:$0x3FBA];
	_ =	sdelay $0x3  }
0x34: {  	[smem:$0x3FBA] =	sst s10  }
0x35: {  	s10 =	sld [smem:$0x3FB9];
	_ =	sdelay $0x3  }
0x36: {  	p1 =	seq.s32 s10, $0x1;
	s10 =	sld [smem:$0x3FBA];
	_ =	sdelay $0x3  }
0x37: {  	[smem:$0x3FBA] =	sst s10  }
0x38: {  	s10 =	sld [smem:$0x3FBB]  }
0x39: {  	_ = 	snop;
	(pc) =	sbr.ind lr, $3  }
0x3a: {  	_ = 	snop  }
0x3b: {  	_ = 	snop  }
0x3c: {  	p2 =	seq.s32 s10, $0x1;
	s10 =	sld [smem:$0x3FBA]  }
0x3d: {  	_ =	shalt  }
0x3e: {  	_ =	shalt  }
0x3f: {  	_ =	shalt  }
0x40: {  	_ =	shalt  }
0x41: {  	_ =	shalt  }
0x42: {  	_ =	shalt  }
0x43: {  	_ =	shalt  }
0x44: {  	_ =	shalt  }
0x45: {  	_ =	shalt  }
0x46: {  	_ =	shalt  }
0x47: {  	_ =	shalt  }
0x48: {  	_ =	shalt  }
0x49: {  	_ =	shalt  }
0x4a: {  	_ =	shalt  }
0x4b: {  	_ =	shalt  }
0x4c: {  	_ =	shalt  }
0x4d: {  	_ =	shalt  }
0x4e: {  	_ =	shalt  }
0x4f: {  	_ =	shalt  }
0x50: {  	_ =	shalt  }
0x51: {  	_ =	shalt  }
0x52: {  	_ =	shalt  }
0x53: {  	_ =	shalt  }
0x54: {  	_ =	shalt  }
0x55: {  	_ =	shalt  }
0x56: {  	_ =	shalt  }
0x57: {  	_ =	shalt  }
0x58: {  	_ =	shalt  }
0x59: {  	_ =	shalt  }
0x5a: {  	_ =	shalt  }
0x5b: {  	_ =	shalt  }
0x5c: {  	_ =	shalt  }
0x5d: {  	_ =	shalt  }
0x5e: {  	_ =	shalt  }
0x5f: {  	_ =	shalt  }
0x60: {  	_ =	shalt  }
0x61: {  	_ =	shalt  }
0x62: {  	_ =	shalt  }
0x63: {  	_ =	shalt  }
0x64: {  	_ =	shalt  }
0x65: {  	_ =	shalt  }
0x66: {  	_ =	shalt  }
0x67: {  	_ =	shalt  }
0x68: {  	_ =	shalt  }
0x69: {  	_ =	shalt  }
0x6a: {  	_ =	shalt  }
0x6b: {  	_ =	shalt  }
0x6c: {  	_ =	shalt  }
0x6d: {  	_ =	shalt  }
0x6e: {  	_ =	shalt  }
0x6f: {  	_ =	shalt  }
0x70: {  	_ =	shalt  }
0x71: {  	_ =	shalt  }
0x72: {  	_ =	shalt  }
0x73: {  	_ =	shalt  }
0x74: {  	_ =	shalt  }
0x75: {  	_ =	shalt  }
0x76: {  	_ =	shalt  }
0x77: {  	_ =	shalt  }
0x78: {  	_ =	shalt  }
0x79: {  	_ =	shalt  }
0x7a: {  	_ =	shalt  }
0x7b: {  	_ =	shalt  }
0x7c: {  	_ =	shalt  }
0x7d: {  	_ =	shalt  }
0x7e: {  	_ =	shalt  }
0x7f: {  	_ =	shalt  }
0x80: {  	_ =	shalt  }
0x81: {  	_ =	shalt  }
0x82: {  	_ =	shalt  }
0x83: {  	_ =	shalt  }
0x84: {  	_ =	shalt  }
0x85: {  	_ =	shalt  }
0x86: {  	_ =	shalt  }
0x87: {  	_ =	shalt  }
.Lfunc_end0:
.L_simem_size_0:
called_computation.1_lowered:
.L_overlay_start_0:
0x88: {  	s2 =	sld [smem:$0x3FD9]  }
0x89: {  	s3 =	sld [smem:$0x3FFE];
	_ =	sdelay $0x1  }
0x8a: {  	s1 =	srdreg.scid  }
0x8b: {  	s0 =	sand.u32 $0x1, s1  }
0x8c: {  	s17 =	sshll.u32 s0, $0xA;
	s2 =	sadd.s32 s3, s2  }
0x8d: {  	s2 =	sadd.s32 s2, s17  }
0x8e: {  	[smem:$0x3FC6] =	sst s2  }
0x8f: {  	_ = 	snop  }
0x90: {  	s2 =	sld [smem:$0x3FD0];
	(tm) =	ssettm $0x1  }
0x91: {  	s18 =	sld [smem:$0x3FFB];
	_ =	sdelay $0x3  }
0x92: {  	_ =	strace s18  }
0x93: {  	s3 =	sld [smem:$0x3FFC];
	_ =	sdelay $0x3  }
0x94: {  	_ =	strace s3  }
0x95: {  	s3 =	sld [smem:$0x3FFD];
	_ =	sdelay $0x3  }
0x96: {  	_ =	strace s3  }
0x97: {  	_ =	strace $0x8FFFFFFF  }
0x98: {  	s19 =	sld [smem:$0x3FDB];
	_ =	sdelay $0x1  }
0x99: {  	s4 =	simm.s32 $_scs_section_size  }
0x9a: {  	s5 =	simm.s32 $_size__tile_overlayer_lowered;
	s6 =	simm.s32 $_tile_overlayer_lowered  }
0x9b: {  	s22 =	simm.s32 $0x1BFF;
	s21 =	sshll.u32 s6, $0x1;
	s3 =	sadd.s32 s4, s19  }
0x9c: {  	s7 =	simm.s32 $0x0;
	s20 =	sshll.u32 s5, $0x1;
	s5 =	sadd.s32 s21, s3  }
0x9d: {  	[timem:s7], [sflag:s22] =	dma.local [hbm:s5], s20  }
0x9e: {  	_ =	swait.ge [sflag:s22], s20  }
0x9f: {  	s4 =	ssub.s32 $0x0, s20;
	[sflag:s22] =	ssyncset.done $0x0  }
0xa0: {  	[sflag:s22] =	ssyncadd.s32 s4;
	_ =	sdelay $0x1  }
0xa1: {  	s23 =	simm.s32 $0x1B8B  }
0xa2: {  	_ =	swait.ge [sflag:s23], $0x1  }
0xa3: {  	[sflag:s23] =	ssyncset.done $0x0  }
0xa4: {  	s25 =	simm.s32 $0x1B8E;
	s24 =	sld [smem:$0x3FFE];
	[sflag:s23] =	ssyncadd.s32 $0xFFFFFFFF  }
0xa5: {  	s26 =	simm.s32 $execute0_lowered;
	[smem:$0x3FD2] =	sst s25  }
0xa6: {  	s5 =	sshll.u32 s26, $0x1;
	_ =	strace $0x80000046;
	[dreg:$0x1] =	wrdreg $0xFFFFFFFF  }
0xa7: {  	s28 =	simm.s32 $_size_execute0_lowered;
	s3 =	sadd.s32 s3, s5;
	[dreg:$0x0] =	wrdreg $0x0  }
0xa8: {  	s5 =	sshll.u32 s28, $0x1;
	[dreg:$0x2] =	wrdreg s3  }
0xa9: {  	[dreg:$0x3] =	wrdreg s5  }
0xaa: {  	[dreg:$0x4] =	wrdreg $0xC0  }
0xab: {  	_ =	task [dreg:s7], $0x5FFFF  }
0xac: {  	[dreg:$0x1] =	wrdreg $0xFFFFFFFF  }
0xad: {  	[dreg:$0x0] =	wrdreg $0x60  }
0xae: {  	[dreg:$0x2] =	wrdreg s2  }
0xaf: {  	[dreg:$0x3] =	wrdreg s24  }
0xb0: {  	[dreg:$0x4] =	wrdreg $0x9  }
0xb1: {  	_ =	task.clear_ibuf [dreg:s7], $0x5FFFF;
	_ =	strace $0x90000046  }
0xb2: {  	s29 =	simm.s32 $0x9;
	_ =	strace $0x80000048  }
0xb3: {  	_ =	swait.ge [sflag:s29], $0x1  }
0xb4: {  	[sflag:s29] =	ssyncadd.s32 $0xFFFFFFFF  }
0xb5: {  	_ =	strace $0x90000048  }
0xb6: {  	_ =	sfence  }
0xb7: {  	s30 =	sld [smem:$0x0];
	_ =	sdelay $0x2  }
0xb8: {  	s31 =	sshll.u32 s1, $0xD;
	s1 =	sshrl.u32 s1, $0x2  }
0xb9: {  	s3 =	sand.u32 $0x4000, s31;
	s1 =	sadd.s32 s1, s30  }
0xba: {  	s0 =	sor.u32 s3, s0;
	s1 =	sshll.u32 s1, $0x11  }
0xbb: {  	s0 =	sor.u32 s1, s0  }
0xbc: {  	s0 =	sadd.s32 $0x8F2B, s0  }
0xbd: {  	[sflag:s0] =	ssyncadd.remote.s32 $0x1  }
0xbe: {  	_ =	sfence.sel $0xFFFF  }
0xbf: {  	[dreg:$0x0] =	wrdreg $0xFFFFFFFF;
	(pc) =	sbr.abs _section_cstart, $3  }
0xc0: {  	[dreg:$0x1] =	wrdreg $0xFFFFFFFF  }
0xc1: {  	_ =	task.clear_ibuf [dreg:s7], $0x2FFFF;
	_ =	strace $0x9FFFFFFF  }
0xc2: {  	(tm) =	ssettm $0x7FFFFFFF  }
0xc3: {  	_ =	shalt  }
tec
execute0_lowered:
.L_overlay_start_1:
0x0: {  	(tag) =	ssettag $0x1  }
0x1: {  	s0 =	srdreg.scid;
	s10 =	stileid.u32  }
0x2: {  	s0 =	sand.u32 $0x1, s0;
	s2 =	sshll.u32 s10, $0x1  }
0x3: {  	s31 =	rddreg [dreg:$0x0];
	s5 =	sor.u32 s0, s2  }
0x4: {  	s1 =	rddreg [dreg:$0x1];
	s3 =	simm.s32 $0x0;
	s6 =	smul.u32 $0x6400, s5  }
0x5: {  	[smem:$0x7FF] =	sst s3;
	s4 =	sadd.s32 $0xF42E00, s1;
	s1 =	sadd.s32 $0xA00, s1  }
0x6: {  	s23 =	smul.u32 $0xC800, s10;
	_ =	strace $0x80000047;
	s7 =	sshrl.u32 s6, $0x3  }
0x7: {  	s22 =	ssub.s32 $0x2, s0;
	s25 =	smul.u32 $0x6400, s0;
	s9 =	sadd.s32 s31, s7  }
0x8: {  	s8 =	sshrl.u32 s22, $0x1;
	s24 =	sadd.s32 $0x19, s9;
	[dreg:$0x12] =	wrdreg s9  }
0x9: {  	s5 =	smul.u32 $0x320000, s5;
	s11 =	sadd.s32 $0x32, s9;
	[dreg:$0x13] =	wrdreg s24  }
0xa: {  	s2 =	ssub.s32 s22, s8;
	s26 =	sadd.s32 $0x4B, s9;
	[dreg:$0x14] =	wrdreg s11  }
0xb: {  	s6 =	sadd.s32 $0x578, s6;
	s12 =	sadd.s32 $0x64, s9;
	[dreg:$0x15] =	wrdreg s26  }
0xc: {  	s5 =	sshrl.u32 s5, $0x3;
	s13 =	sadd.s32 $0x7D, s9;
	[dreg:$0x16] =	wrdreg s12  }
0xd: {  	s6 =	sshrl.u32 s6, $0x3;
	s9 =	sadd.s32 $0x96, s9;
	[dreg:$0x17] =	wrdreg s13  }
0xe: {  	s5 =	sadd.s32 s1, s5;
	s6 =	sadd.s32 s31, s6;
	[dreg:$0x18] =	wrdreg s9  }
0xf: {  	s7 =	sadd.s32 s25, s23;
	s18 =	sadd.s32 $0x5DC00, s5;
	[dreg:$0x19] =	wrdreg s6  }
0x10: {  	s14 =	sadd.s32 $0xBB8, s7;
	s22 =	sadd.s32 $0x5E880, s5;
	[dreg:$0x1a] =	wrdreg s18  }
0x11: {  	s17 =	sadd.s32 $0xAF0, s7;
	s15 =	sshrl.u32 s14, $0x3;
	[dreg:$0x1b] =	wrdreg s22  }
0x12: {  	s21 =	sadd.s32 $0xA28, s7;
	s19 =	sshrl.u32 s17, $0x3;
	[dreg:$0x4] =	wrdreg s15  }
0x13: {  	s28 =	simm.s32 $0xF;
	s23 =	sshrl.u32 s21, $0x3;
	[dreg:$0x6] =	wrdreg s19  }
0x14: {  	s25 =	sadd.s32 $0x960, s7;
	s26 =	sadd.s32 $0x5F500, s5;
	[dreg:$0x8] =	wrdreg s23  }
0x15: {  	s29 =	simm.s32 $0x8;
	s11 =	sshrl.u32 s25, $0x3;
	[dreg:$0x1c] =	wrdreg s26  }
0x16: {  	s30 =	simm.s32 $0x10;
	s14 =	sadd.s32 $0x60180, s5;
	[dreg:$0xa] =	wrdreg s11  }
0x17: {  	s0 =	smul.u32 $0x64000, s0;
	s18 =	sadd.s32 $0x60E00, s5;
	[dreg:$0x1d] =	wrdreg s14  }
0x18: {  	s8 =	sshll.u32 s7, $0x4;
	s22 =	sadd.s32 $0x61A80, s5;
	[dreg:$0x1e] =	wrdreg s18  }
0x19: {  	s6 =	sadd.s32 s8, s1;
	s25 =	smax.u32 s2, $0x1;
	[dreg:$0x1f] =	wrdreg s22  }
0x1a: {  	s13 =	sadd.s32 $0x898, s7;
	s8 =	sadd.s32 $0x5780, s6;
	[smem:$0x7FC] =	sst s25  }
0x1b: {  	s17 =	sadd.s32 $0x7D0, s7;
	s16 =	sadd.s32 $0x4B00, s6;
	[dreg:$0x3] =	wrdreg s8  }
0x1c: {  	s21 =	sadd.s32 $0x708, s7;
	s20 =	sadd.s32 $0x3E80, s6;
	[dreg:$0x5] =	wrdreg s16  }
0x1d: {  	s24 =	sadd.s32 $0x3200, s6;
	s12 =	sadd.s32 $0x2580, s6;
	[dreg:$0x7] =	wrdreg s20  }
0x1e: {  	s15 =	sshrl.u32 s13, $0x3;
	s19 =	sshrl.u32 s17, $0x3;
	[dreg:$0x9] =	wrdreg s24  }
0x1f: {  	s23 =	sadd.s32 $0x62700, s5;
	s26 =	sadd.s32 $0x640, s7;
	[dreg:$0xb] =	wrdreg s12  }
0x20: {  	s18 =	simm.s32 $0x320;
	s13 =	simm.s32 $0x40;
	[dreg:$0xc] =	wrdreg s15  }
0x21: {  	s14 =	simm.s32 $0x80;
	s25 =	simm.s32 $0x578;
	[dreg:$0xe] =	wrdreg s19  }
0x22: {  	s22 =	simm.s32 $0x13240;
	s16 =	sadd.s32 $0x1900, s6;
	[smem:$0x7FA] =	sst s23  }
0x23: {  	s6 =	sadd.s32 $0xC80, s6;
	s20 =	smul.u32 $0xC8000, s10;
	[smem:$0x7FD] =	sst s26  }
0x24: {  	s24 =	sadd.s32 $0x63380, s5;
	s23 =	simm.s32 $0x11;
	[dreg:$0xd] =	wrdreg s16  }
0x25: {  	s12 =	simm.s32 $0x190;
	s5 =	simm.s32 $0x4B0;
	[dreg:$0xf] =	wrdreg s6  }
0x26: {  	s26 =	simm.s32 $0x16440;
	s6 =	sshrl.u32 s21, $0x3;
	[smem:$0x7FB] =	sst s24  }
0x27: {  	s24 =	simm.s32 $0xC8;
	s16 =	simm.s32 $0x258;
	s1 =	sadd.s32 s20, s1  }
0x28: {  	s21 =	simm.s32 $0x10040;
	[dreg:$0x10] =	wrdreg s6;
	s0 =	sadd.s32 s0, s1  }
0x29: {  	s20 =	simm.s32 $0x3E8;
	s1 =	simm.s32 $0x0;
	[dreg:$0x11] =	wrdreg s0  }
.LBB2_1:
0x2a: {  	[smem:$0x7F9] =	sst s1  }
0x2b: {  	s0 =	rddreg [dreg:$0x12]  }
0x2c: {  	[tilespmem:s3], [sflag:$0x11] =	stream.linear.gather [hbm4b:s0+s3], $0xC8, $0x38;
	[tilespmem:$0x19640] =	vst v63  }
0x2d: {  	_ =	swait.ge [sflag:s23], $0xC8  }
0x2e: {  	[sflag:s23] =	ssyncset.done $0x0  }
0x2f: {  	s7 =	simm.s32 $0x640;
	[sflag:s23] =	ssyncadd.s32 $0xFFFFFF38  }
0x30: {  	[tilespmem:s7], [sflag:$0x1] =	stream.indirect.gather [hbm4b:s4+s24], $0x40, s3, s24, $0xb8;
	[tilespmem:$0x19640] =	vst v63  }
0x31: {  	s8 =	rddreg [dreg:$0x13]  }
0x32: {  	[tilespmem:s24], [sflag:$0x11] =	stream.linear.gather [hbm4b:s8+s3], $0xC8, $0x38;
	[tilespmem:$0x19640] =	vst v63  }
0x33: {  	_ =	swait.ge [sflag:s23], $0xC8  }
0x34: {  	[sflag:s23] =	ssyncset.done $0x0  }
0x35: {  	s8 =	simm.s32 $0x3840;
	[sflag:s23] =	ssyncadd.s32 $0xFFFFFF38  }
0x36: {  	[tilespmem:s8], [sflag:$0x2] =	stream.indirect.gather [hbm4b:s4+s24], $0x40, s24, s24, $0xb8;
	[tilespmem:$0x19640] =	vst v63  }
0x37: {  	s9 =	rddreg [dreg:$0x14]  }
0x38: {  	[tilespmem:s12], [sflag:$0x11] =	stream.linear.gather [hbm4b:s9+s3], $0xC8, $0x38;
	[tilespmem:$0x19640] =	vst v63  }
0x39: {  	_ =	swait.ge [sflag:s23], $0xC8  }
0x3a: {  	[sflag:s23] =	ssyncset.done $0x0  }
0x3b: {  	s9 =	simm.s32 $0x6A40;
	[sflag:s23] =	ssyncadd.s32 $0xFFFFFF38  }
0x3c: {  	[tilespmem:s9], [sflag:$0x3] =	stream.indirect.gather [hbm4b:s4+s24], $0x40, s12, s24, $0xb8;
	[tilespmem:$0x19640] =	vst v63  }
0x3d: {  	s10 =	rddreg [dreg:$0x15]  }
0x3e: {  	[tilespmem:s16], [sflag:$0x11] =	stream.linear.gather [hbm4b:s10+s3], $0xC8, $0x38;
	[tilespmem:$0x19640] =	vst v63  }
0x3f: {  	_ =	swait.ge [sflag:s23], $0xC8  }
0x40: {  	[sflag:s23] =	ssyncset.done $0x0  }
0x41: {  	s10 =	simm.s32 $0x9C40;
	[sflag:s23] =	ssyncadd.s32 $0xFFFFFF38  }
0x42: {  	[tilespmem:s10], [sflag:$0x4] =	stream.indirect.gather [hbm4b:s4+s24], $0x40, s16, s24, $0xb8;
	[tilespmem:$0x19640] =	vst v63  }
0x43: {  	s11 =	rddreg [dreg:$0x16]  }
0x44: {  	[tilespmem:s18], [sflag:$0x11] =	stream.linear.gather [hbm4b:s11+s3], $0xC8, $0x38;
	[tilespmem:$0x19640] =	vst v63  }
0x45: {  	_ =	swait.ge [sflag:s23], $0xC8  }
0x46: {  	[sflag:s23] =	ssyncset.done $0x0  }
0x47: {  	s11 =	simm.s32 $0xCE40;
	[sflag:s23] =	ssyncadd.s32 $0xFFFFFF38  }
0x48: {  	[tilespmem:s11], [sflag:$0x5] =	stream.indirect.gather [hbm4b:s4+s24], $0x40, s18, s24, $0xb8;
	[tilespmem:$0x19640] =	vst v63  }
0x49: {  	s15 =	rddreg [dreg:$0x17]  }
0x4a: {  	[tilespmem:s20], [sflag:$0x11] =	stream.linear.gather [hbm4b:s15+s3], $0xC8, $0x38;
	[tilespmem:$0x19640] =	vst v63  }
0x4b: {  	_ =	swait.ge [sflag:s23], $0xC8  }
0x4c: {  	[sflag:s23] =	ssyncset.done $0x0  }
0x4d: {  	s15 =	simm.s32 $0x10040;
	[sflag:s23] =	ssyncadd.s32 $0xFFFFFF38  }
0x4e: {  	[tilespmem:s15], [sflag:$0x6] =	stream.indirect.gather [hbm4b:s4+s24], $0x40, s20, s24, $0xb8;
	[tilespmem:$0x19640] =	vst v63  }
0x4f: {  	s17 =	rddreg [dreg:$0x18]  }
0x50: {  	[tilespmem:s5], [sflag:$0x11] =	stream.linear.gather [hbm4b:s17+s3], $0xC8, $0x38;
	[tilespmem:$0x19640] =	vst v63  }
0x51: {  	_ =	swait.ge [sflag:s23], $0xC8  }
0x52: {  	[sflag:s23] =	ssyncset.done $0x0  }
0x53: {  	s17 =	simm.s32 $0x13240;
	[sflag:s23] =	ssyncadd.s32 $0xFFFFFF38  }
0x54: {  	[tilespmem:s17], [sflag:$0x7] =	stream.indirect.gather [hbm4b:s4+s24], $0x40, s5, s24, $0xb8;
	[tilespmem:$0x19640] =	vst v63  }
0x55: {  	s2 =	simm.s32 $0x578;
	s19 =	rddreg [dreg:$0x19]  }
0x56: {  	[tilespmem:s2], [sflag:$0x11] =	stream.linear.gather [hbm4b:s19+s3], $0xC8, $0x38;
	[tilespmem:$0x19640] =	vst v63  }
0x57: {  	_ =	swait.ge [sflag:s23], $0xC8  }
0x58: {  	[sflag:s23] =	ssyncset.done $0x0  }
0x59: {  	s0 =	simm.s32 $0x1;
	s19 =	simm.s32 $0x16440;
	[sflag:s23] =	ssyncadd.s32 $0xFFFFFF38  }
0x5a: {  	[tilespmem:s19], [sflag:$0x8] =	stream.indirect.gather [hbm4b:s4+s24], $0x40, s2, s24, $0xb8;
	[tilespmem:$0x19640] =	vst v63  }
0x5b: {  	_ =	swait.ge [sflag:s0], $0x3200  }
0x5c: {  	s6 =	rddreg [dreg:$0x11];
	[sflag:s0] =	ssyncset.done $0x0  }
0x5d: {  	[sflag:s0] =	ssyncadd.s32 $0xFFFFCE00;
	s0 =	sadd.s32 $0x0, s6;
	s6 =	sld [smem:$0x7FD]  }
0x5e: {  	_ = 	snop  }
0x5f: {  	[hbm4b:s0+s13] =	stream.strided.scatter [tilespmem:s7], [sflag:$0x9], $0x3200, s14, s13, $0x38;
	[tilespmem:$0x19640] =	vst v63  }
0x60: {  	s1 =	sshrl.u32 s6, $0x3  }
0x61: {  	s1 =	sadd.s32 s31, s1  }
0x62: {  	[tilespmem:s3], [sflag:$0x11] =	stream.linear.gather [hbm4b:s1+s3], $0xC8, $0x38;
	[tilespmem:$0x19640] =	vst v63  }
0x63: {  	_ =	swait.ge [sflag:s23], $0xC8  }
0x64: {  	[sflag:s23] =	ssyncset.done $0x0  }
0x65: {  	s1 =	simm.s32 $0x9;
	[sflag:s23] =	ssyncadd.s32 $0xFFFFFF38  }
0x66: {  	_ =	swait.ge [sflag:s1], $0x3200  }
0x67: {  	[sflag:s1] =	ssyncset.done $0x0  }
0x68: {  	[sflag:s1] =	ssyncadd.s32 $0xFFFFCE00  }
0x69: {  	[tilespmem:s7], [sflag:$0x1] =	stream.indirect.gather [hbm4b:s4+s24], $0x40, s3, s24, $0xb8;
	[tilespmem:$0x19640] =	vst v63  }
0x6a: {  	s7 =	simm.s32 $0x2  }
0x6b: {  	_ =	swait.ge [sflag:s7], $0x3200  }
0x6c: {  	s0 =	rddreg [dreg:$0xf];
	[sflag:s7] =	ssyncset.done $0x0  }
0x6d: {  	s1 =	rddreg [dreg:$0x10];
	[sflag:s7] =	ssyncadd.s32 $0xFFFFCE00;
	s0 =	sadd.s32 $0x0, s0  }
0x6e: {  	[hbm4b:s0+s13] =	stream.strided.scatter [tilespmem:s8], [sflag:$0xA], $0x3200, s14, s13, $0x38;
	[tilespmem:$0x19640] =	vst v63  }
0x6f: {  	s1 =	sadd.s32 s31, s1  }
0x70: {  	[tilespmem:s24], [sflag:$0x11] =	stream.linear.gather [hbm4b:s1+s3], $0xC8, $0x38;
	[tilespmem:$0x19640] =	vst v63  }
0x71: {  	_ =	swait.ge [sflag:s23], $0xC8  }
0x72: {  	[sflag:s23] =	ssyncset.done $0x0  }
0x73: {  	s7 =	simm.s32 $0xA;
	[sflag:s23] =	ssyncadd.s32 $0xFFFFFF38  }
0x74: {  	_ =	swait.ge [sflag:s7], $0x3200  }
0x75: {  	[sflag:s7] =	ssyncset.done $0x0  }
0x76: {  	s0 =	simm.s32 $0x3;
	[sflag:s7] =	ssyncadd.s32 $0xFFFFCE00  }
0x77: {  	[tilespmem:s8], [sflag:$0x2] =	stream.indirect.gather [hbm4b:s4+s24], $0x40, s24, s24, $0xb8;
	[tilespmem:$0x19640] =	vst v63  }
0x78: {  	_ =	swait.ge [sflag:s0], $0x3200  }
0x79: {  	s1 =	rddreg [dreg:$0xd];
	[sflag:s0] =	ssyncset.done $0x0  }
0x7a: {  	s8 =	rddreg [dreg:$0xe];
	[sflag:s0] =	ssyncadd.s32 $0xFFFFCE00;
	s0 =	sadd.s32 $0x0, s1  }
0x7b: {  	[hbm4b:s0+s13] =	stream.strided.scatter [tilespmem:s9], [sflag:$0xB], $0x3200, s14, s13, $0x38;
	[tilespmem:$0x19640] =	vst v63  }
0x7c: {  	s1 =	sadd.s32 s31, s8  }
0x7d: {  	[tilespmem:s12], [sflag:$0x11] =	stream.linear.gather [hbm4b:s1+s3], $0xC8, $0x38;
	[tilespmem:$0x19640] =	vst v63  }
0x7e: {  	_ =	swait.ge [sflag:s23], $0xC8  }
0x7f: {  	[sflag:s23] =	ssyncset.done $0x0  }
0x80: {  	s7 =	simm.s32 $0xB;
	[sflag:s23] =	ssyncadd.s32 $0xFFFFFF38  }
0x81: {  	_ =	swait.ge [sflag:s7], $0x3200  }
0x82: {  	[sflag:s7] =	ssyncset.done $0x0  }
0x83: {  	s8 =	simm.s32 $0x4;
	[sflag:s7] =	ssyncadd.s32 $0xFFFFCE00  }
0x84: {  	[tilespmem:s9], [sflag:$0x3] =	stream.indirect.gather [hbm4b:s4+s24], $0x40, s12, s24, $0xb8;
	[tilespmem:$0x19640] =	vst v63  }
0x85: {  	_ =	swait.ge [sflag:s8], $0x3200  }
0x86: {  	s9 =	rddreg [dreg:$0xb];
	[sflag:s8] =	ssyncset.done $0x0  }
0x87: {  	s12 =	rddreg [dreg:$0xc];
	[sflag:s8] =	ssyncadd.s32 $0xFFFFCE00;
	s0 =	sadd.s32 $0x0, s9  }
0x88: {  	[hbm4b:s0+s13] =	stream.strided.scatter [tilespmem:s10], [sflag:$0xC], $0x3200, s14, s13, $0x38;
	[tilespmem:$0x19640] =	vst v63  }
0x89: {  	s1 =	sadd.s32 s31, s12  }
0x8a: {  	[tilespmem:s16], [sflag:$0x11] =	stream.linear.gather [hbm4b:s1+s3], $0xC8, $0x38;
	[tilespmem:$0x19640] =	vst v63  }
0x8b: {  	_ =	swait.ge [sflag:s23], $0xC8  }
0x8c: {  	[sflag:s23] =	ssyncset.done $0x0  }
0x8d: {  	s7 =	simm.s32 $0xC;
	[sflag:s23] =	ssyncadd.s32 $0xFFFFFF38  }
0x8e: {  	_ =	swait.ge [sflag:s7], $0x3200  }
0x8f: {  	[sflag:s7] =	ssyncset.done $0x0  }
0x90: {  	s8 =	simm.s32 $0x5;
	[sflag:s7] =	ssyncadd.s32 $0xFFFFCE00  }
0x91: {  	[tilespmem:s10], [sflag:$0x4] =	stream.indirect.gather [hbm4b:s4+s24], $0x40, s16, s24, $0xb8;
	[tilespmem:$0x19640] =	vst v63  }
0x92: {  	_ =	swait.ge [sflag:s8], $0x3200  }
0x93: {  	s9 =	rddreg [dreg:$0x9];
	[sflag:s8] =	ssyncset.done $0x0  }
0x94: {  	s10 =	rddreg [dreg:$0xa];
	[sflag:s8] =	ssyncadd.s32 $0xFFFFCE00;
	s0 =	sadd.s32 $0x0, s9  }
0x95: {  	[hbm4b:s0+s13] =	stream.strided.scatter [tilespmem:s11], [sflag:$0xD], $0x3200, s14, s13, $0x38;
	[tilespmem:$0x19640] =	vst v63  }
0x96: {  	s12 =	sadd.s32 s31, s10  }
0x97: {  	[tilespmem:s18], [sflag:$0x11] =	stream.linear.gather [hbm4b:s12+s3], $0xC8, $0x38;
	[tilespmem:$0x19640] =	vst v63  }
0x98: {  	_ =	swait.ge [sflag:s23], $0xC8  }
0x99: {  	[sflag:s23] =	ssyncset.done $0x0  }
0x9a: {  	s16 =	simm.s32 $0xD;
	[sflag:s23] =	ssyncadd.s32 $0xFFFFFF38  }
0x9b: {  	_ =	swait.ge [sflag:s16], $0x3200  }
0x9c: {  	[sflag:s16] =	ssyncset.done $0x0  }
0x9d: {  	s0 =	simm.s32 $0x6;
	[sflag:s16] =	ssyncadd.s32 $0xFFFFCE00  }
0x9e: {  	[tilespmem:s11], [sflag:$0x5] =	stream.indirect.gather [hbm4b:s4+s24], $0x40, s18, s24, $0xb8;
	[tilespmem:$0x19640] =	vst v63  }
0x9f: {  	_ =	swait.ge [sflag:s0], $0x3200  }
0xa0: {  	s1 =	rddreg [dreg:$0x7];
	[sflag:s0] =	ssyncset.done $0x0  }
0xa1: {  	s8 =	rddreg [dreg:$0x8];
	[sflag:s0] =	ssyncadd.s32 $0xFFFFCE00;
	s0 =	sadd.s32 $0x0, s1  }
0xa2: {  	[hbm4b:s0+s13] =	stream.strided.scatter [tilespmem:s15], [sflag:$0xE], $0x3200, s14, s13, $0x38;
	[tilespmem:$0x19640] =	vst v63  }
0xa3: {  	s9 =	sadd.s32 s31, s8  }
0xa4: {  	[tilespmem:s20], [sflag:$0x11] =	stream.linear.gather [hbm4b:s9+s3], $0xC8, $0x38;
	[tilespmem:$0x19640] =	vst v63  }
0xa5: {  	_ =	swait.ge [sflag:s23], $0xC8  }
0xa6: {  	[sflag:s23] =	ssyncset.done $0x0  }
0xa7: {  	s10 =	simm.s32 $0xE;
	[sflag:s23] =	ssyncadd.s32 $0xFFFFFF38  }
0xa8: {  	_ =	swait.ge [sflag:s10], $0x3200  }
0xa9: {  	[sflag:s10] =	ssyncset.done $0x0  }
0xaa: {  	s11 =	simm.s32 $0x7;
	[sflag:s10] =	ssyncadd.s32 $0xFFFFCE00  }
0xab: {  	[tilespmem:s15], [sflag:$0x6] =	stream.indirect.gather [hbm4b:s4+s24], $0x40, s20, s24, $0xb8;
	[tilespmem:$0x19640] =	vst v63  }
0xac: {  	_ =	swait.ge [sflag:s11], $0x3200  }
0xad: {  	s12 =	rddreg [dreg:$0x5];
	[sflag:s11] =	ssyncset.done $0x0  }
0xae: {  	s15 =	rddreg [dreg:$0x6];
	[sflag:s11] =	ssyncadd.s32 $0xFFFFCE00;
	s0 =	sadd.s32 $0x0, s12  }
0xaf: {  	[hbm4b:s0+s13] =	stream.strided.scatter [tilespmem:s17], [sflag:$0xF], $0x3200, s14, s13, $0x38;
	[tilespmem:$0x19640] =	vst v63  }
0xb0: {  	s16 =	sadd.s32 s31, s15  }
0xb1: {  	[tilespmem:s5], [sflag:$0x11] =	stream.linear.gather [hbm4b:s16+s3], $0xC8, $0x38;
	[tilespmem:$0x19640] =	vst v63  }
0xb2: {  	_ =	swait.ge [sflag:s23], $0xC8  }
0xb3: {  	[sflag:s23] =	ssyncset.done $0x0  }
0xb4: {  	[sflag:s23] =	ssyncadd.s32 $0xFFFFFF38  }
0xb5: {  	_ =	swait.ge [sflag:s28], $0x3200  }
0xb6: {  	[sflag:s28] =	ssyncset.done $0x0  }
0xb7: {  	[sflag:s28] =	ssyncadd.s32 $0xFFFFCE00  }
0xb8: {  	[tilespmem:s17], [sflag:$0x7] =	stream.indirect.gather [hbm4b:s4+s24], $0x40, s5, s24, $0xb8;
	[tilespmem:$0x19640] =	vst v63  }
0xb9: {  	_ =	swait.ge [sflag:s29], $0x3200  }
0xba: {  	s17 =	rddreg [dreg:$0x3];
	[sflag:s29] =	ssyncset.done $0x0  }
0xbb: {  	s18 =	rddreg [dreg:$0x4];
	[sflag:s29] =	ssyncadd.s32 $0xFFFFCE00;
	s0 =	sadd.s32 $0x0, s17  }
0xbc: {  	[hbm4b:s0+s13] =	stream.strided.scatter [tilespmem:s19], [sflag:$0x10], $0x3200, s14, s13, $0x38;
	[tilespmem:$0x19640] =	vst v63  }
0xbd: {  	s20 =	sadd.s32 s31, s18  }
0xbe: {  	[tilespmem:s2], [sflag:$0x11] =	stream.linear.gather [hbm4b:s20+s3], $0xC8, $0x38;
	[tilespmem:$0x19640] =	vst v63  }
0xbf: {  	_ =	swait.ge [sflag:s23], $0xC8  }
0xc0: {  	[sflag:s23] =	ssyncset.done $0x0  }
0xc1: {  	[sflag:s23] =	ssyncadd.s32 $0xFFFFFF38  }
0xc2: {  	s9 =	smov.u32 s31;
	_ =	swait.ge [sflag:s30], $0x3200  }
0xc3: {  	s1 =	sadd.s32 $0xC8, s9;
	[sflag:s30] =	ssyncset.done $0x0  }
0xc4: {  	s31 =	simm.s32 $0x6400;
	s0 =	sadd.s32 $0x640, s6;
	[sflag:s30] =	ssyncadd.s32 $0xFFFFCE00  }
.LBB2_2:
0xc5: {  	[tilespmem:s26], [sflag:$0x8] =	stream.indirect.gather [hbm4b:s4+s24], $0x40, s25, s24, $0xb8;
	[tilespmem:$0x19640] =	vst v63  }
0xc6: {  	s2 =	simm.s32 $0x1  }
0xc7: {  	s6 =	smov.u32 s31;
	_ =	swait.ge [sflag:s2], $0x3200  }
0xc8: {  	s8 =	sshrl.u32 s0, $0x3;
	s7 =	rddreg [dreg:$0x11];
	[sflag:s2] =	ssyncset.done $0x0  }
0xc9: {  	s11 =	simm.s32 $0x640;
	[sflag:s2] =	ssyncadd.s32 $0xFFFFCE00;
	s7 =	sadd.s32 s6, s7  }
0xca: {  	[hbm4b:s7+s13] =	stream.strided.scatter [tilespmem:s11], [sflag:$0x9], $0x3200, s14, s13, $0x38;
	[tilespmem:$0x19640] =	vst v63  }
0xcb: {  	s8 =	sadd.s32 s9, s8  }
0xcc: {  	[tilespmem:s3], [sflag:$0x11] =	stream.linear.gather [hbm4b:s8+s3], $0xC8, $0x38;
	[tilespmem:$0x19640] =	vst v63  }
0xcd: {  	_ =	swait.ge [sflag:s23], $0xC8  }
0xce: {  	[sflag:s23] =	ssyncset.done $0x0  }
0xcf: {  	s10 =	simm.s32 $0x9;
	[sflag:s23] =	ssyncadd.s32 $0xFFFFFF38  }
0xd0: {  	_ =	swait.ge [sflag:s10], $0x3200  }
0xd1: {  	[sflag:s10] =	ssyncset.done $0x0  }
0xd2: {  	s12 =	simm.s32 $0x2;
	[sflag:s10] =	ssyncadd.s32 $0xFFFFCE00  }
0xd3: {  	[tilespmem:s11], [sflag:$0x1] =	stream.indirect.gather [hbm4b:s4+s24], $0x40, s3, s24, $0xb8;
	[tilespmem:$0x19640] =	vst v63  }
0xd4: {  	_ =	swait.ge [sflag:s12], $0x3200  }
0xd5: {  	s15 =	rddreg [dreg:$0xf]  }
0xd6: {  	[sflag:s12] =	ssyncset.done $0x0;
	s16 =	rddreg [dreg:$0x10]  }
0xd7: {  	[sflag:s12] =	ssyncadd.s32 $0xFFFFCE00;
	s7 =	sadd.s32 s6, s15;
	s12 =	simm.s32 $0x3840  }
0xd8: {  	[hbm4b:s7+s13] =	stream.strided.scatter [tilespmem:s12], [sflag:$0xA], $0x3200, s14, s13, $0x38;
	[tilespmem:$0x19640] =	vst v63  }
0xd9: {  	s17 =	sadd.s32 s1, s16  }
0xda: {  	[tilespmem:s24], [sflag:$0x11] =	stream.linear.gather [hbm4b:s17+s3], $0xC8, $0x38;
	[tilespmem:$0x19640] =	vst v63  }
0xdb: {  	_ =	swait.ge [sflag:s23], $0xC8  }
0xdc: {  	[sflag:s23] =	ssyncset.done $0x0  }
0xdd: {  	s18 =	simm.s32 $0xA;
	[sflag:s23] =	ssyncadd.s32 $0xFFFFFF38  }
0xde: {  	_ =	swait.ge [sflag:s18], $0x3200  }
0xdf: {  	[sflag:s18] =	ssyncset.done $0x0  }
0xe0: {  	s19 =	simm.s32 $0x3;
	[sflag:s18] =	ssyncadd.s32 $0xFFFFCE00  }
0xe1: {  	[tilespmem:s12], [sflag:$0x2] =	stream.indirect.gather [hbm4b:s4+s24], $0x40, s24, s24, $0xb8;
	[tilespmem:$0x19640] =	vst v63  }
0xe2: {  	_ =	swait.ge [sflag:s19], $0x3200  }
0xe3: {  	s16 =	simm.s32 $0x6A40;
	s20 =	rddreg [dreg:$0xd];
	[sflag:s19] =	ssyncset.done $0x0  }
0xe4: {  	s5 =	rddreg [dreg:$0xe];
	[sflag:s19] =	ssyncadd.s32 $0xFFFFCE00;
	s7 =	sadd.s32 s6, s20  }
0xe5: {  	[hbm4b:s7+s13] =	stream.strided.scatter [tilespmem:s16], [sflag:$0xB], $0x3200, s14, s13, $0x38;
	[tilespmem:$0x19640] =	vst v63  }
0xe6: {  	s12 =	simm.s32 $0x190;
	s15 =	sadd.s32 s1, s5  }
0xe7: {  	[tilespmem:s12], [sflag:$0x11] =	stream.linear.gather [hbm4b:s15+s3], $0xC8, $0x38;
	[tilespmem:$0x19640] =	vst v63  }
0xe8: {  	_ =	swait.ge [sflag:s23], $0xC8  }
0xe9: {  	[sflag:s23] =	ssyncset.done $0x0  }
0xea: {  	s17 =	simm.s32 $0xB;
	[sflag:s23] =	ssyncadd.s32 $0xFFFFFF38  }
0xeb: {  	_ =	swait.ge [sflag:s17], $0x3200  }
0xec: {  	[sflag:s17] =	ssyncset.done $0x0  }
0xed: {  	s18 =	simm.s32 $0x4;
	[sflag:s17] =	ssyncadd.s32 $0xFFFFCE00  }
0xee: {  	[tilespmem:s16], [sflag:$0x3] =	stream.indirect.gather [hbm4b:s4+s24], $0x40, s12, s24, $0xb8;
	[tilespmem:$0x19640] =	vst v63  }
0xef: {  	_ =	swait.ge [sflag:s18], $0x3200  }
0xf0: {  	s19 =	rddreg [dreg:$0xb]  }
0xf1: {  	[sflag:s18] =	ssyncset.done $0x0;
	s20 =	rddreg [dreg:$0xc]  }
0xf2: {  	[sflag:s18] =	ssyncadd.s32 $0xFFFFCE00;
	s7 =	sadd.s32 s6, s19;
	s18 =	simm.s32 $0x9C40  }
0xf3: {  	[hbm4b:s7+s13] =	stream.strided.scatter [tilespmem:s18], [sflag:$0xC], $0x3200, s14, s13, $0x38;
	[tilespmem:$0x19640] =	vst v63  }
0xf4: {  	s16 =	simm.s32 $0x258;
	s2 =	sadd.s32 s1, s20  }
0xf5: {  	[tilespmem:s16], [sflag:$0x11] =	stream.linear.gather [hbm4b:s2+s3], $0xC8, $0x38;
	[tilespmem:$0x19640] =	vst v63  }
0xf6: {  	_ =	swait.ge [sflag:s23], $0xC8  }
0xf7: {  	[sflag:s23] =	ssyncset.done $0x0  }
0xf8: {  	s5 =	simm.s32 $0xC;
	[sflag:s23] =	ssyncadd.s32 $0xFFFFFF38  }
0xf9: {  	_ =	swait.ge [sflag:s5], $0x3200  }
0xfa: {  	[sflag:s5] =	ssyncset.done $0x0  }
0xfb: {  	s7 =	simm.s32 $0x5;
	[sflag:s5] =	ssyncadd.s32 $0xFFFFCE00  }
0xfc: {  	[tilespmem:s18], [sflag:$0x4] =	stream.indirect.gather [hbm4b:s4+s24], $0x40, s16, s24, $0xb8;
	[tilespmem:$0x19640] =	vst v63  }
0xfd: {  	_ =	swait.ge [sflag:s7], $0x3200  }
0xfe: {  	s20 =	simm.s32 $0xCE40;
	s8 =	rddreg [dreg:$0x9];
	[sflag:s7] =	ssyncset.done $0x0  }
0xff: {  	s19 =	rddreg [dreg:$0xa];
	[sflag:s7] =	ssyncadd.s32 $0xFFFFCE00;
	s7 =	sadd.s32 s6, s8  }
0x100: {  	[hbm4b:s7+s13] =	stream.strided.scatter [tilespmem:s20], [sflag:$0xD], $0x3200, s14, s13, $0x38;
	[tilespmem:$0x19640] =	vst v63  }
0x101: {  	s18 =	simm.s32 $0x320;
	s2 =	sadd.s32 s1, s19  }
0x102: {  	[tilespmem:s18], [sflag:$0x11] =	stream.linear.gather [hbm4b:s2+s3], $0xC8, $0x38;
	[tilespmem:$0x19640] =	vst v63  }
0x103: {  	_ =	swait.ge [sflag:s23], $0xC8  }
0x104: {  	[sflag:s23] =	ssyncset.done $0x0  }
0x105: {  	s5 =	simm.s32 $0xD;
	[sflag:s23] =	ssyncadd.s32 $0xFFFFFF38  }
0x106: {  	_ =	swait.ge [sflag:s5], $0x3200  }
0x107: {  	[sflag:s5] =	ssyncset.done $0x0  }
0x108: {  	s7 =	simm.s32 $0x6;
	[sflag:s5] =	ssyncadd.s32 $0xFFFFCE00  }
0x109: {  	[tilespmem:s20], [sflag:$0x5] =	stream.indirect.gather [hbm4b:s4+s24], $0x40, s18, s24, $0xb8;
	[tilespmem:$0x19640] =	vst v63  }
0x10a: {  	_ =	swait.ge [sflag:s7], $0x3200  }
0x10b: {  	s5 =	rddreg [dreg:$0x7]  }
0x10c: {  	[sflag:s7] =	ssyncset.done $0x0;
	s8 =	rddreg [dreg:$0x8]  }
0x10d: {  	[sflag:s7] =	ssyncadd.s32 $0xFFFFCE00;
	s7 =	sadd.s32 s6, s5;
	s5 =	simm.s32 $0x10040  }
0x10e: {  	[hbm4b:s7+s13] =	stream.strided.scatter [tilespmem:s5], [sflag:$0xE], $0x3200, s14, s13, $0x38;
	[tilespmem:$0x19640] =	vst v63  }
0x10f: {  	s20 =	simm.s32 $0x3E8;
	s2 =	sadd.s32 s1, s8  }
0x110: {  	[tilespmem:s20], [sflag:$0x11] =	stream.linear.gather [hbm4b:s2+s3], $0xC8, $0x38;
	[tilespmem:$0x19640] =	vst v63  }
0x111: {  	_ =	swait.ge [sflag:s23], $0xC8  }
0x112: {  	[sflag:s23] =	ssyncset.done $0x0  }
0x113: {  	s7 =	simm.s32 $0xE;
	[sflag:s23] =	ssyncadd.s32 $0xFFFFFF38  }
0x114: {  	_ =	swait.ge [sflag:s7], $0x3200  }
0x115: {  	[sflag:s7] =	ssyncset.done $0x0  }
0x116: {  	s2 =	simm.s32 $0x7;
	[sflag:s7] =	ssyncadd.s32 $0xFFFFCE00  }
0x117: {  	[tilespmem:s5], [sflag:$0x6] =	stream.indirect.gather [hbm4b:s4+s24], $0x40, s20, s24, $0xb8;
	[tilespmem:$0x19640] =	vst v63  }
0x118: {  	_ =	swait.ge [sflag:s2], $0x3200  }
0x119: {  	s7 =	rddreg [dreg:$0x5]  }
0x11a: {  	[sflag:s2] =	ssyncset.done $0x0;
	s8 =	rddreg [dreg:$0x6]  }
0x11b: {  	[sflag:s2] =	ssyncadd.s32 $0xFFFFCE00;
	s7 =	sadd.s32 s6, s7;
	s2 =	simm.s32 $0x13240  }
0x11c: {  	[hbm4b:s7+s13] =	stream.strided.scatter [tilespmem:s2], [sflag:$0xF], $0x3200, s14, s13, $0x38;
	[tilespmem:$0x19640] =	vst v63  }
0x11d: {  	s5 =	simm.s32 $0x4B0;
	s8 =	sadd.s32 s1, s8  }
0x11e: {  	[tilespmem:s5], [sflag:$0x11] =	stream.linear.gather [hbm4b:s8+s3], $0xC8, $0x38;
	[tilespmem:$0x19640] =	vst v63  }
0x11f: {  	_ =	swait.ge [sflag:s23], $0xC8  }
0x120: {  	[sflag:s23] =	ssyncset.done $0x0  }
0x121: {  	[sflag:s23] =	ssyncadd.s32 $0xFFFFFF38  }
0x122: {  	_ =	swait.ge [sflag:s28], $0x3200  }
0x123: {  	[sflag:s28] =	ssyncset.done $0x0  }
0x124: {  	[sflag:s28] =	ssyncadd.s32 $0xFFFFCE00  }
0x125: {  	[tilespmem:s2], [sflag:$0x7] =	stream.indirect.gather [hbm4b:s4+s24], $0x40, s5, s24, $0xb8;
	[tilespmem:$0x19640] =	vst v63  }
0x126: {  	_ =	swait.ge [sflag:s29], $0x3200  }
0x127: {  	s8 =	rddreg [dreg:$0x3];
	[sflag:s29] =	ssyncset.done $0x0  }
0x128: {  	s2 =	rddreg [dreg:$0x4];
	[sflag:s29] =	ssyncadd.s32 $0xFFFFCE00;
	s6 =	sadd.s32 s6, s8  }
0x129: {  	[hbm4b:s6+s13] =	stream.strided.scatter [tilespmem:s26], [sflag:$0x10], $0x3200, s14, s13, $0x38;
	[tilespmem:$0x19640] =	vst v63  }
0x12a: {  	s8 =	sadd.s32 s1, s2  }
0x12b: {  	[tilespmem:s25], [sflag:$0x11] =	stream.linear.gather [hbm4b:s8+s3], $0xC8, $0x38;
	[tilespmem:$0x19640] =	vst v63  }
0x12c: {  	p0 =	sne.s32 s31, $0x57800;
	_ =	swait.ge [sflag:s23], $0xC8  }
.Ltmp0:
0x12d: {  	s31 =	sadd.s32 $0x6400, s31;
	[sflag:s23] =	ssyncset.done $0x0;
	(pc) =	sbr.rel @p0 .LBB2_2-.Ltmp0, $4  }
0x12e: {  	s0 =	sadd.s32 $0x640, s0;
	s10 =	simm.s32 $0x640;
	[sflag:s23] =	ssyncadd.s32 $0xFFFFFF38  }
0x12f: {  	s11 =	simm.s32 $0x3840;
	s15 =	simm.s32 $0x6A40;
	_ =	swait.ge [sflag:s30], $0x3200  }
0x130: {  	s17 =	simm.s32 $0x9C40;
	s19 =	simm.s32 $0xCE40;
	[sflag:s30] =	ssyncset.done $0x0  }
0x131: {  	s2 =	simm.s32 $0x578;
	s1 =	sadd.s32 $0xC8, s1;
	[sflag:s30] =	ssyncadd.s32 $0xFFFFCE00  }
0x132: {  	s1 =	simm.s32 $0x16440;
	s0 =	simm.s32 $0x1  }
0x133: {  	[tilespmem:s1], [sflag:$0x8] =	stream.indirect.gather [hbm4b:s4+s24], $0x40, s2, s24, $0xb8;
	[tilespmem:$0x19640] =	vst v63  }
0x134: {  	_ =	swait.ge [sflag:s0], $0x3200  }
0x135: {  	[sflag:s0] =	ssyncset.done $0x0  }
0x136: {  	s8 =	simm.s32 $0x2;
	s7 =	rddreg [dreg:$0x1a];
	[sflag:s0] =	ssyncadd.s32 $0xFFFFCE00  }
0x137: {  	[hbm4b:s7+s13] =	stream.strided.scatter [tilespmem:s10], [sflag:$0x9], $0x3200, s14, s13, $0x38;
	[tilespmem:$0x19640] =	vst v63  }
0x138: {  	_ =	swait.ge [sflag:s8], $0x3200  }
0x139: {  	[sflag:s8] =	ssyncset.done $0x0  }
0x13a: {  	s10 =	rddreg [dreg:$0x1b];
	[sflag:s8] =	ssyncadd.s32 $0xFFFFCE00  }
0x13b: {  	[hbm4b:s10+s13] =	stream.strided.scatter [tilespmem:s11], [sflag:$0xA], $0x3200, s14, s13, $0x38;
	[tilespmem:$0x19640] =	vst v63  }
0x13c: {  	s11 =	simm.s32 $0x3  }
0x13d: {  	_ =	swait.ge [sflag:s11], $0x3200  }
0x13e: {  	[sflag:s11] =	ssyncset.done $0x0  }
0x13f: {  	s6 =	simm.s32 $0x4;
	s2 =	rddreg [dreg:$0x1c];
	[sflag:s11] =	ssyncadd.s32 $0xFFFFCE00  }
0x140: {  	[hbm4b:s2+s13] =	stream.strided.scatter [tilespmem:s15], [sflag:$0xB], $0x3200, s14, s13, $0x38;
	[tilespmem:$0x19640] =	vst v63  }
0x141: {  	_ =	swait.ge [sflag:s6], $0x3200  }
0x142: {  	[sflag:s6] =	ssyncset.done $0x0  }
0x143: {  	s8 =	simm.s32 $0x5;
	s7 =	rddreg [dreg:$0x1d];
	[sflag:s6] =	ssyncadd.s32 $0xFFFFCE00  }
0x144: {  	[hbm4b:s7+s13] =	stream.strided.scatter [tilespmem:s17], [sflag:$0xC], $0x3200, s14, s13, $0x38;
	[tilespmem:$0x19640] =	vst v63  }
0x145: {  	_ =	swait.ge [sflag:s8], $0x3200  }
0x146: {  	[sflag:s8] =	ssyncset.done $0x0  }
0x147: {  	s11 =	simm.s32 $0x6;
	s10 =	rddreg [dreg:$0x1e];
	[sflag:s8] =	ssyncadd.s32 $0xFFFFCE00  }
0x148: {  	[hbm4b:s10+s13] =	stream.strided.scatter [tilespmem:s19], [sflag:$0xD], $0x3200, s14, s13, $0x38;
	[tilespmem:$0x19640] =	vst v63  }
0x149: {  	_ =	swait.ge [sflag:s11], $0x3200  }
0x14a: {  	[sflag:s11] =	ssyncset.done $0x0  }
0x14b: {  	s17 =	simm.s32 $0x7;
	s15 =	rddreg [dreg:$0x1f];
	[sflag:s11] =	ssyncadd.s32 $0xFFFFCE00  }
0x14c: {  	[hbm4b:s15+s13] =	stream.strided.scatter [tilespmem:s21], [sflag:$0xE], $0x3200, s14, s13, $0x38;
	[tilespmem:$0x19640] =	vst v63  }
0x14d: {  	_ =	swait.ge [sflag:s17], $0x3200  }
0x14e: {  	s19 =	sld [smem:$0x7FA]  }
0x14f: {  	[sflag:s17] =	ssyncset.done $0x0  }
0x150: {  	[sflag:s17] =	ssyncadd.s32 $0xFFFFCE00  }
0x151: {  	[hbm4b:s19+s13] =	stream.strided.scatter [tilespmem:s22], [sflag:$0xF], $0x3200, s14, s13, $0x38;
	[tilespmem:$0x19640] =	vst v63  }
0x152: {  	_ =	swait.ge [sflag:s29], $0x3200  }
0x153: {  	s2 =	sld [smem:$0x7FB]  }
0x154: {  	[sflag:s29] =	ssyncset.done $0x0  }
0x155: {  	s6 =	simm.s32 $0x9;
	[sflag:s29] =	ssyncadd.s32 $0xFFFFCE00  }
0x156: {  	[hbm4b:s2+s13] =	stream.strided.scatter [tilespmem:s1], [sflag:$0x10], $0x3200, s14, s13, $0x38;
	[tilespmem:$0x19640] =	vst v63  }
0x157: {  	_ =	swait.ge [sflag:s6], $0x3200  }
0x158: {  	[sflag:s6] =	ssyncset.done $0x0  }
0x159: {  	s7 =	simm.s32 $0xA;
	[sflag:s6] =	ssyncadd.s32 $0xFFFFCE00  }
0x15a: {  	_ =	swait.ge [sflag:s7], $0x3200  }
0x15b: {  	[sflag:s7] =	ssyncset.done $0x0  }
0x15c: {  	s8 =	simm.s32 $0xB;
	[sflag:s7] =	ssyncadd.s32 $0xFFFFCE00  }
0x15d: {  	_ =	swait.ge [sflag:s8], $0x3200  }
0x15e: {  	[sflag:s8] =	ssyncset.done $0x0  }
0x15f: {  	s10 =	simm.s32 $0xC;
	[sflag:s8] =	ssyncadd.s32 $0xFFFFCE00  }
0x160: {  	_ =	swait.ge [sflag:s10], $0x3200  }
0x161: {  	[sflag:s10] =	ssyncset.done $0x0  }
0x162: {  	s11 =	simm.s32 $0xD;
	[sflag:s10] =	ssyncadd.s32 $0xFFFFCE00  }
0x163: {  	_ =	swait.ge [sflag:s11], $0x3200  }
0x164: {  	[sflag:s11] =	ssyncset.done $0x0  }
0x165: {  	s15 =	simm.s32 $0xE;
	[sflag:s11] =	ssyncadd.s32 $0xFFFFCE00  }
0x166: {  	_ =	swait.ge [sflag:s15], $0x3200  }
0x167: {  	[sflag:s15] =	ssyncset.done $0x0  }
0x168: {  	[sflag:s15] =	ssyncadd.s32 $0xFFFFCE00  }
0x169: {  	_ =	swait.ge [sflag:s28], $0x3200  }
0x16a: {  	[sflag:s28] =	ssyncset.done $0x0  }
0x16b: {  	[sflag:s28] =	ssyncadd.s32 $0xFFFFCE00  }
0x16c: {  	_ =	swait.ge [sflag:s30], $0x3200  }
0x16d: {  	s17 =	sld [smem:$0x7F9]  }
0x16e: {  	s19 =	sld [smem:$0x7FC];
	_ =	sdelay $0x1  }
0x16f: {  	s1 =	sadd.s32 $0x1, s17  }
0x170: {  	p0 =	sne.s32 s1, s19  }
.Ltmp1:
0x171: {  	_ = 	snop;
	(pc) =	sbr.rel @p0 .LBB2_1-.Ltmp1, $3  }
0x172: {  	_ =	sdelay $0x1  }
0x173: {  	[sflag:s30] =	ssyncset.done $0x0  }
0x174: {  	s31 =	smov.u32 s9;
	[sflag:s30] =	ssyncadd.s32 $0xFFFFCE00  }
0x175: {  	_ =	sfence.sel $0x180000  }
0x176: {  	[bflag:$0x0] =	sbarrier.arrive $0xFFFF  }
0x177: {  	_ =	strace $0x90000047  }
0x178: {  	s0 =	stileid.u32;
	[bflag:$0x2] =	sbarrier.arrive $0xFFFF  }
0x179: {  	p0 =	sne.s32 s0, $0x0;
	s0 =	rddreg [dreg:$0x2]  }
0x17a: {  	s0 =	sadd.s32 @!p0 $0x100000, s0  }
0x17b: {  	[sflag:s0] =	ssyncadd.tile.s32 @!p0 $0x1;
	_ =	shalt  }
.Lfunc_end2:
_tile_overlayer_lowered:
.L_overlay_start_2:
0x17c: {  	(tag) =	ssettag $0x2  }
0x17d: {  	s0 =	rddreg [dreg:$0x0];
	s2 =	stileid.u32  }
0x17e: {  	s1 =	rddreg [dreg:$0x1];
	p0 =	sne.s32 s2, $0x0  }
0x17f: {  	s3 =	rddreg [dreg:$0x2];
	[bflag:$0x3] =	sbarrier.arrive $0xFFFF;
	s2 =	simm.s32 @!p0 $0x1C11  }
0x180: {  	[timem:s3], [sflag:s2] =	dma.local @!p0 [hbm:s0], s1  }
0x181: {  	s0 =	simm.s32 @!p0 $0x11  }
0x182: {  	_ =	swait.ge @!p0 [sflag:s0], s1  }
0x183: {  	s1 =	ssub.s32 @!p0 $0x0, s1;
	[sflag:s0] =	ssyncset.done @!p0 $0x0  }
0x184: {  	[sflag:s0] =	ssyncadd.s32 @!p0 s1  }
0x185: {  	[bflag:$0x3] =	sbarrier.arrive $0xFFFF  }
0x186: {  	_ =	shalt  }

// kernel: sparse-core-data-format-call.cloned.1.call-start
scs
called_computation_lowered:
.L_overlay_start_0:
0x0: {  	s2 =	sld [smem:$0x3FD9]  }
0x1: {  	s3 =	sld [smem:$0x3FFE];
	_ =	sdelay $0x1  }
0x2: {  	s1 =	srdreg.scid  }
0x3: {  	s0 =	sand.u32 $0x1, s1  }
0x4: {  	s18 =	sshll.u32 s0, $0xA;
	s2 =	sadd.s32 s3, s2  }
0x5: {  	s2 =	sadd.s32 s2, s18  }
0x6: {  	[smem:$0x3FC6] =	sst s2  }
0x7: {  	_ = 	snop  }
0x8: {  	s2 =	sld [smem:$0x3FD0];
	(tm) =	ssettm $0x1  }
0x9: {  	s19 =	sld [smem:$0x3FFB];
	_ =	sdelay $0x3  }
0xa: {  	_ =	strace s19  }
0xb: {  	s3 =	sld [smem:$0x3FFC];
	_ =	sdelay $0x3  }
0xc: {  	_ =	strace s3  }
0xd: {  	s3 =	sld [smem:$0x3FFD];
	_ =	sdelay $0x3  }
0xe: {  	_ =	strace s3  }
0xf: {  	_ =	strace $0x8FFFFFFF  }
0x10: {  	s20 =	sld [smem:$0x3FDB];
	_ =	sdelay $0x1  }
0x11: {  	s4 =	simm.s32 $_scs_section_size  }
0x12: {  	s5 =	simm.s32 $_size__tile_overlayer_lowered;
	s6 =	simm.s32 $_tile_overlayer_lowered  }
0x13: {  	s23 =	simm.s32 $0x1BFF;
	s22 =	sshll.u32 s6, $0x1;
	s3 =	sadd.s32 s4, s20  }
0x14: {  	s7 =	simm.s32 $0x0;
	s21 =	sshll.u32 s5, $0x1;
	s5 =	sadd.s32 s22, s3  }
0x15: {  	[timem:s7], [sflag:s23] =	dma.local [hbm:s5], s21  }
0x16: {  	_ =	swait.ge [sflag:s23], s21  }
0x17: {  	s4 =	ssub.s32 $0x0, s21;
	[sflag:s23] =	ssyncset.done $0x0  }
0x18: {  	[sflag:s23] =	ssyncadd.s32 s4;
	_ =	sdelay $0x1  }
0x19: {  	s24 =	simm.s32 $0x1B8B  }
0x1a: {  	_ =	swait.ge [sflag:s24], $0x1  }
0x1b: {  	[sflag:s24] =	ssyncset.done $0x0  }
0x1c: {  	s26 =	simm.s32 $0x1B8E;
	s25 =	sld [smem:$0x3FFE];
	[sflag:s24] =	ssyncadd.s32 $0xFFFFFFFF  }
0x1d: {  	s27 =	simm.s32 $execute0_lowered;
	[smem:$0x3FD2] =	sst s26  }
0x1e: {  	s5 =	sshll.u32 s27, $0x1;
	_ =	strace $0x80000049;
	[dreg:$0x1] =	wrdreg $0xFFFFFFFF  }
0x1f: {  	s28 =	simm.s32 $_size_execute0_lowered;
	s3 =	sadd.s32 s3, s5;
	[dreg:$0x0] =	wrdreg $0x0  }
0x20: {  	s5 =	sshll.u32 s28, $0x1;
	[dreg:$0x2] =	wrdreg s3  }
0x21: {  	[dreg:$0x3] =	wrdreg s5  }
0x22: {  	[dreg:$0x4] =	wrdreg $0xC0  }
0x23: {  	_ =	task [dreg:s7], $0x5FFFF  }
0x24: {  	[dreg:$0x1] =	wrdreg $0xFFFFFFFF  }
0x25: {  	[dreg:$0x0] =	wrdreg $0x60  }
0x26: {  	[dreg:$0x2] =	wrdreg s25  }
0x27: {  	[dreg:$0x3] =	wrdreg s2  }
0x28: {  	[dreg:$0x4] =	wrdreg $0x9  }
0x29: {  	_ =	task.clear_ibuf [dreg:s7], $0x5FFFF;
	_ =	strace $0x90000049  }
0x2a: {  	s29 =	simm.s32 $0x9;
	_ =	strace $0x8000004B  }
0x2b: {  	_ =	swait.ge [sflag:s29], $0x1  }
0x2c: {  	[sflag:s29] =	ssyncadd.s32 $0xFFFFFFFF  }
0x2d: {  	_ =	strace $0x9000004B  }
0x2e: {  	_ =	sfence  }
0x2f: {  	s30 =	sld [smem:$0x0];
	_ =	sdelay $0x2  }
0x30: {  	s31 =	sshll.u32 s1, $0xD;
	s1 =	sshrl.u32 s1, $0x2  }
0x31: {  	s3 =	sand.u32 $0x4000, s31;
	s1 =	sadd.s32 s1, s30  }
0x32: {  	s0 =	sor.u32 s3, s0;
	s1 =	sshll.u32 s1, $0x11  }
0x33: {  	s0 =	sor.u32 s1, s0  }
0x34: {  	s0 =	sadd.s32 $0x8F2B, s0  }
0x35: {  	[sflag:s0] =	ssyncadd.remote.s32 $0x1  }
0x36: {  	_ =	sfence.sel $0xFFFF  }
0x37: {  	[dreg:$0x0] =	wrdreg $0xFFFFFFFF;
	(pc) =	sbr.abs _section_cstart, $3  }
0x38: {  	[dreg:$0x1] =	wrdreg $0xFFFFFFFF  }
0x39: {  	_ =	task.clear_ibuf [dreg:s7], $0x2FFFF;
	_ =	strace $0x9FFFFFFF  }
0x3a: {  	(tm) =	ssettm $0x7FFFFFFF  }
0x3b: {  	_ =	shalt  }
tec
execute0_lowered:
.L_overlay_start_1:
0x0: {  	(tag) =	ssettag $0x1  }
0x1: {  	s0 =	srdreg.scid  }
0x2: {  	s1 =	sshll.u32 s0, $0x4  }
0x3: {  	s0 =	stileid.u32;
	s1 =	sand.u32 $0x10, s1  }
0x4: {  	s1 =	sor.u32 s0, s1  }
0x5: {  	s6 =	rddreg [dreg:$0x0];
	s4 =	simm.s32 $0x1;
	s2 =	sshll.u32 s1, $0x7  }
0x6: {  	s7 =	simm.s32 $0x2;
	s12 =	simm.s32 $0x0;
	s1 =	ssub.s32 $0x1000, s2  }
0x7: {  	s8 =	simm.s32 $0x8000;
	s13 =	simm.s32 $0x0;
	s3 =	sand.u32 $0xF80, s1  }
0x8: {  	s9 =	simm.s32 $0x0;
	s5 =	sshrl.u32 s1, $0xC;
	p0 =	sne.s32 s3, $0x0  }
.Ltmp0:
0x9: {  	s1 =	rddreg [dreg:$0x2];
	s4 =	simm.s32 @!p0 $0x0;
	(pc) =	sbr.rel .LBB1_1-.Ltmp0, $4  }
0xa: {  	s11 =	simm.s32 $0x0;
	s3 =	rddreg [dreg:$0x1];
	s5 =	sadd.s32 s4, s5  }
0xb: {  	_ =	strace $0x8000004A;
	s4 =	simm.s32 $0x1;
	s5 =	smul.u32 $0xC8, s5  }
0xc: {  	s6 =	sadd.s32 $0xA00, s6;
	s10 =	smov.u32 s2;
	[sflag:s4] =	ssyncpa.u1 $0x0  }
0xd: {  	p0 =	por $0x0, $0x0;
	[sflag:s7] =	ssyncpa.u1 $0x0;
	s7 =	sor.u32 $0x1, s5  }
.LBB1_4:
0xe: {  	s16 =	sshll.u32 s13, $0x3;
	s17 =	sand.u32 $0x78, s13  }
0xf: {  	s30 =	sand.u32 $0x7E00, s13;
	s12 =	sshll.u32 s12, $0xF;
	s16 =	sand.u32 $0xC00, s16  }
0x10: {  	[tilespmem:s15+$0x810 ss:$0x81] =	vst.msk $0xffff, v2;
	s31 =	sand.u32 $0x7, s13;
	s16 =	sor.u32 s17, s16;
	s17 =	sadd.s32 s3, s30  }
0x11: {  	[tilespmem:s15+$0x1020 ss:$0x81] =	vst.msk $0xffff, v0;
	s13 =	sshll.u32 s31, $0x12;
	s12 =	sadd.s32 s12, s17;
	s16 =	sshrl.u32 s16, $0x3  }
0x12: {  	[tilespmem:s15+$0x0 ss:$0x81] =	vst.msk $0xffff, v1;
	s13 =	sor.u32 $0x400, s13;
	s12 =	sadd.s32 s16, s12  }
0x13: {  	[hbm4b:s12+s13] =	stream.strided.scatter [tilespmem:s14], [sflag:$0x2], $0x2000, s8, s13, $0x20;
	[tilespmem:$0x8080] =	vst v63  }
.LBB1_5:
0x14: {  	s14 =	sadd.s32 $0x1, s9  }
0x15: {  	s12 =	sadd.s32 $0x1000, s10;
	s16 =	smov.u32 s10;
	p2 =	sgt.s32 s14, $0xC7  }
0x16: {  	s16 =	smov.u32 @p2 s12  }
0x17: {  	s14 =	simm.s32 @p2 $0x0;
	p2 =	sgt.s32 s16, $0xFFF  }
0x18: {  	s16 =	smov.u32 @p2 s2;
	p2 =	sne.s32 s11, s7  }
.Ltmp1:
0x19: {  	p1 =	slt.u32 s11, $0x2;
	(pc) =	sbr.rel @!p2 .LBB1_6-.Ltmp1, $4  }
0x1a: {  	s15 =	simm.s32 @!p1 $0x2  }
0x1b: {  	s13 =	smov.u32 s10;
	p0 =	por !p0, !p0;
	_ =	swait.ge @!p1 [sflag:s15], $0x2000  }
0x1c: {  	s12 =	smov.u32 s9;
	[sflag:s15] =	ssyncset.done @!p1 $0x0;
	s9 =	smov.u32 s14  }
0x1d: {  	s11 =	sadd.s32 $0x1, s11;
	[sflag:s15] =	ssyncadd.s32 @!p1 $0xFFFFE000;
	s10 =	smov.u32 s16  }
.LBB1_1:
0x1e: {  	p1 =	sge.u32 s11, s5  }
0x1f: {  	s14 =	sand.u32 @!p1 $0x1FFFFFF, s9  }
0x20: {  	s15 =	smulhi.u32 @!p1 $0x147AE15, s14;
	_ =	sdelay $0x1  }
0x21: {  	s15 =	smul.u32 @!p1 $0xC8, s15  }
0x22: {  	s16 =	sxor.u32 @!p1 $0xFFFFFFFF, s11;
	s17 =	smul.u32 @!p1 $0xC80, s10  }
0x23: {  	s31 =	sadd.s32 $0xFFFFFFFF, s11;
	s16 =	sshll.u32 @!p1 s16, $0xD;
	s14 =	ssub.s32 @!p1 s14, s15  }
0x24: {  	s15 =	sand.u32 @!p1 $0x2000, s16;
	s16 =	sadd.s32 @!p1 s6, s17;
	s14 =	sshll.u32 @!p1 s14, $0x4  }
0x25: {  	s17 =	simm.s32 @!p1 $0x6400;
	s14 =	sadd.s32 @!p1 s14, s16;
	s16 =	simm.s32 @!p1 $0x40  }
0x26: {  	[tilespmem:s15], [sflag:$0x1] =	stream.strided.gather @!p1 [hbm4b:s14+s16], $0x2000, s17, s16, $0x38;
	[tilespmem:$0x8080] =	vst v63  }
0x27: {  	p1 =	sge.u32 s31, s5  }
.Ltmp2:
0x28: {  	_ = 	snop;
	(pc) =	sbr.rel @p1 .LBB1_5-.Ltmp2, $1  }
0x29: {  	_ =	sdelay $0x3  }
0x2a: {  	s14 =	simm.s32 $0x1  }
0x2b: {  	_ =	swait.ge [sflag:s4], $0x2000;
	s14 =	simm.s32 @!p0 $0x0  }
0x2c: {  	[sflag:s4] =	ssyncset.done $0x0;
	s15 =	sshll.u32 s14, $0xD  }
0x2d: {  	[sflag:s4] =	ssyncadd.s32 $0xFFFFE000;
	s18 =	sor.u32 $0x20, s15  }
0x2e: {  	s14 =	smul.u32 $0x8100, s14;
	v3 =	vld [tilespmem:s18+$0x10]  }
0x2f: {  	s30 =	sand.u32 $0x1, s11;
	v2 =	vld [tilespmem:s18+$0xFFFFFFF0]  }
0x30: {  	s15 =	smul.u32 $0x8100, s30;
	s14 =	sshrl.u32 s14, $0x2;
	v0 =	vld [tilespmem:s18+$0x0]  }
0x31: {  	v1 =	vld [tilespmem:s18+$0xFFFFFFE0];
	s16 =	sor.u32 $0x4000, s14  }
0x32: {  	s31 =	sshrl.u32 s15, $0x2;
	s15 =	sadd.s32 $0x0, s16  }
0x33: {  	s17 =	simm.s32 $0x4;
	s18 =	sadd.s32 $0x40, s18;
	s14 =	sor.u32 $0x4000, s31;
	[tilespmem:s15+$0x1830 ss:$0x81] =	vst.msk $0xffff, v3  }
.LBB1_3:
0x34: {  	v3 =	vld [tilespmem:s18+$0x10];
	p1 =	sne.s32 s17, $0x1FC;
	[tilespmem:s15+$0x810 ss:$0x81] =	vst.msk $0xffff, v2;
	s19 =	smov.u32 s17;
	s17 =	sadd.s32 $0x4, s17  }
.Ltmp3:
0x35: {  	v2 =	vld [tilespmem:s18+$0xFFFFFFF0];
	[tilespmem:s15+$0x1020 ss:$0x81] =	vst.msk $0xffff, v0;
	(pc) =	sbr.rel @p1 .LBB1_3-.Ltmp3, $4  }
0x36: {  	v0 =	vld [tilespmem:s18+$0x0];
	[tilespmem:s15+$0x0 ss:$0x81] =	vst.msk $0xffff, v1  }
0x37: {  	s15 =	sshra.s32 s19, $0x2;
	v1 =	vld [tilespmem:s18+$0xFFFFFFE0]  }
0x38: {  	s15 =	sadd.s32 s15, s16  }
0x39: {  	s18 =	sadd.s32 $0x40, s18;
	[tilespmem:s15+$0x1830 ss:$0x81] =	vst.msk $0xffff, v3  }
.Ltmp4:
0x3a: {  	_ = 	snop;
	(pc) =	sbr.rel .LBB1_4-.Ltmp4, $1  }
0x3b: {  	_ =	sdelay $0x3  }
.LBB1_6:
0x3c: {  	_ =	sfence.sel $0x180000  }
0x3d: {  	s2 =	simm.s32 $0x1;
	[bflag:$0x0] =	sbarrier.arrive $0xFFFF  }
0x3e: {  	s31 =	simm.s32 $0x2;
	[sflag:s2] =	ssyncpa.u1 $0x1  }
0x3f: {  	[sflag:s31] =	ssyncpa.u1 $0x1  }
0x40: {  	p0 =	sne.s32 s0, $0x0;
	_ =	strace $0x9000004A  }
0x41: {  	s0 =	sadd.s32 @!p0 $0x100000, s1;
	[bflag:$0x2] =	sbarrier.arrive $0xFFFF  }
0x42: {  	[sflag:s0] =	ssyncadd.tile.s32 @!p0 $0x1;
	_ =	shalt  }
.Lfunc_end1:
_tile_overlayer_lowered:
.L_overlay_start_2:
0x43: {  	(tag) =	ssettag $0x2  }
0x44: {  	s0 =	rddreg [dreg:$0x0];
	s2 =	stileid.u32  }
0x45: {  	s1 =	rddreg [dreg:$0x1];
	p0 =	sne.s32 s2, $0x0  }
0x46: {  	s3 =	rddreg [dreg:$0x2];
	[bflag:$0x3] =	sbarrier.arrive $0xFFFF;
	s2 =	simm.s32 @!p0 $0x1C01  }
0x47: {  	[timem:s3], [sflag:s2] =	dma.local @!p0 [hbm:s0], s1  }
0x48: {  	s0 =	simm.s32 @!p0 $0x1  }
0x49: {  	_ =	swait.ge @!p0 [sflag:s0], s1  }
0x4a: {  	s1 =	ssub.s32 @!p0 $0x0, s1;
	[sflag:s0] =	ssyncset.done @!p0 $0x0  }
0x4b: {  	[sflag:s0] =	ssyncadd.s32 @!p0 s1  }
0x4c: {  	[bflag:$0x3] =	sbarrier.arrive $0xFFFF  }
0x4d: {  	_ =	shalt  }

</sc_bundles>
